<compile_context>
chip_gen: v7x
topology: tpu7x:2x2x1
jax: 0.10.2.dev20260603
libtpu: 0.0.44.dev20260713+nightly
codegen_flags: <defaults>
</compile_context>

<pallas_src>
import functools

import jax
import jax.numpy as jnp
from jax import lax
from jax.experimental import pallas as pl
from jax.experimental.pallas import tpu as pltpu
from jax.experimental.pallas import tpu_sc as plsc

NC = 2
NS = 16
NW = NC * NS
LANES = 16
CH = 128
HID = 128
NP = 10240
N_UI = 10112
N_UU = 5120
NK_UI = 80
NK_UU = 40
RB = 1000


def _mesh():
    return plsc.VectorSubcoreMesh(core_axis_name="c", subcore_axis_name="s")


@functools.lru_cache(maxsize=None)
def _make_degrees(nk):

    def body(edges, out, srcv, dstv, hist_s, hist_d):
        cid = lax.axis_index("c")
        sid = lax.axis_index("s")
        wid = sid * NC + cid

        def fz(r, c):
            hist_s[pl.ds(r * LANES, LANES)] = jnp.zeros((LANES,), jnp.float32)
            hist_d[pl.ds(r * LANES, LANES)] = jnp.zeros((LANES,), jnp.float32)
            return c
        lax.fori_loop(0, NP // LANES, fz, 0)

        pltpu.sync_copy(edges.at[0, wid], srcv)
        pltpu.sync_copy(edges.at[1, wid], dstv)

        ones = jnp.ones((LANES,), jnp.float32)

        def step(r, c):
            for j in range(CH // LANES):
                plsc.addupdate_scatter(
                    hist_s, [srcv[r, pl.ds(j * LANES, LANES)]], ones)
                plsc.addupdate_scatter(
                    hist_d, [dstv[r, pl.ds(j * LANES, LANES)]], ones)
            return c
        lax.fori_loop(0, nk, step, 0)

        pltpu.sync_copy(hist_s, out.at[wid, 0])
        pltpu.sync_copy(hist_d, out.at[wid, 1])

    return pl.kernel(
        body,
        mesh=_mesh(),
        out_type=jax.ShapeDtypeStruct((NW, 2, NP), jnp.float32),
        compiler_params=pltpu.CompilerParams(needs_layout_passes=False),
        scratch_types=[
            pltpu.VMEM((nk, CH), jnp.int32),
            pltpu.VMEM((nk, CH), jnp.int32),
            pltpu.VMEM((NP,), jnp.float32),
            pltpu.VMEM((NP,), jnp.float32),
        ],
    )


@functools.lru_cache(maxsize=None)
def _make_scales():
    B = 1024
    nb = NP // B

    def body(c_ref, o_ref, acc_ref):
        t = pl.program_id(2)

        @pl.when(t == 0)
        def _():
            acc_ref[...] = jnp.zeros_like(acc_ref)

        acc_ref[...] += c_ref[0, 0]

        @pl.when(t == NW - 1)
        def _():
            o_ref[...] = lax.rsqrt(jnp.maximum(acc_ref[...], 1.0))[None]

    return pl.pallas_call(
        body,
        grid=(2, nb, NW),
        in_specs=[
            pl.BlockSpec((1, 1, B, 1), lambda d, j, t: (t, d, j, 0)),
        ],
        out_specs=pl.BlockSpec((1, B, 1), lambda d, j, t: (d, j, 0)),
        out_shape=jax.ShapeDtypeStruct((2, NP, 1), jnp.float32),
        scratch_shapes=[pltpu.VMEM((B, 1), jnp.float32)],
    )


def _zero_chunks(rpt):
    out, left = [], rpt
    while left > 0:
        out.append(min(left, CH))
        left -= min(left, CH)
    return out


@functools.lru_cache(maxsize=None)
def _make_aggregate():
    rpt_ui = N_UI // NS
    rpt_uu = N_UU // NS

    def body(nodef_ui, edges_ui, nodef_uu, edges_uu,
             out_ui, out_uu,
             srcv_ui, dstv_ui, srcv_uu, dstv_uu,
             rows0, acc):
        cid = lax.axis_index("c")
        sid = lax.axis_index("s")
        wid = sid * NC + cid

        for edges, srcv, dstv, nk in (
                (edges_ui, srcv_ui, dstv_ui, NK_UI),
                (edges_uu, srcv_uu, dstv_uu, NK_UU)):
            def ld(q, c, edges=edges, srcv=srcv, dstv=dstv):
                pltpu.sync_copy(edges.at[0, wid, pl.ds(q * 8, 8)],
                                srcv.at[pl.ds(q * 8, 8)])
                pltpu.sync_copy(edges.at[1, wid, pl.ds(q * 8, 8)],
                                dstv.at[pl.ds(q * 8, 8)])
                return c
            lax.fori_loop(0, nk // 8, ld, 0)

        def phase(nodef, srcv, dstv, out, rpt, nchunks):
            def fz(r, c):
                for j in range(HID // LANES):
                    rows0[r, pl.ds(j * LANES, LANES)] = jnp.zeros(
                        (LANES,), jnp.float32)
                return c
            lax.fori_loop(0, CH, fz, 0)
            off = 0
            for zc in _zero_chunks(rpt):
                pltpu.sync_copy(rows0.at[pl.ds(0, zc)],
                                acc.at[pl.ds(sid * rpt + off, zc)])
                off += zc
            plsc.subcore_barrier()

            def step(k, c):
                pltpu.sync_copy(nodef.at[srcv.at[k]], rows0)
                pltpu.sync_copy(rows0, acc.at[dstv.at[k]], add=True)
                return c
            lax.fori_loop(0, nchunks, step, 0)

            plsc.subcore_barrier()
            pltpu.sync_copy(acc.at[pl.ds(sid * rpt, rpt)],
                            out.at[cid, pl.ds(sid * rpt, rpt)])
            plsc.subcore_barrier()

        phase(nodef_ui, srcv_ui, dstv_ui, out_ui, rpt_ui, NK_UI)
        phase(nodef_uu, srcv_uu, dstv_uu, out_uu, rpt_uu, NK_UU)

    return pl.kernel(
        body,
        mesh=_mesh(),
        out_type=(jax.ShapeDtypeStruct((NC, N_UI, HID), jnp.float32),
                  jax.ShapeDtypeStruct((NC, N_UU, HID), jnp.float32)),
        compiler_params=pltpu.CompilerParams(needs_layout_passes=False),
        scratch_types=[
            pltpu.VMEM((NK_UI, CH), jnp.int32),
            pltpu.VMEM((NK_UI, CH), jnp.int32),
            pltpu.VMEM((NK_UU, CH), jnp.int32),
            pltpu.VMEM((NK_UU, CH), jnp.int32),
            pltpu.VMEM((CH, HID), jnp.float32),
            pltpu.VMEM_SHARED((N_UI, HID), jnp.float32),
        ],
    )


@functools.lru_cache(maxsize=None)
def _make_matmul_ui():

    def body(x_ref, wu_ref, wv_ref, s_ref, o_ref):
        i = pl.program_id(0)
        w = jnp.where(i < 5, wu_ref[...], wv_ref[...])
        o_ref[...] = jnp.dot(x_ref[...], w,
                             preferred_element_type=jnp.float32) * s_ref[0]

    return pl.pallas_call(
        body,
        grid=(10,),
        in_specs=[
            pl.BlockSpec((RB, HID), lambda i: (i, 0)),
            pl.BlockSpec((HID, HID), lambda i: (0, 0)),
            pl.BlockSpec((HID, HID), lambda i: (0, 0)),
            pl.BlockSpec((1, RB, 1), lambda i: (0, i, 0)),
        ],
        out_specs=pl.BlockSpec((RB, HID), lambda i: (i, 0)),
        out_shape=jax.ShapeDtypeStruct((N_UI, HID), jnp.float32),
    )


@functools.lru_cache(maxsize=None)
def _make_matmul_uu():

    def body(x_ref, w_ref, s_ref, o_ref):
        o_ref[...] = jnp.dot(x_ref[...], w_ref[...],
                             preferred_element_type=jnp.float32) * s_ref[0]

    return pl.pallas_call(
        body,
        grid=(5,),
        in_specs=[
            pl.BlockSpec((RB, HID), lambda i: (i, 0)),
            pl.BlockSpec((HID, HID), lambda i: (0, 0)),
            pl.BlockSpec((1, RB, 1), lambda i: (0, i, 0)),
        ],
        out_specs=pl.BlockSpec((RB, HID), lambda i: (i, 0)),
        out_shape=jax.ShapeDtypeStruct((N_UU, HID), jnp.float32),
    )


@functools.lru_cache(maxsize=None)
def _make_post(n_pad, n_real):
    nb = n_real // RB

    def body(a0, a1, s_ref, c_ref, emb_ref, out_ref):
        x = (a0[0] + a1[0]) * s_ref[0]
        e = jnp.where(x >= 0, x, 0.5 * x)
        emb_ref[...] = e
        n = jnp.sqrt(jnp.sum(e * e, axis=1, keepdims=True))
        out_ref[...] = c_ref[...] + e / jnp.maximum(n, 1e-12)

    return pl.pallas_call(
        body,
        grid=(nb,),
        in_specs=[
            pl.BlockSpec((1, RB, HID), lambda i: (0, i, 0)),
            pl.BlockSpec((1, RB, HID), lambda i: (1, i, 0)),
            pl.BlockSpec((1, RB, 1), lambda i: (1, i, 0)),
            pl.BlockSpec((RB, HID), lambda i: (i, 0)),
        ],
        out_specs=[
            pl.BlockSpec((RB, HID), lambda i: (i, 0)),
            pl.BlockSpec((RB, HID), lambda i: (i, 0)),
        ],
        out_shape=[
            jax.ShapeDtypeStruct((n_pad, HID), jnp.float32),
            jax.ShapeDtypeStruct((n_real, HID), jnp.float32),
        ],
    )


@functools.lru_cache(maxsize=None)
def _make_init_ui():

    def body(xu_ref, xv_ref, emb_ref, c_ref):
        i = pl.program_id(0)
        v = jnp.where(i < 5, xu_ref[...], xv_ref[...])
        emb_ref[...] = v
        c_ref[...] = v

    return pl.pallas_call(
        body,
        grid=(10,),
        in_specs=[
            pl.BlockSpec((RB, HID), lambda i: (jnp.where(i < 5, i, 0), 0)),
            pl.BlockSpec((RB, HID), lambda i: (jnp.where(i < 5, 0, i - 5), 0)),
        ],
        out_specs=[
            pl.BlockSpec((RB, HID), lambda i: (i, 0)),
            pl.BlockSpec((RB, HID), lambda i: (i, 0)),
        ],
        out_shape=[
            jax.ShapeDtypeStruct((N_UI, HID), jnp.float32),
            jax.ShapeDtypeStruct((10000, HID), jnp.float32),
        ],
    )


@functools.lru_cache(maxsize=None)
def _make_init_uu():

    def body(x_ref, o_ref):
        o_ref[...] = x_ref[...]

    return pl.pallas_call(
        body,
        grid=(5,),
        in_specs=[pl.BlockSpec((RB, HID), lambda i: (i, 0))],
        out_specs=pl.BlockSpec((RB, HID), lambda i: (i, 0)),
        out_shape=jax.ShapeDtypeStruct((N_UU, HID), jnp.float32),
    )


@functools.lru_cache(maxsize=None)
def _make_edge_prep(n_in_rows, n_out_rows, pad_idx):
    EB = 256
    nb = n_out_rows // EB

    def body(x_ref, o_ref):
        i = pl.program_id(1)
        rid = i * EB + lax.broadcasted_iota(jnp.int32, (EB, CH), 0)
        o_ref[...] = jnp.where(rid < n_in_rows, x_ref[0], pad_idx)[None]

    return pl.pallas_call(
        body,
        grid=(2, nb),
        in_specs=[pl.BlockSpec((1, EB, CH), lambda d, i: (d, i, 0))],
        out_specs=pl.BlockSpec((1, EB, CH), lambda d, i: (d, i, 0)),
        out_shape=jax.ShapeDtypeStruct((2, n_out_rows, CH), jnp.int32),
    )


def _prep_edges(ei, nk, pad_idx):
    e = ei.shape[1]
    ei = ei.astype(jnp.int32).reshape(2, e // CH, CH)
    out = _make_edge_prep(e // CH, NW * nk, pad_idx)(ei)
    return out.reshape(2, NW, nk, CH)


def kernel(user_embeddings, item_embeddings, ui_edge_index, uu_edge_index,
           ui_u_w, ui_v_w, uu_u_w):
    ui_edges = _prep_edges(ui_edge_index, NK_UI, 10000)
    uu_edges = _prep_edges(uu_edge_index, NK_UU, 5000)

    scales = _make_scales()
    deg_ui = _make_degrees(NK_UI)(ui_edges)
    deg_uu = _make_degrees(NK_UU)(uu_edges)
    sc_ui = scales(deg_ui.reshape(NW, 2, NP, 1))
    sc_uu = scales(deg_uu.reshape(NW, 2, NP, 1))

    agg = _make_aggregate()
    mm_ui = _make_matmul_ui()
    mm_uu = _make_matmul_uu()
    post_ui = _make_post(N_UI, 10000)
    post_uu = _make_post(N_UU, 5000)

    emb_ui0, carry_ui0 = _make_init_ui()(user_embeddings, item_embeddings)
    emb_uu0 = _make_init_uu()(user_embeddings)

    def layer(c, ws):
        emb_ui, carry_ui, emb_uu, carry_uu = c
        wu, wv, wuu = ws
        nodef_ui = mm_ui(emb_ui, wu, wv, sc_ui)
        nodef_uu = mm_uu(emb_uu, wuu, sc_uu)
        parts_ui, parts_uu = agg(nodef_ui, ui_edges, nodef_uu, uu_edges)
        emb_ui, carry_ui = post_ui(parts_ui, parts_ui, sc_ui, carry_ui)
        emb_uu, carry_uu = post_uu(parts_uu, parts_uu, sc_uu, carry_uu)
        return (emb_ui, carry_ui, emb_uu, carry_uu), None

    c0 = (emb_ui0, carry_ui0, emb_uu0, user_embeddings)
    (_, carry_ui, _, carry_uu), _ = lax.scan(
        layer, c0, (ui_u_w, ui_v_w, uu_u_w))

    return carry_ui, carry_uu

# --- scband reference (transcript-rebuilt; emitter-appended) ---
"""Pipeline reference for scband-gcnmodel-21388937134273 (READ-ONLY COPY).

The authoritative reference and input builder live on the scoring server;
editing this copy changes nothing except your own understanding.
"""

import jax, jax.numpy as jnp
import numpy as np

N_USER = 5000
N_ITEM = 5000
N_HID = 128
N_LAYERS = 2
S_LAYERS = 2
E_UI = 320000
E_UU = 160000


def _xavier_uniform(key, shape):
    limit = float(np.sqrt(6.0 / (shape[-2] + shape[-1])))
    return jax.random.uniform(key, shape, dtype=jnp.float32, minval=-limit, maxval=limit)


def setup_inputs(seed: int = 0) -> dict:
    key = jax.random.key(seed)
    ks = jax.random.split(key, 8)
    user_embeddings = jax.random.normal(ks[0], (N_USER, N_HID), dtype=jnp.float32)
    item_embeddings = jax.random.normal(ks[1], (N_ITEM, N_HID), dtype=jnp.float32)
    ui_edge_index = jax.random.randint(ks[2], (2, E_UI), 0, N_USER + N_ITEM)
    uu_edge_index = jax.random.randint(ks[3], (2, E_UU), 0, N_USER)
    ui_u_w = _xavier_uniform(ks[4], (N_LAYERS, N_HID, N_HID))
    ui_v_w = _xavier_uniform(ks[5], (N_LAYERS, N_HID, N_HID))
    uu_u_w = _xavier_uniform(ks[6], (S_LAYERS, N_HID, N_HID))
    return {
        'user_embeddings': user_embeddings,
        'item_embeddings': item_embeddings,
        'ui_edge_index': ui_edge_index,
        'uu_edge_index': uu_edge_index,
        'ui_u_w': ui_u_w,
        'ui_v_w': ui_v_w,
        'uu_u_w': uu_u_w,
    }


def _gcn_propagate(edge_index, node_f, n_nodes):
    src = edge_index[0]
    dst = edge_index[1]
    out_deg = jnp.clip(jnp.bincount(src, length=n_nodes).astype(jnp.float32), 1.0)
    node_f = node_f * (out_deg ** -0.5)[:, None]
    agg = jnp.zeros_like(node_f).at[dst].add(node_f[src])
    in_deg = jnp.clip(jnp.bincount(dst, length=n_nodes).astype(jnp.float32), 1.0)
    rst = agg * (in_deg ** -0.5)[:, None]
    return jax.nn.leaky_relu(rst, 0.5)


def _l2_normalize(x):
    return x / jnp.maximum(jnp.linalg.norm(x, axis=1, keepdims=True), 1e-12)


def reference(user_embeddings, item_embeddings, ui_edge_index, uu_edge_index, ui_u_w, ui_v_w, uu_u_w):
    n_total = N_USER + N_ITEM
    init_embeddings = jnp.concatenate([user_embeddings, item_embeddings], axis=0)
    all_embeddings = [init_embeddings]
    emb = None
    for i in range(N_LAYERS):
        if i == 0:
            u_f, v_f = user_embeddings, item_embeddings
        else:
            u_f, v_f = emb[:N_USER], emb[N_USER:]
        u_f = u_f @ ui_u_w[i]
        v_f = v_f @ ui_v_w[i]
        node_f = jnp.concatenate([u_f, v_f], axis=0)
        emb = _gcn_propagate(ui_edge_index, node_f, n_total)
        all_embeddings.append(_l2_normalize(emb))
    ui_embeddings = sum(all_embeddings)
    all_uu_embeddings = [user_embeddings]
    emb = None
    for i in range(S_LAYERS):
        u_f = user_embeddings if i == 0 else emb
        u_f = u_f @ uu_u_w[i]
        emb = _gcn_propagate(uu_edge_index, u_f, N_USER)
        all_uu_embeddings.append(_l2_normalize(emb))
    uu_embeddings = sum(all_uu_embeddings)
    return (ui_embeddings, uu_embeddings)

if __name__ == "__main__":
    import jax
    _d = setup_inputs()
    print(jax.jit(kernel)(*tuple(_d.values())))

</pallas_src>

<mosaic_0001>
#map = affine_map<(d0, d1) -> (0, 0, 0, 0)>
#map1 = affine_map<(d0, d1) -> (0, 0, 0)>
module attributes {stable_mosaic.version = 14 : i64} {
  func.func @body(%arg0: i32, %arg1: i32, %arg2: memref<2x32x80x128xi32, #tpu.memory_space<hbm>>, %arg3: memref<32x2x10240xf32, #tpu.memory_space<hbm>>, %arg4: memref<80x128xi32, #tpu.memory_space<vmem>>, %arg5: memref<80x128xi32, #tpu.memory_space<vmem>>, %arg6: memref<10240xf32, #tpu.memory_space<vmem>>, %arg7: memref<10240xf32, #tpu.memory_space<vmem>>) attributes {dimension_semantics = [#tpu.dimension_semantics<core_parallel>, #tpu.dimension_semantics<subcore_parallel>], iteration_bounds = array<i64: 2, 16>, scalar_prefetch = 0 : i64, scratch_operands = 4 : i64, tpu.core_type = #tpu.core_type<sc_vector_subcore>, window_params = [{transform_indices = #map}, {transform_indices = #map1}]} {
    %mul3A = arith.constant 2 : i32
    %mul3A_0 = arith.muli %arg1, %mul3A : i32
    %add3A = arith.addi %mul3A_0, %arg0 : i32
    %scan3A = arith.constant 0 : i32
    %scan3A_1 = arith.constant 0 : i32
    %scan3A_2 = arith.constant 640 : i32
    %scan3A_3 = arith.addi %scan3A_1, %scan3A_2 : i32
    %scan3A_4 = arith.constant 1 : i32
    scf.for %scan3A_16 = %scan3A_1 to %scan3A_3 step %scan3A_4  : i32 {
      %broadcast_in_dim3A_17 = arith.constant 0.000000e+00 : f32
      %broadcast_in_dim3A_18 = vector.broadcast %broadcast_in_dim3A_17 : f32 to vector<16xf32>
      %mul3A_19 = arith.constant 16 : i32
      %mul3A_20 = arith.muli %scan3A_16, %mul3A_19 : i32
      %swap3A = arith.index_cast %mul3A_20 : i32 to index
      %swap3A_21 = tpu.vector_load %arg6[%swap3A] {strides = array<i32>} : memref<10240xf32, #tpu.memory_space<vmem>>, vector<16xf32>,
      tpu.vector_store %arg6[%swap3A], %broadcast_in_dim3A_18 {strides = array<i32>} : memref<10240xf32, #tpu.memory_space<vmem>>, vector<16xf32>,
      %broadcast_in_dim3A_22 = arith.constant 0.000000e+00 : f32
      %broadcast_in_dim3A_23 = vector.broadcast %broadcast_in_dim3A_22 : f32 to vector<16xf32>
      %mul3A_24 = arith.constant 16 : i32
      %mul3A_25 = arith.muli %scan3A_16, %mul3A_24 : i32
      %swap3A_26 = arith.index_cast %mul3A_25 : i32 to index
      %swap3A_27 = tpu.vector_load %arg7[%swap3A_26] {strides = array<i32>} : memref<10240xf32, #tpu.memory_space<vmem>>, vector<16xf32>,
      tpu.vector_store %arg7[%swap3A_26], %broadcast_in_dim3A_23 {strides = array<i32>} : memref<10240xf32, #tpu.memory_space<vmem>>, vector<16xf32>,
    }
    %scan3A_5 = arith.constant 640 : i32
    %run_scoped3A = arith.constant 0 : i32
    "tpu.region"() ({
      %run_scoped3A_16 = tpu.sem_alloc : memref<!tpu.dma_semaphore, #tpu.memory_space<semaphore_mem>>
      %dma_start3A = arith.constant 0 : i32
      %dma_start3A_17 = arith.constant 0 : i32
      %dma_start3A_18 = tpu.memref_slice %arg2[%run_scoped3A, %add3A, %dma_start3A, %dma_start3A_17] : memref<2x32x80x128xi32, #tpu.memory_space<hbm>> -> memref<1x1x80x128xi32, #tpu.memory_space<hbm>>
      %dma_start3A_19 = tpu.memref_squeeze %dma_start3A_18 : memref<1x1x80x128xi32, #tpu.memory_space<hbm>> -> memref<80x128xi32, #tpu.memory_space<hbm>>
      %dma_start3A_20 = arith.constant 0 : i32
      %dma_start3A_21 = arith.constant 0 : i32
      %dma_start3A_22 = tpu.memref_slice %arg2[%run_scoped3A, %add3A, %dma_start3A_20, %dma_start3A_21] : memref<2x32x80x128xi32, #tpu.memory_space<hbm>> -> memref<1x1x80x128xi32, #tpu.memory_space<hbm>>
      %dma_start3A_23 = tpu.memref_squeeze %dma_start3A_22 : memref<1x1x80x128xi32, #tpu.memory_space<hbm>> -> memref<80x128xi32, #tpu.memory_space<hbm>>
      tpu.enqueue_dma source(%dma_start3A_23 : memref<80x128xi32, #tpu.memory_space<hbm>>) target(%arg4 : memref<80x128xi32, #tpu.memory_space<vmem>>) target_semaphore(%run_scoped3A_16 : memref<!tpu.dma_semaphore, #tpu.memory_space<semaphore_mem>>)
      %dma_wait3A = arith.constant 0 : i32
      %dma_wait3A_24 = arith.constant 0 : i32
      %dma_wait3A_25 = tpu.memref_slice %arg2[%run_scoped3A, %add3A, %dma_wait3A, %dma_wait3A_24] : memref<2x32x80x128xi32, #tpu.memory_space<hbm>> -> memref<1x1x80x128xi32, #tpu.memory_space<hbm>>
      %dma_wait3A_26 = tpu.memref_squeeze %dma_wait3A_25 : memref<1x1x80x128xi32, #tpu.memory_space<hbm>> -> memref<80x128xi32, #tpu.memory_space<hbm>>
      %dma_wait3A_27 = arith.constant 0 : i32
      %dma_wait3A_28 = arith.constant 0 : i32
      %dma_wait3A_29 = tpu.memref_slice %arg2[%run_scoped3A, %add3A, %dma_wait3A_27, %dma_wait3A_28] : memref<2x32x80x128xi32, #tpu.memory_space<hbm>> -> memref<1x1x80x128xi32, #tpu.memory_space<hbm>>
      %dma_wait3A_30 = tpu.memref_squeeze %dma_wait3A_29 : memref<1x1x80x128xi32, #tpu.memory_space<hbm>> -> memref<80x128xi32, #tpu.memory_space<hbm>>
      tpu.wait_dma2 semaphore(%run_scoped3A_16 : memref<!tpu.dma_semaphore, #tpu.memory_space<semaphore_mem>>) src(%dma_wait3A_30 : memref<80x128xi32, #tpu.memory_space<hbm>>) dst(%arg4 : memref<80x128xi32, #tpu.memory_space<vmem>>)
      tpu.yield
    }) : () -> ()
    %run_scoped3A_6 = arith.constant 1 : i32
    "tpu.region"() ({
      %run_scoped3A_16 = tpu.sem_alloc : memref<!tpu.dma_semaphore, #tpu.memory_space<semaphore_mem>>
      %dma_start3A = arith.constant 0 : i32
      %dma_start3A_17 = arith.constant 0 : i32
      %dma_start3A_18 = tpu.memref_slice %arg2[%run_scoped3A_6, %add3A, %dma_start3A, %dma_start3A_17] : memref<2x32x80x128xi32, #tpu.memory_space<hbm>> -> memref<1x1x80x128xi32, #tpu.memory_space<hbm>>
      %dma_start3A_19 = tpu.memref_squeeze %dma_start3A_18 : memref<1x1x80x128xi32, #tpu.memory_space<hbm>> -> memref<80x128xi32, #tpu.memory_space<hbm>>
      %dma_start3A_20 = arith.constant 0 : i32
      %dma_start3A_21 = arith.constant 0 : i32
      %dma_start3A_22 = tpu.memref_slice %arg2[%run_scoped3A_6, %add3A, %dma_start3A_20, %dma_start3A_21] : memref<2x32x80x128xi32, #tpu.memory_space<hbm>> -> memref<1x1x80x128xi32, #tpu.memory_space<hbm>>
      %dma_start3A_23 = tpu.memref_squeeze %dma_start3A_22 : memref<1x1x80x128xi32, #tpu.memory_space<hbm>> -> memref<80x128xi32, #tpu.memory_space<hbm>>
      tpu.enqueue_dma source(%dma_start3A_23 : memref<80x128xi32, #tpu.memory_space<hbm>>) target(%arg5 : memref<80x128xi32, #tpu.memory_space<vmem>>) target_semaphore(%run_scoped3A_16 : memref<!tpu.dma_semaphore, #tpu.memory_space<semaphore_mem>>)
      %dma_wait3A = arith.constant 0 : i32
      %dma_wait3A_24 = arith.constant 0 : i32
      %dma_wait3A_25 = tpu.memref_slice %arg2[%run_scoped3A_6, %add3A, %dma_wait3A, %dma_wait3A_24] : memref<2x32x80x128xi32, #tpu.memory_space<hbm>> -> memref<1x1x80x128xi32, #tpu.memory_space<hbm>>
      %dma_wait3A_26 = tpu.memref_squeeze %dma_wait3A_25 : memref<1x1x80x128xi32, #tpu.memory_space<hbm>> -> memref<80x128xi32, #tpu.memory_space<hbm>>
      %dma_wait3A_27 = arith.constant 0 : i32
      %dma_wait3A_28 = arith.constant 0 : i32
      %dma_wait3A_29 = tpu.memref_slice %arg2[%run_scoped3A_6, %add3A, %dma_wait3A_27, %dma_wait3A_28] : memref<2x32x80x128xi32, #tpu.memory_space<hbm>> -> memref<1x1x80x128xi32, #tpu.memory_space<hbm>>
      %dma_wait3A_30 = tpu.memref_squeeze %dma_wait3A_29 : memref<1x1x80x128xi32, #tpu.memory_space<hbm>> -> memref<80x128xi32, #tpu.memory_space<hbm>>
      tpu.wait_dma2 semaphore(%run_scoped3A_16 : memref<!tpu.dma_semaphore, #tpu.memory_space<semaphore_mem>>) src(%dma_wait3A_30 : memref<80x128xi32, #tpu.memory_space<hbm>>) dst(%arg5 : memref<80x128xi32, #tpu.memory_space<vmem>>)
      tpu.yield
    }) : () -> ()
    %broadcast_in_dim3A = arith.constant 1.000000e+00 : f32
    %broadcast_in_dim3A_7 = vector.broadcast %broadcast_in_dim3A : f32 to vector<16xf32>
    %scan3A_8 = arith.constant 0 : i32
    %scan3A_9 = arith.constant 0 : i32
    %scan3A_10 = arith.constant 80 : i32
    %scan3A_11 = arith.addi %scan3A_9, %scan3A_10 : i32
    %scan3A_12 = arith.constant 1 : i32
    scf.for %scan3A_16 = %scan3A_9 to %scan3A_11 step %scan3A_12  : i32 {
      %get3A = arith.index_cast %scan3A_16 : i32 to index
      %get3A_17 = arith.constant 0 : index
      %get3A_18 = tpu.vector_load %arg4[%get3A, %get3A_17] {strides = array<i32>} : memref<80x128xi32, #tpu.memory_space<vmem>>, vector<16xi32>,
      tpu.vector_store_idx %arg6[%get3A_18], %broadcast_in_dim3A_7 {add = true} : memref<10240xf32, #tpu.memory_space<vmem>>[vector<16xi32>], vector<16xf32>,
      %get3A_19 = arith.index_cast %scan3A_16 : i32 to index
      %get3A_20 = arith.constant 0 : index
      %get3A_21 = tpu.vector_load %arg5[%get3A_19, %get3A_20] {strides = array<i32>} : memref<80x128xi32, #tpu.memory_space<vmem>>, vector<16xi32>,
      tpu.vector_store_idx %arg7[%get3A_21], %broadcast_in_dim3A_7 {add = true} : memref<10240xf32, #tpu.memory_space<vmem>>[vector<16xi32>], vector<16xf32>,
      %get3A_22 = arith.index_cast %scan3A_16 : i32 to index
      %get3A_23 = arith.constant 16 : index
      %get3A_24 = tpu.vector_load %arg4[%get3A_22, %get3A_23] {strides = array<i32>} : memref<80x128xi32, #tpu.memory_space<vmem>>, vector<16xi32>,
      tpu.vector_store_idx %arg6[%get3A_24], %broadcast_in_dim3A_7 {add = true} : memref<10240xf32, #tpu.memory_space<vmem>>[vector<16xi32>], vector<16xf32>,
      %get3A_25 = arith.index_cast %scan3A_16 : i32 to index
      %get3A_26 = arith.constant 16 : index
      %get3A_27 = tpu.vector_load %arg5[%get3A_25, %get3A_26] {strides = array<i32>} : memref<80x128xi32, #tpu.memory_space<vmem>>, vector<16xi32>,
      tpu.vector_store_idx %arg7[%get3A_27], %broadcast_in_dim3A_7 {add = true} : memref<10240xf32, #tpu.memory_space<vmem>>[vector<16xi32>], vector<16xf32>,
      %get3A_28 = arith.index_cast %scan3A_16 : i32 to index
      %get3A_29 = arith.constant 32 : index
      %get3A_30 = tpu.vector_load %arg4[%get3A_28, %get3A_29] {strides = array<i32>} : memref<80x128xi32, #tpu.memory_space<vmem>>, vector<16xi32>,
      tpu.vector_store_idx %arg6[%get3A_30], %broadcast_in_dim3A_7 {add = true} : memref<10240xf32, #tpu.memory_space<vmem>>[vector<16xi32>], vector<16xf32>,
      %get3A_31 = arith.index_cast %scan3A_16 : i32 to index
      %get3A_32 = arith.constant 32 : index
      %get3A_33 = tpu.vector_load %arg5[%get3A_31, %get3A_32] {strides = array<i32>} : memref<80x128xi32, #tpu.memory_space<vmem>>, vector<16xi32>,
      tpu.vector_store_idx %arg7[%get3A_33], %broadcast_in_dim3A_7 {add = true} : memref<10240xf32, #tpu.memory_space<vmem>>[vector<16xi32>], vector<16xf32>,
      %get3A_34 = arith.index_cast %scan3A_16 : i32 to index
      %get3A_35 = arith.constant 48 : index
      %get3A_36 = tpu.vector_load %arg4[%get3A_34, %get3A_35] {strides = array<i32>} : memref<80x128xi32, #tpu.memory_space<vmem>>, vector<16xi32>,
      tpu.vector_store_idx %arg6[%get3A_36], %broadcast_in_dim3A_7 {add = true} : memref<10240xf32, #tpu.memory_space<vmem>>[vector<16xi32>], vector<16xf32>,
      %get3A_37 = arith.index_cast %scan3A_16 : i32 to index
      %get3A_38 = arith.constant 48 : index
      %get3A_39 = tpu.vector_load %arg5[%get3A_37, %get3A_38] {strides = array<i32>} : memref<80x128xi32, #tpu.memory_space<vmem>>, vector<16xi32>,
      tpu.vector_store_idx %arg7[%get3A_39], %broadcast_in_dim3A_7 {add = true} : memref<10240xf32, #tpu.memory_space<vmem>>[vector<16xi32>], vector<16xf32>,
      %get3A_40 = arith.index_cast %scan3A_16 : i32 to index
      %get3A_41 = arith.constant 64 : index
      %get3A_42 = tpu.vector_load %arg4[%get3A_40, %get3A_41] {strides = array<i32>} : memref<80x128xi32, #tpu.memory_space<vmem>>, vector<16xi32>,
      tpu.vector_store_idx %arg6[%get3A_42], %broadcast_in_dim3A_7 {add = true} : memref<10240xf32, #tpu.memory_space<vmem>>[vector<16xi32>], vector<16xf32>,
      %get3A_43 = arith.index_cast %scan3A_16 : i32 to index
      %get3A_44 = arith.constant 64 : index
      %get3A_45 = tpu.vector_load %arg5[%get3A_43, %get3A_44] {strides = array<i32>} : memref<80x128xi32, #tpu.memory_space<vmem>>, vector<16xi32>,
      tpu.vector_store_idx %arg7[%get3A_45], %broadcast_in_dim3A_7 {add = true} : memref<10240xf32, #tpu.memory_space<vmem>>[vector<16xi32>], vector<16xf32>,
      %get3A_46 = arith.index_cast %scan3A_16 : i32 to index
      %get3A_47 = arith.constant 80 : index
      %get3A_48 = tpu.vector_load %arg4[%get3A_46, %get3A_47] {strides = array<i32>} : memref<80x128xi32, #tpu.memory_space<vmem>>, vector<16xi32>,
      tpu.vector_store_idx %arg6[%get3A_48], %broadcast_in_dim3A_7 {add = true} : memref<10240xf32, #tpu.memory_space<vmem>>[vector<16xi32>], vector<16xf32>,
      %get3A_49 = arith.index_cast %scan3A_16 : i32 to index
      %get3A_50 = arith.constant 80 : index
      %get3A_51 = tpu.vector_load %arg5[%get3A_49, %get3A_50] {strides = array<i32>} : memref<80x128xi32, #tpu.memory_space<vmem>>, vector<16xi32>,
      tpu.vector_store_idx %arg7[%get3A_51], %broadcast_in_dim3A_7 {add = true} : memref<10240xf32, #tpu.memory_space<vmem>>[vector<16xi32>], vector<16xf32>,
      %get3A_52 = arith.index_cast %scan3A_16 : i32 to index
      %get3A_53 = arith.constant 96 : index
      %get3A_54 = tpu.vector_load %arg4[%get3A_52, %get3A_53] {strides = array<i32>} : memref<80x128xi32, #tpu.memory_space<vmem>>, vector<16xi32>,
      tpu.vector_store_idx %arg6[%get3A_54], %broadcast_in_dim3A_7 {add = true} : memref<10240xf32, #tpu.memory_space<vmem>>[vector<16xi32>], vector<16xf32>,
      %get3A_55 = arith.index_cast %scan3A_16 : i32 to index
      %get3A_56 = arith.constant 96 : index
      %get3A_57 = tpu.vector_load %arg5[%get3A_55, %get3A_56] {strides = array<i32>} : memref<80x128xi32, #tpu.memory_space<vmem>>, vector<16xi32>,
      tpu.vector_store_idx %arg7[%get3A_57], %broadcast_in_dim3A_7 {add = true} : memref<10240xf32, #tpu.memory_space<vmem>>[vector<16xi32>], vector<16xf32>,
      %get3A_58 = arith.index_cast %scan3A_16 : i32 to index
      %get3A_59 = arith.constant 112 : index
      %get3A_60 = tpu.vector_load %arg4[%get3A_58, %get3A_59] {strides = array<i32>} : memref<80x128xi32, #tpu.memory_space<vmem>>, vector<16xi32>,
      tpu.vector_store_idx %arg6[%get3A_60], %broadcast_in_dim3A_7 {add = true} : memref<10240xf32, #tpu.memory_space<vmem>>[vector<16xi32>], vector<16xf32>,
      %get3A_61 = arith.index_cast %scan3A_16 : i32 to index
      %get3A_62 = arith.constant 112 : index
      %get3A_63 = tpu.vector_load %arg5[%get3A_61, %get3A_62] {strides = array<i32>} : memref<80x128xi32, #tpu.memory_space<vmem>>, vector<16xi32>,
      tpu.vector_store_idx %arg7[%get3A_63], %broadcast_in_dim3A_7 {add = true} : memref<10240xf32, #tpu.memory_space<vmem>>[vector<16xi32>], vector<16xf32>,
    }
    %scan3A_13 = arith.constant 80 : i32
    %run_scoped3A_14 = arith.constant 0 : i32
    "tpu.region"() ({
      %run_scoped3A_16 = tpu.sem_alloc : memref<!tpu.dma_semaphore, #tpu.memory_space<semaphore_mem>>
      %dma_start3A = arith.constant 0 : i32
      %dma_start3A_17 = tpu.memref_slice %arg3[%add3A, %run_scoped3A_14, %dma_start3A] : memref<32x2x10240xf32, #tpu.memory_space<hbm>> -> memref<1x1x10240xf32, #tpu.memory_space<hbm>>
      %dma_start3A_18 = tpu.memref_squeeze %dma_start3A_17 : memref<1x1x10240xf32, #tpu.memory_space<hbm>> -> memref<10240xf32, #tpu.memory_space<hbm>>
      %dma_start3A_19 = arith.constant 0 : i32
      %dma_start3A_20 = tpu.memref_slice %arg3[%add3A, %run_scoped3A_14, %dma_start3A_19] : memref<32x2x10240xf32, #tpu.memory_space<hbm>> -> memref<1x1x10240xf32, #tpu.memory_space<hbm>>
      %dma_start3A_21 = tpu.memref_squeeze %dma_start3A_20 : memref<1x1x10240xf32, #tpu.memory_space<hbm>> -> memref<10240xf32, #tpu.memory_space<hbm>>
      tpu.enqueue_dma source(%arg6 : memref<10240xf32, #tpu.memory_space<vmem>>) target(%dma_start3A_21 : memref<10240xf32, #tpu.memory_space<hbm>>) target_semaphore(%run_scoped3A_16 : memref<!tpu.dma_semaphore, #tpu.memory_space<semaphore_mem>>)
      %dma_wait3A = arith.constant 0 : i32
      %dma_wait3A_22 = tpu.memref_slice %arg3[%add3A, %run_scoped3A_14, %dma_wait3A] : memref<32x2x10240xf32, #tpu.memory_space<hbm>> -> memref<1x1x10240xf32, #tpu.memory_space<hbm>>
      %dma_wait3A_23 = tpu.memref_squeeze %dma_wait3A_22 : memref<1x1x10240xf32, #tpu.memory_space<hbm>> -> memref<10240xf32, #tpu.memory_space<hbm>>
      %dma_wait3A_24 = arith.constant 0 : i32
      %dma_wait3A_25 = tpu.memref_slice %arg3[%add3A, %run_scoped3A_14, %dma_wait3A_24] : memref<32x2x10240xf32, #tpu.memory_space<hbm>> -> memref<1x1x10240xf32, #tpu.memory_space<hbm>>
      %dma_wait3A_26 = tpu.memref_squeeze %dma_wait3A_25 : memref<1x1x10240xf32, #tpu.memory_space<hbm>> -> memref<10240xf32, #tpu.memory_space<hbm>>
      tpu.wait_dma2 semaphore(%run_scoped3A_16 : memref<!tpu.dma_semaphore, #tpu.memory_space<semaphore_mem>>) src(%arg6 : memref<10240xf32, #tpu.memory_space<vmem>>) dst(%dma_wait3A_26 : memref<10240xf32, #tpu.memory_space<hbm>>)
      tpu.yield
    }) : () -> ()
    %run_scoped3A_15 = arith.constant 1 : i32
    "tpu.region"() ({
      %run_scoped3A_16 = tpu.sem_alloc : memref<!tpu.dma_semaphore, #tpu.memory_space<semaphore_mem>>
      %dma_start3A = arith.constant 0 : i32
      %dma_start3A_17 = tpu.memref_slice %arg3[%add3A, %run_scoped3A_15, %dma_start3A] : memref<32x2x10240xf32, #tpu.memory_space<hbm>> -> memref<1x1x10240xf32, #tpu.memory_space<hbm>>
      %dma_start3A_18 = tpu.memref_squeeze %dma_start3A_17 : memref<1x1x10240xf32, #tpu.memory_space<hbm>> -> memref<10240xf32, #tpu.memory_space<hbm>>
      %dma_start3A_19 = arith.constant 0 : i32
      %dma_start3A_20 = tpu.memref_slice %arg3[%add3A, %run_scoped3A_15, %dma_start3A_19] : memref<32x2x10240xf32, #tpu.memory_space<hbm>> -> memref<1x1x10240xf32, #tpu.memory_space<hbm>>
      %dma_start3A_21 = tpu.memref_squeeze %dma_start3A_20 : memref<1x1x10240xf32, #tpu.memory_space<hbm>> -> memref<10240xf32, #tpu.memory_space<hbm>>
      tpu.enqueue_dma source(%arg7 : memref<10240xf32, #tpu.memory_space<vmem>>) target(%dma_start3A_21 : memref<10240xf32, #tpu.memory_space<hbm>>) target_semaphore(%run_scoped3A_16 : memref<!tpu.dma_semaphore, #tpu.memory_space<semaphore_mem>>)
      %dma_wait3A = arith.constant 0 : i32
      %dma_wait3A_22 = tpu.memref_slice %arg3[%add3A, %run_scoped3A_15, %dma_wait3A] : memref<32x2x10240xf32, #tpu.memory_space<hbm>> -> memref<1x1x10240xf32, #tpu.memory_space<hbm>>
      %dma_wait3A_23 = tpu.memref_squeeze %dma_wait3A_22 : memref<1x1x10240xf32, #tpu.memory_space<hbm>> -> memref<10240xf32, #tpu.memory_space<hbm>>
      %dma_wait3A_24 = arith.constant 0 : i32
      %dma_wait3A_25 = tpu.memref_slice %arg3[%add3A, %run_scoped3A_15, %dma_wait3A_24] : memref<32x2x10240xf32, #tpu.memory_space<hbm>> -> memref<1x1x10240xf32, #tpu.memory_space<hbm>>
      %dma_wait3A_26 = tpu.memref_squeeze %dma_wait3A_25 : memref<1x1x10240xf32, #tpu.memory_space<hbm>> -> memref<10240xf32, #tpu.memory_space<hbm>>
      tpu.wait_dma2 semaphore(%run_scoped3A_16 : memref<!tpu.dma_semaphore, #tpu.memory_space<semaphore_mem>>) src(%arg7 : memref<10240xf32, #tpu.memory_space<vmem>>) dst(%dma_wait3A_26 : memref<10240xf32, #tpu.memory_space<hbm>>)
      tpu.yield
    }) : () -> ()
    return
  }
}

#map = affine_map<(d0, d1) -> (0, 0)>
#map1 = affine_map<(d0, d1) -> (0, 0, 0, 0)>
#map2 = affine_map<(d0, d1) -> (0, 0, 0)>
module attributes {stable_mosaic.version = 14 : i64} {
  func.func @body(%arg0: i32, %arg1: i32, %arg2: memref<10112x128xf32, #tpu.memory_space<hbm>>, %arg3: memref<2x32x80x128xi32, #tpu.memory_space<hbm>>, %arg4: memref<5120x128xf32, #tpu.memory_space<hbm>>, %arg5: memref<2x32x40x128xi32, #tpu.memory_space<hbm>>, %arg6: memref<2x10112x128xf32, #tpu.memory_space<hbm>>, %arg7: memref<2x5120x128xf32, #tpu.memory_space<hbm>>, %arg8: memref<80x128xi32, #tpu.memory_space<vmem>>, %arg9: memref<80x128xi32, #tpu.memory_space<vmem>>, %arg10: memref<40x128xi32, #tpu.memory_space<vmem>>, %arg11: memref<40x128xi32, #tpu.memory_space<vmem>>, %arg12: memref<128x128xf32, #tpu.memory_space<vmem>>, %arg13: memref<10112x128xf32, #tpu.memory_space<vmem_shared>>) attributes {dimension_semantics = [#tpu.dimension_semantics<core_parallel>, #tpu.dimension_semantics<subcore_parallel>], iteration_bounds = array<i64: 2, 16>, scalar_prefetch = 0 : i64, scratch_operands = 6 : i64, tpu.core_type = #tpu.core_type<sc_vector_subcore>, window_params = [{transform_indices = #map}, {transform_indices = #map1}, {transform_indices = #map}, {transform_indices = #map1}, {transform_indices = #map2}, {transform_indices = #map2}]} {
    %mul3A = arith.constant 2 : i32
    %mul3A_0 = arith.muli %arg1, %mul3A : i32
    %add3A = arith.addi %mul3A_0, %arg0 : i32
    %scan3A = arith.constant 0 : i32
    %scan3A_1 = arith.constant 0 : i32
    %scan3A_2 = arith.constant 10 : i32
    %scan3A_3 = arith.addi %scan3A_1, %scan3A_2 : i32
    %scan3A_4 = arith.constant 1 : i32
    scf.for %scan3A_81 = %scan3A_1 to %scan3A_3 step %scan3A_4  : i32 {
      %mul3A_82 = arith.constant 8 : i32
      %mul3A_83 = arith.muli %scan3A_81, %mul3A_82 : i32
      %mul3A_84 = arith.constant 8 : i32
      %mul3A_85 = arith.muli %scan3A_81, %mul3A_84 : i32
      %run_scoped3A = arith.constant 0 : i32
      "tpu.region"() ({
        %run_scoped3A_91 = tpu.sem_alloc : memref<!tpu.dma_semaphore, #tpu.memory_space<semaphore_mem>>
        %dma_start3A = arith.constant 0 : i32
        %dma_start3A_92 = tpu.memref_slice %arg8[%mul3A_85, %dma_start3A] : memref<80x128xi32, #tpu.memory_space<vmem>> -> memref<8x128xi32, #tpu.memory_space<vmem>>
        %dma_start3A_93 = arith.constant 0 : i32
        %dma_start3A_94 = tpu.memref_slice %arg3[%run_scoped3A, %add3A, %mul3A_83, %dma_start3A_93] : memref<2x32x80x128xi32, #tpu.memory_space<hbm>> -> memref<1x1x8x128xi32, #tpu.memory_space<hbm>>
        %dma_start3A_95 = tpu.memref_squeeze %dma_start3A_94 : memref<1x1x8x128xi32, #tpu.memory_space<hbm>> -> memref<8x128xi32, #tpu.memory_space<hbm>>
        %dma_start3A_96 = arith.constant 0 : i32
        %dma_start3A_97 = tpu.memref_slice %arg8[%mul3A_85, %dma_start3A_96] : memref<80x128xi32, #tpu.memory_space<vmem>> -> memref<8x128xi32, #tpu.memory_space<vmem>>
        %dma_start3A_98 = arith.constant 0 : i32
        %dma_start3A_99 = tpu.memref_slice %arg3[%run_scoped3A, %add3A, %mul3A_83, %dma_start3A_98] : memref<2x32x80x128xi32, #tpu.memory_space<hbm>> -> memref<1x1x8x128xi32, #tpu.memory_space<hbm>>
        %dma_start3A_100 = tpu.memref_squeeze %dma_start3A_99 : memref<1x1x8x128xi32, #tpu.memory_space<hbm>> -> memref<8x128xi32, #tpu.memory_space<hbm>>
        tpu.enqueue_dma source(%dma_start3A_100 : memref<8x128xi32, #tpu.memory_space<hbm>>) target(%dma_start3A_97 : memref<8x128xi32, #tpu.memory_space<vmem>>) target_semaphore(%run_scoped3A_91 : memref<!tpu.dma_semaphore, #tpu.memory_space<semaphore_mem>>)
        %dma_wait3A = arith.constant 0 : i32
        %dma_wait3A_101 = tpu.memref_slice %arg8[%mul3A_85, %dma_wait3A] : memref<80x128xi32, #tpu.memory_space<vmem>> -> memref<8x128xi32, #tpu.memory_space<vmem>>
        %dma_wait3A_102 = arith.constant 0 : i32
        %dma_wait3A_103 = tpu.memref_slice %arg3[%run_scoped3A, %add3A, %mul3A_83, %dma_wait3A_102] : memref<2x32x80x128xi32, #tpu.memory_space<hbm>> -> memref<1x1x8x128xi32, #tpu.memory_space<hbm>>
        %dma_wait3A_104 = tpu.memref_squeeze %dma_wait3A_103 : memref<1x1x8x128xi32, #tpu.memory_space<hbm>> -> memref<8x128xi32, #tpu.memory_space<hbm>>
        %dma_wait3A_105 = arith.constant 0 : i32
        %dma_wait3A_106 = tpu.memref_slice %arg8[%mul3A_85, %dma_wait3A_105] : memref<80x128xi32, #tpu.memory_space<vmem>> -> memref<8x128xi32, #tpu.memory_space<vmem>>
        %dma_wait3A_107 = arith.constant 0 : i32
        %dma_wait3A_108 = tpu.memref_slice %arg3[%run_scoped3A, %add3A, %mul3A_83, %dma_wait3A_107] : memref<2x32x80x128xi32, #tpu.memory_space<hbm>> -> memref<1x1x8x128xi32, #tpu.memory_space<hbm>>
        %dma_wait3A_109 = tpu.memref_squeeze %dma_wait3A_108 : memref<1x1x8x128xi32, #tpu.memory_space<hbm>> -> memref<8x128xi32, #tpu.memory_space<hbm>>
        tpu.wait_dma2 semaphore(%run_scoped3A_91 : memref<!tpu.dma_semaphore, #tpu.memory_space<semaphore_mem>>) src(%dma_wait3A_109 : memref<8x128xi32, #tpu.memory_space<hbm>>) dst(%dma_wait3A_106 : memref<8x128xi32, #tpu.memory_space<vmem>>)
        tpu.yield
      }) : () -> ()
      %mul3A_86 = arith.constant 8 : i32
      %mul3A_87 = arith.muli %scan3A_81, %mul3A_86 : i32
      %mul3A_88 = arith.constant 8 : i32
      %mul3A_89 = arith.muli %scan3A_81, %mul3A_88 : i32
      %run_scoped3A_90 = arith.constant 1 : i32
      "tpu.region"() ({
        %run_scoped3A_91 = tpu.sem_alloc : memref<!tpu.dma_semaphore, #tpu.memory_space<semaphore_mem>>
        %dma_start3A = arith.constant 0 : i32
        %dma_start3A_92 = tpu.memref_slice %arg9[%mul3A_89, %dma_start3A] : memref<80x128xi32, #tpu.memory_space<vmem>> -> memref<8x128xi32, #tpu.memory_space<vmem>>
        %dma_start3A_93 = arith.constant 0 : i32
        %dma_start3A_94 = tpu.memref_slice %arg3[%run_scoped3A_90, %add3A, %mul3A_87, %dma_start3A_93] : memref<2x32x80x128xi32, #tpu.memory_space<hbm>> -> memref<1x1x8x128xi32, #tpu.memory_space<hbm>>
        %dma_start3A_95 = tpu.memref_squeeze %dma_start3A_94 : memref<1x1x8x128xi32, #tpu.memory_space<hbm>> -> memref<8x128xi32, #tpu.memory_space<hbm>>
        %dma_start3A_96 = arith.constant 0 : i32
        %dma_start3A_97 = tpu.memref_slice %arg9[%mul3A_89, %dma_start3A_96] : memref<80x128xi32, #tpu.memory_space<vmem>> -> memref<8x128xi32, #tpu.memory_space<vmem>>
        %dma_start3A_98 = arith.constant 0 : i32
        %dma_start3A_99 = tpu.memref_slice %arg3[%run_scoped3A_90, %add3A, %mul3A_87, %dma_start3A_98] : memref<2x32x80x128xi32, #tpu.memory_space<hbm>> -> memref<1x1x8x128xi32, #tpu.memory_space<hbm>>
        %dma_start3A_100 = tpu.memref_squeeze %dma_start3A_99 : memref<1x1x8x128xi32, #tpu.memory_space<hbm>> -> memref<8x128xi32, #tpu.memory_space<hbm>>
        tpu.enqueue_dma source(%dma_start3A_100 : memref<8x128xi32, #tpu.memory_space<hbm>>) target(%dma_start3A_97 : memref<8x128xi32, #tpu.memory_space<vmem>>) target_semaphore(%run_scoped3A_91 : memref<!tpu.dma_semaphore, #tpu.memory_space<semaphore_mem>>)
        %dma_wait3A = arith.constant 0 : i32
        %dma_wait3A_101 = tpu.memref_slice %arg9[%mul3A_89, %dma_wait3A] : memref<80x128xi32, #tpu.memory_space<vmem>> -> memref<8x128xi32, #tpu.memory_space<vmem>>
        %dma_wait3A_102 = arith.constant 0 : i32
        %dma_wait3A_103 = tpu.memref_slice %arg3[%run_scoped3A_90, %add3A, %mul3A_87, %dma_wait3A_102] : memref<2x32x80x128xi32, #tpu.memory_space<hbm>> -> memref<1x1x8x128xi32, #tpu.memory_space<hbm>>
        %dma_wait3A_104 = tpu.memref_squeeze %dma_wait3A_103 : memref<1x1x8x128xi32, #tpu.memory_space<hbm>> -> memref<8x128xi32, #tpu.memory_space<hbm>>
        %dma_wait3A_105 = arith.constant 0 : i32
        %dma_wait3A_106 = tpu.memref_slice %arg9[%mul3A_89, %dma_wait3A_105] : memref<80x128xi32, #tpu.memory_space<vmem>> -> memref<8x128xi32, #tpu.memory_space<vmem>>
        %dma_wait3A_107 = arith.constant 0 : i32
        %dma_wait3A_108 = tpu.memref_slice %arg3[%run_scoped3A_90, %add3A, %mul3A_87, %dma_wait3A_107] : memref<2x32x80x128xi32, #tpu.memory_space<hbm>> -> memref<1x1x8x128xi32, #tpu.memory_space<hbm>>
        %dma_wait3A_109 = tpu.memref_squeeze %dma_wait3A_108 : memref<1x1x8x128xi32, #tpu.memory_space<hbm>> -> memref<8x128xi32, #tpu.memory_space<hbm>>
        tpu.wait_dma2 semaphore(%run_scoped3A_91 : memref<!tpu.dma_semaphore, #tpu.memory_space<semaphore_mem>>) src(%dma_wait3A_109 : memref<8x128xi32, #tpu.memory_space<hbm>>) dst(%dma_wait3A_106 : memref<8x128xi32, #tpu.memory_space<vmem>>)
        tpu.yield
      }) : () -> ()
    }
    %scan3A_5 = arith.constant 10 : i32
    %scan3A_6 = arith.constant 0 : i32
    %scan3A_7 = arith.constant 0 : i32
    %scan3A_8 = arith.constant 5 : i32
    %scan3A_9 = arith.addi %scan3A_7, %scan3A_8 : i32
    %scan3A_10 = arith.constant 1 : i32
    scf.for %scan3A_81 = %scan3A_7 to %scan3A_9 step %scan3A_10  : i32 {
      %mul3A_82 = arith.constant 8 : i32
      %mul3A_83 = arith.muli %scan3A_81, %mul3A_82 : i32
      %mul3A_84 = arith.constant 8 : i32
      %mul3A_85 = arith.muli %scan3A_81, %mul3A_84 : i32
      %run_scoped3A = arith.constant 0 : i32
      "tpu.region"() ({
        %run_scoped3A_91 = tpu.sem_alloc : memref<!tpu.dma_semaphore, #tpu.memory_space<semaphore_mem>>
        %dma_start3A = arith.constant 0 : i32
        %dma_start3A_92 = tpu.memref_slice %arg10[%mul3A_85, %dma_start3A] : memref<40x128xi32, #tpu.memory_space<vmem>> -> memref<8x128xi32, #tpu.memory_space<vmem>>
        %dma_start3A_93 = arith.constant 0 : i32
        %dma_start3A_94 = tpu.memref_slice %arg5[%run_scoped3A, %add3A, %mul3A_83, %dma_start3A_93] : memref<2x32x40x128xi32, #tpu.memory_space<hbm>> -> memref<1x1x8x128xi32, #tpu.memory_space<hbm>>
        %dma_start3A_95 = tpu.memref_squeeze %dma_start3A_94 : memref<1x1x8x128xi32, #tpu.memory_space<hbm>> -> memref<8x128xi32, #tpu.memory_space<hbm>>
        %dma_start3A_96 = arith.constant 0 : i32
        %dma_start3A_97 = tpu.memref_slice %arg10[%mul3A_85, %dma_start3A_96] : memref<40x128xi32, #tpu.memory_space<vmem>> -> memref<8x128xi32, #tpu.memory_space<vmem>>
        %dma_start3A_98 = arith.constant 0 : i32
        %dma_start3A_99 = tpu.memref_slice %arg5[%run_scoped3A, %add3A, %mul3A_83, %dma_start3A_98] : memref<2x32x40x128xi32, #tpu.memory_space<hbm>> -> memref<1x1x8x128xi32, #tpu.memory_space<hbm>>
        %dma_start3A_100 = tpu.memref_squeeze %dma_start3A_99 : memref<1x1x8x128xi32, #tpu.memory_space<hbm>> -> memref<8x128xi32, #tpu.memory_space<hbm>>
        tpu.enqueue_dma source(%dma_start3A_100 : memref<8x128xi32, #tpu.memory_space<hbm>>) target(%dma_start3A_97 : memref<8x128xi32, #tpu.memory_space<vmem>>) target_semaphore(%run_scoped3A_91 : memref<!tpu.dma_semaphore, #tpu.memory_space<semaphore_mem>>)
        %dma_wait3A = arith.constant 0 : i32
        %dma_wait3A_101 = tpu.memref_slice %arg10[%mul3A_85, %dma_wait3A] : memref<40x128xi32, #tpu.memory_space<vmem>> -> memref<8x128xi32, #tpu.memory_space<vmem>>
        %dma_wait3A_102 = arith.constant 0 : i32
        %dma_wait3A_103 = tpu.memref_slice %arg5[%run_scoped3A, %add3A, %mul3A_83, %dma_wait3A_102] : memref<2x32x40x128xi32, #tpu.memory_space<hbm>> -> memref<1x1x8x128xi32, #tpu.memory_space<hbm>>
        %dma_wait3A_104 = tpu.memref_squeeze %dma_wait3A_103 : memref<1x1x8x128xi32, #tpu.memory_space<hbm>> -> memref<8x128xi32, #tpu.memory_space<hbm>>
        %dma_wait3A_105 = arith.constant 0 : i32
        %dma_wait3A_106 = tpu.memref_slice %arg10[%mul3A_85, %dma_wait3A_105] : memref<40x128xi32, #tpu.memory_space<vmem>> -> memref<8x128xi32, #tpu.memory_space<vmem>>
        %dma_wait3A_107 = arith.constant 0 : i32
        %dma_wait3A_108 = tpu.memref_slice %arg5[%run_scoped3A, %add3A, %mul3A_83, %dma_wait3A_107] : memref<2x32x40x128xi32, #tpu.memory_space<hbm>> -> memref<1x1x8x128xi32, #tpu.memory_space<hbm>>
        %dma_wait3A_109 = tpu.memref_squeeze %dma_wait3A_108 : memref<1x1x8x128xi32, #tpu.memory_space<hbm>> -> memref<8x128xi32, #tpu.memory_space<hbm>>
        tpu.wait_dma2 semaphore(%run_scoped3A_91 : memref<!tpu.dma_semaphore, #tpu.memory_space<semaphore_mem>>) src(%dma_wait3A_109 : memref<8x128xi32, #tpu.memory_space<hbm>>) dst(%dma_wait3A_106 : memref<8x128xi32, #tpu.memory_space<vmem>>)
        tpu.yield
      }) : () -> ()
      %mul3A_86 = arith.constant 8 : i32
      %mul3A_87 = arith.muli %scan3A_81, %mul3A_86 : i32
      %mul3A_88 = arith.constant 8 : i32
      %mul3A_89 = arith.muli %scan3A_81, %mul3A_88 : i32
      %run_scoped3A_90 = arith.constant 1 : i32
      "tpu.region"() ({
        %run_scoped3A_91 = tpu.sem_alloc : memref<!tpu.dma_semaphore, #tpu.memory_space<semaphore_mem>>
        %dma_start3A = arith.constant 0 : i32
        %dma_start3A_92 = tpu.memref_slice %arg11[%mul3A_89, %dma_start3A] : memref<40x128xi32, #tpu.memory_space<vmem>> -> memref<8x128xi32, #tpu.memory_space<vmem>>
        %dma_start3A_93 = arith.constant 0 : i32
        %dma_start3A_94 = tpu.memref_slice %arg5[%run_scoped3A_90, %add3A, %mul3A_87, %dma_start3A_93] : memref<2x32x40x128xi32, #tpu.memory_space<hbm>> -> memref<1x1x8x128xi32, #tpu.memory_space<hbm>>
        %dma_start3A_95 = tpu.memref_squeeze %dma_start3A_94 : memref<1x1x8x128xi32, #tpu.memory_space<hbm>> -> memref<8x128xi32, #tpu.memory_space<hbm>>
        %dma_start3A_96 = arith.constant 0 : i32
        %dma_start3A_97 = tpu.memref_slice %arg11[%mul3A_89, %dma_start3A_96] : memref<40x128xi32, #tpu.memory_space<vmem>> -> memref<8x128xi32, #tpu.memory_space<vmem>>
        %dma_start3A_98 = arith.constant 0 : i32
        %dma_start3A_99 = tpu.memref_slice %arg5[%run_scoped3A_90, %add3A, %mul3A_87, %dma_start3A_98] : memref<2x32x40x128xi32, #tpu.memory_space<hbm>> -> memref<1x1x8x128xi32, #tpu.memory_space<hbm>>
        %dma_start3A_100 = tpu.memref_squeeze %dma_start3A_99 : memref<1x1x8x128xi32, #tpu.memory_space<hbm>> -> memref<8x128xi32, #tpu.memory_space<hbm>>
        tpu.enqueue_dma source(%dma_start3A_100 : memref<8x128xi32, #tpu.memory_space<hbm>>) target(%dma_start3A_97 : memref<8x128xi32, #tpu.memory_space<vmem>>) target_semaphore(%run_scoped3A_91 : memref<!tpu.dma_semaphore, #tpu.memory_space<semaphore_mem>>)
        %dma_wait3A = arith.constant 0 : i32
        %dma_wait3A_101 = tpu.memref_slice %arg11[%mul3A_89, %dma_wait3A] : memref<40x128xi32, #tpu.memory_space<vmem>> -> memref<8x128xi32, #tpu.memory_space<vmem>>
        %dma_wait3A_102 = arith.constant 0 : i32
        %dma_wait3A_103 = tpu.memref_slice %arg5[%run_scoped3A_90, %add3A, %mul3A_87, %dma_wait3A_102] : memref<2x32x40x128xi32, #tpu.memory_space<hbm>> -> memref<1x1x8x128xi32, #tpu.memory_space<hbm>>
        %dma_wait3A_104 = tpu.memref_squeeze %dma_wait3A_103 : memref<1x1x8x128xi32, #tpu.memory_space<hbm>> -> memref<8x128xi32, #tpu.memory_space<hbm>>
        %dma_wait3A_105 = arith.constant 0 : i32
        %dma_wait3A_106 = tpu.memref_slice %arg11[%mul3A_89, %dma_wait3A_105] : memref<40x128xi32, #tpu.memory_space<vmem>> -> memref<8x128xi32, #tpu.memory_space<vmem>>
        %dma_wait3A_107 = arith.constant 0 : i32
        %dma_wait3A_108 = tpu.memref_slice %arg5[%run_scoped3A_90, %add3A, %mul3A_87, %dma_wait3A_107] : memref<2x32x40x128xi32, #tpu.memory_space<hbm>> -> memref<1x1x8x128xi32, #tpu.memory_space<hbm>>
        %dma_wait3A_109 = tpu.memref_squeeze %dma_wait3A_108 : memref<1x1x8x128xi32, #tpu.memory_space<hbm>> -> memref<8x128xi32, #tpu.memory_space<hbm>>
        tpu.wait_dma2 semaphore(%run_scoped3A_91 : memref<!tpu.dma_semaphore, #tpu.memory_space<semaphore_mem>>) src(%dma_wait3A_109 : memref<8x128xi32, #tpu.memory_space<hbm>>) dst(%dma_wait3A_106 : memref<8x128xi32, #tpu.memory_space<vmem>>)
        tpu.yield
      }) : () -> ()
    }
    %scan3A_11 = arith.constant 5 : i32
    %scan3A_12 = arith.constant 0 : i32
    %scan3A_13 = arith.constant 0 : i32
    %scan3A_14 = arith.constant 128 : i32
    %scan3A_15 = arith.addi %scan3A_13, %scan3A_14 : i32
    %scan3A_16 = arith.constant 1 : i32
    scf.for %scan3A_81 = %scan3A_13 to %scan3A_15 step %scan3A_16  : i32 {
      %broadcast_in_dim3A = arith.constant 0.000000e+00 : f32
      %broadcast_in_dim3A_82 = vector.broadcast %broadcast_in_dim3A : f32 to vector<16xf32>
      %swap3A = arith.index_cast %scan3A_81 : i32 to index
      %swap3A_83 = arith.constant 0 : index
      %swap3A_84 = tpu.vector_load %arg12[%swap3A, %swap3A_83] {strides = array<i32>} : memref<128x128xf32, #tpu.memory_space<vmem>>, vector<16xf32>,
      tpu.vector_store %arg12[%swap3A, %swap3A_83], %broadcast_in_dim3A_82 {strides = array<i32>} : memref<128x128xf32, #tpu.memory_space<vmem>>, vector<16xf32>,
      %broadcast_in_dim3A_85 = arith.constant 0.000000e+00 : f32
      %broadcast_in_dim3A_86 = vector.broadcast %broadcast_in_dim3A_85 : f32 to vector<16xf32>
      %swap3A_87 = arith.index_cast %scan3A_81 : i32 to index
      %swap3A_88 = arith.constant 16 : index
      %swap3A_89 = tpu.vector_load %arg12[%swap3A_87, %swap3A_88] {strides = array<i32>} : memref<128x128xf32, #tpu.memory_space<vmem>>, vector<16xf32>,
      tpu.vector_store %arg12[%swap3A_87, %swap3A_88], %broadcast_in_dim3A_86 {strides = array<i32>} : memref<128x128xf32, #tpu.memory_space<vmem>>, vector<16xf32>,
      %broadcast_in_dim3A_90 = arith.constant 0.000000e+00 : f32
      %broadcast_in_dim3A_91 = vector.broadcast %broadcast_in_dim3A_90 : f32 to vector<16xf32>
      %swap3A_92 = arith.index_cast %scan3A_81 : i32 to index
      %swap3A_93 = arith.constant 32 : index
      %swap3A_94 = tpu.vector_load %arg12[%swap3A_92, %swap3A_93] {strides = array<i32>} : memref<128x128xf32, #tpu.memory_space<vmem>>, vector<16xf32>,
      tpu.vector_store %arg12[%swap3A_92, %swap3A_93], %broadcast_in_dim3A_91 {strides = array<i32>} : memref<128x128xf32, #tpu.memory_space<vmem>>, vector<16xf32>,
      %broadcast_in_dim3A_95 = arith.constant 0.000000e+00 : f32
      %broadcast_in_dim3A_96 = vector.broadcast %broadcast_in_dim3A_95 : f32 to vector<16xf32>
      %swap3A_97 = arith.index_cast %scan3A_81 : i32 to index
      %swap3A_98 = arith.constant 48 : index
      %swap3A_99 = tpu.vector_load %arg12[%swap3A_97, %swap3A_98] {strides = array<i32>} : memref<128x128xf32, #tpu.memory_space<vmem>>, vector<16xf32>,
      tpu.vector_store %arg12[%swap3A_97, %swap3A_98], %broadcast_in_dim3A_96 {strides = array<i32>} : memref<128x128xf32, #tpu.memory_space<vmem>>, vector<16xf32>,
      %broadcast_in_dim3A_100 = arith.constant 0.000000e+00 : f32
      %broadcast_in_dim3A_101 = vector.broadcast %broadcast_in_dim3A_100 : f32 to vector<16xf32>
      %swap3A_102 = arith.index_cast %scan3A_81 : i32 to index
      %swap3A_103 = arith.constant 64 : index
      %swap3A_104 = tpu.vector_load %arg12[%swap3A_102, %swap3A_103] {strides = array<i32>} : memref<128x128xf32, #tpu.memory_space<vmem>>, vector<16xf32>,
      tpu.vector_store %arg12[%swap3A_102, %swap3A_103], %broadcast_in_dim3A_101 {strides = array<i32>} : memref<128x128xf32, #tpu.memory_space<vmem>>, vector<16xf32>,
      %broadcast_in_dim3A_105 = arith.constant 0.000000e+00 : f32
      %broadcast_in_dim3A_106 = vector.broadcast %broadcast_in_dim3A_105 : f32 to vector<16xf32>
      %swap3A_107 = arith.index_cast %scan3A_81 : i32 to index
      %swap3A_108 = arith.constant 80 : index
      %swap3A_109 = tpu.vector_load %arg12[%swap3A_107, %swap3A_108] {strides = array<i32>} : memref<128x128xf32, #tpu.memory_space<vmem>>, vector<16xf32>,
      tpu.vector_store %arg12[%swap3A_107, %swap3A_108], %broadcast_in_dim3A_106 {strides = array<i32>} : memref<128x128xf32, #tpu.memory_space<vmem>>, vector<16xf32>,
      %broadcast_in_dim3A_110 = arith.constant 0.000000e+00 : f32
      %broadcast_in_dim3A_111 = vector.broadcast %broadcast_in_dim3A_110 : f32 to vector<16xf32>
      %swap3A_112 = arith.index_cast %scan3A_81 : i32 to index
      %swap3A_113 = arith.constant 96 : index
      %swap3A_114 = tpu.vector_load %arg12[%swap3A_112, %swap3A_113] {strides = array<i32>} : memref<128x128xf32, #tpu.memory_space<vmem>>, vector<16xf32>,
      tpu.vector_store %arg12[%swap3A_112, %swap3A_113], %broadcast_in_dim3A_111 {strides = array<i32>} : memref<128x128xf32, #tpu.memory_space<vmem>>, vector<16xf32>,
      %broadcast_in_dim3A_115 = arith.constant 0.000000e+00 : f32
      %broadcast_in_dim3A_116 = vector.broadcast %broadcast_in_dim3A_115 : f32 to vector<16xf32>
      %swap3A_117 = arith.index_cast %scan3A_81 : i32 to index
      %swap3A_118 = arith.constant 112 : index
      %swap3A_119 = tpu.vector_load %arg12[%swap3A_117, %swap3A_118] {strides = array<i32>} : memref<128x128xf32, #tpu.memory_space<vmem>>, vector<16xf32>,
      tpu.vector_store %arg12[%swap3A_117, %swap3A_118], %broadcast_in_dim3A_116 {strides = array<i32>} : memref<128x128xf32, #tpu.memory_space<vmem>>, vector<16xf32>,
    }
    %scan3A_17 = arith.constant 128 : i32
    %mul3A_18 = arith.constant 632 : i32
    %mul3A_19 = arith.muli %arg1, %mul3A_18 : i32
    %add3A_20 = arith.constant 0 : i32
    %add3A_21 = arith.addi %mul3A_19, %add3A_20 : i32
    "tpu.region"() ({
      %run_scoped3A = tpu.sem_alloc : memref<!tpu.dma_semaphore, #tpu.memory_space<semaphore_mem>>
      %dma_start3A = arith.constant 0 : i32
      %dma_start3A_81 = arith.constant 0 : i32
      %dma_start3A_82 = tpu.memref_slice %arg12[%dma_start3A, %dma_start3A_81] : memref<128x128xf32, #tpu.memory_space<vmem>> -> memref<128x128xf32, #tpu.memory_space<vmem>>
      %dma_start3A_83 = arith.constant 0 : i32
      %dma_start3A_84 = tpu.memref_slice %arg13[%add3A_21, %dma_start3A_83] : memref<10112x128xf32, #tpu.memory_space<vmem_shared>> -> memref<128x128xf32, #tpu.memory_space<vmem_shared>>
      %dma_start3A_85 = arith.constant 0 : i32
      %dma_start3A_86 = tpu.memref_slice %arg13[%add3A_21, %dma_start3A_85] : memref<10112x128xf32, #tpu.memory_space<vmem_shared>> -> memref<128x128xf32, #tpu.memory_space<vmem_shared>>
      %dma_start3A_87 = arith.constant 0 : i32
      %dma_start3A_88 = arith.constant 0 : i32
      %dma_start3A_89 = tpu.memref_slice %arg12[%dma_start3A_87, %dma_start3A_88] : memref<128x128xf32, #tpu.memory_space<vmem>> -> memref<128x128xf32, #tpu.memory_space<vmem>>
      tpu.enqueue_dma source(%dma_start3A_89 : memref<128x128xf32, #tpu.memory_space<vmem>>) target(%dma_start3A_86 : memref<128x128xf32, #tpu.memory_space<vmem_shared>>) target_semaphore(%run_scoped3A : memref<!tpu.dma_semaphore, #tpu.memory_space<semaphore_mem>>)
      %dma_wait3A = arith.constant 0 : i32
      %dma_wait3A_90 = arith.constant 0 : i32
      %dma_wait3A_91 = tpu.memref_slice %arg12[%dma_wait3A, %dma_wait3A_90] : memref<128x128xf32, #tpu.memory_space<vmem>> -> memref<128x128xf32, #tpu.memory_space<vmem>>
      %dma_wait3A_92 = arith.constant 0 : i32
      %dma_wait3A_93 = tpu.memref_slice %arg13[%add3A_21, %dma_wait3A_92] : memref<10112x128xf32, #tpu.memory_space<vmem_shared>> -> memref<128x128xf32, #tpu.memory_space<vmem_shared>>
      %dma_wait3A_94 = arith.constant 0 : i32
      %dma_wait3A_95 = tpu.memref_slice %arg13[%add3A_21, %dma_wait3A_94] : memref<10112x128xf32, #tpu.memory_space<vmem_shared>> -> memref<128x128xf32, #tpu.memory_space<vmem_shared>>
      %dma_wait3A_96 = arith.constant 0 : i32
      %dma_wait3A_97 = arith.constant 0 : i32
      %dma_wait3A_98 = tpu.memref_slice %arg12[%dma_wait3A_96, %dma_wait3A_97] : memref<128x128xf32, #tpu.memory_space<vmem>> -> memref<128x128xf32, #tpu.memory_space<vmem>>
      tpu.wait_dma2 semaphore(%run_scoped3A : memref<!tpu.dma_semaphore, #tpu.memory_space<semaphore_mem>>) src(%dma_wait3A_98 : memref<128x128xf32, #tpu.memory_space<vmem>>) dst(%dma_wait3A_95 : memref<128x128xf32, #tpu.memory_space<vmem_shared>>)
      tpu.yield
    }) : () -> ()
    %mul3A_22 = arith.constant 632 : i32
    %mul3A_23 = arith.muli %arg1, %mul3A_22 : i32
    %add3A_24 = arith.constant 128 : i32
    %add3A_25 = arith.addi %mul3A_23, %add3A_24 : i32
    "tpu.region"() ({
      %run_scoped3A = tpu.sem_alloc : memref<!tpu.dma_semaphore, #tpu.memory_space<semaphore_mem>>
      %dma_start3A = arith.constant 0 : i32
      %dma_start3A_81 = arith.constant 0 : i32
      %dma_start3A_82 = tpu.memref_slice %arg12[%dma_start3A, %dma_start3A_81] : memref<128x128xf32, #tpu.memory_space<vmem>> -> memref<128x128xf32, #tpu.memory_space<vmem>>
      %dma_start3A_83 = arith.constant 0 : i32
      %dma_start3A_84 = tpu.memref_slice %arg13[%add3A_25, %dma_start3A_83] : memref<10112x128xf32, #tpu.memory_space<vmem_shared>> -> memref<128x128xf32, #tpu.memory_space<vmem_shared>>
      %dma_start3A_85 = arith.constant 0 : i32
      %dma_start3A_86 = tpu.memref_slice %arg13[%add3A_25, %dma_start3A_85] : memref<10112x128xf32, #tpu.memory_space<vmem_shared>> -> memref<128x128xf32, #tpu.memory_space<vmem_shared>>
      %dma_start3A_87 = arith.constant 0 : i32
      %dma_start3A_88 = arith.constant 0 : i32
      %dma_start3A_89 = tpu.memref_slice %arg12[%dma_start3A_87, %dma_start3A_88] : memref<128x128xf32, #tpu.memory_space<vmem>> -> memref<128x128xf32, #tpu.memory_space<vmem>>
      tpu.enqueue_dma source(%dma_start3A_89 : memref<128x128xf32, #tpu.memory_space<vmem>>) target(%dma_start3A_86 : memref<128x128xf32, #tpu.memory_space<vmem_shared>>) target_semaphore(%run_scoped3A : memref<!tpu.dma_semaphore, #tpu.memory_space<semaphore_mem>>)
      %dma_wait3A = arith.constant 0 : i32
      %dma_wait3A_90 = arith.constant 0 : i32
      %dma_wait3A_91 = tpu.memref_slice %arg12[%dma_wait3A, %dma_wait3A_90] : memref<128x128xf32, #tpu.memory_space<vmem>> -> memref<128x128xf32, #tpu.memory_space<vmem>>
      %dma_wait3A_92 = arith.constant 0 : i32
      %dma_wait3A_93 = tpu.memref_slice %arg13[%add3A_25, %dma_wait3A_92] : memref<10112x128xf32, #tpu.memory_space<vmem_shared>> -> memref<128x128xf32, #tpu.memory_space<vmem_shared>>
      %dma_wait3A_94 = arith.constant 0 : i32
      %dma_wait3A_95 = tpu.memref_slice %arg13[%add3A_25, %dma_wait3A_94] : memref<10112x128xf32, #tpu.memory_space<vmem_shared>> -> memref<128x128xf32, #tpu.memory_space<vmem_shared>>
      %dma_wait3A_96 = arith.constant 0 : i32
      %dma_wait3A_97 = arith.constant 0 : i32
      %dma_wait3A_98 = tpu.memref_slice %arg12[%dma_wait3A_96, %dma_wait3A_97] : memref<128x128xf32, #tpu.memory_space<vmem>> -> memref<128x128xf32, #tpu.memory_space<vmem>>
      tpu.wait_dma2 semaphore(%run_scoped3A : memref<!tpu.dma_semaphore, #tpu.memory_space<semaphore_mem>>) src(%dma_wait3A_98 : memref<128x128xf32, #tpu.memory_space<vmem>>) dst(%dma_wait3A_95 : memref<128x128xf32, #tpu.memory_space<vmem_shared>>)
      tpu.yield
    }) : () -> ()
    %mul3A_26 = arith.constant 632 : i32
    %mul3A_27 = arith.muli %arg1, %mul3A_26 : i32
    %add3A_28 = arith.constant 256 : i32
    %add3A_29 = arith.addi %mul3A_27, %add3A_28 : i32
    "tpu.region"() ({
      %run_scoped3A = tpu.sem_alloc : memref<!tpu.dma_semaphore, #tpu.memory_space<semaphore_mem>>
      %dma_start3A = arith.constant 0 : i32
      %dma_start3A_81 = arith.constant 0 : i32
      %dma_start3A_82 = tpu.memref_slice %arg12[%dma_start3A, %dma_start3A_81] : memref<128x128xf32, #tpu.memory_space<vmem>> -> memref<128x128xf32, #tpu.memory_space<vmem>>
      %dma_start3A_83 = arith.constant 0 : i32
      %dma_start3A_84 = tpu.memref_slice %arg13[%add3A_29, %dma_start3A_83] : memref<10112x128xf32, #tpu.memory_space<vmem_shared>> -> memref<128x128xf32, #tpu.memory_space<vmem_shared>>
      %dma_start3A_85 = arith.constant 0 : i32
      %dma_start3A_86 = tpu.memref_slice %arg13[%add3A_29, %dma_start3A_85] : memref<10112x128xf32, #tpu.memory_space<vmem_shared>> -> memref<128x128xf32, #tpu.memory_space<vmem_shared>>
      %dma_start3A_87 = arith.constant 0 : i32
      %dma_start3A_88 = arith.constant 0 : i32
      %dma_start3A_89 = tpu.memref_slice %arg12[%dma_start3A_87, %dma_start3A_88] : memref<128x128xf32, #tpu.memory_space<vmem>> -> memref<128x128xf32, #tpu.memory_space<vmem>>
      tpu.enqueue_dma source(%dma_start3A_89 : memref<128x128xf32, #tpu.memory_space<vmem>>) target(%dma_start3A_86 : memref<128x128xf32, #tpu.memory_space<vmem_shared>>) target_semaphore(%run_scoped3A : memref<!tpu.dma_semaphore, #tpu.memory_space<semaphore_mem>>)
      %dma_wait3A = arith.constant 0 : i32
      %dma_wait3A_90 = arith.constant 0 : i32
      %dma_wait3A_91 = tpu.memref_slice %arg12[%dma_wait3A, %dma_wait3A_90] : memref<128x128xf32, #tpu.memory_space<vmem>> -> memref<128x128xf32, #tpu.memory_space<vmem>>
      %dma_wait3A_92 = arith.constant 0 : i32
      %dma_wait3A_93 = tpu.memref_slice %arg13[%add3A_29, %dma_wait3A_92] : memref<10112x128xf32, #tpu.memory_space<vmem_shared>> -> memref<128x128xf32, #tpu.memory_space<vmem_shared>>
      %dma_wait3A_94 = arith.constant 0 : i32
      %dma_wait3A_95 = tpu.memref_slice %arg13[%add3A_29, %dma_wait3A_94] : memref<10112x128xf32, #tpu.memory_space<vmem_shared>> -> memref<128x128xf32, #tpu.memory_space<vmem_shared>>
      %dma_wait3A_96 = arith.constant 0 : i32
      %dma_wait3A_97 = arith.constant 0 : i32
      %dma_wait3A_98 = tpu.memref_slice %arg12[%dma_wait3A_96, %dma_wait3A_97] : memref<128x128xf32, #tpu.memory_space<vmem>> -> memref<128x128xf32, #tpu.memory_space<vmem>>
      tpu.wait_dma2 semaphore(%run_scoped3A : memref<!tpu.dma_semaphore, #tpu.memory_space<semaphore_mem>>) src(%dma_wait3A_98 : memref<128x128xf32, #tpu.memory_space<vmem>>) dst(%dma_wait3A_95 : memref<128x128xf32, #tpu.memory_space<vmem_shared>>)
      tpu.yield
    }) : () -> ()
    %mul3A_30 = arith.constant 632 : i32
    %mul3A_31 = arith.muli %arg1, %mul3A_30 : i32
    %add3A_32 = arith.constant 384 : i32
    %add3A_33 = arith.addi %mul3A_31, %add3A_32 : i32
    "tpu.region"() ({
      %run_scoped3A = tpu.sem_alloc : memref<!tpu.dma_semaphore, #tpu.memory_space<semaphore_mem>>
      %dma_start3A = arith.constant 0 : i32
      %dma_start3A_81 = arith.constant 0 : i32
      %dma_start3A_82 = tpu.memref_slice %arg12[%dma_start3A, %dma_start3A_81] : memref<128x128xf32, #tpu.memory_space<vmem>> -> memref<128x128xf32, #tpu.memory_space<vmem>>
      %dma_start3A_83 = arith.constant 0 : i32
      %dma_start3A_84 = tpu.memref_slice %arg13[%add3A_33, %dma_start3A_83] : memref<10112x128xf32, #tpu.memory_space<vmem_shared>> -> memref<128x128xf32, #tpu.memory_space<vmem_shared>>
      %dma_start3A_85 = arith.constant 0 : i32
      %dma_start3A_86 = tpu.memref_slice %arg13[%add3A_33, %dma_start3A_85] : memref<10112x128xf32, #tpu.memory_space<vmem_shared>> -> memref<128x128xf32, #tpu.memory_space<vmem_shared>>
      %dma_start3A_87 = arith.constant 0 : i32
      %dma_start3A_88 = arith.constant 0 : i32
      %dma_start3A_89 = tpu.memref_slice %arg12[%dma_start3A_87, %dma_start3A_88] : memref<128x128xf32, #tpu.memory_space<vmem>> -> memref<128x128xf32, #tpu.memory_space<vmem>>
      tpu.enqueue_dma source(%dma_start3A_89 : memref<128x128xf32, #tpu.memory_space<vmem>>) target(%dma_start3A_86 : memref<128x128xf32, #tpu.memory_space<vmem_shared>>) target_semaphore(%run_scoped3A : memref<!tpu.dma_semaphore, #tpu.memory_space<semaphore_mem>>)
      %dma_wait3A = arith.constant 0 : i32
      %dma_wait3A_90 = arith.constant 0 : i32
      %dma_wait3A_91 = tpu.memref_slice %arg12[%dma_wait3A, %dma_wait3A_90] : memref<128x128xf32, #tpu.memory_space<vmem>> -> memref<128x128xf32, #tpu.memory_space<vmem>>
      %dma_wait3A_92 = arith.constant 0 : i32
      %dma_wait3A_93 = tpu.memref_slice %arg13[%add3A_33, %dma_wait3A_92] : memref<10112x128xf32, #tpu.memory_space<vmem_shared>> -> memref<128x128xf32, #tpu.memory_space<vmem_shared>>
      %dma_wait3A_94 = arith.constant 0 : i32
      %dma_wait3A_95 = tpu.memref_slice %arg13[%add3A_33, %dma_wait3A_94] : memref<10112x128xf32, #tpu.memory_space<vmem_shared>> -> memref<128x128xf32, #tpu.memory_space<vmem_shared>>
      %dma_wait3A_96 = arith.constant 0 : i32
      %dma_wait3A_97 = arith.constant 0 : i32
      %dma_wait3A_98 = tpu.memref_slice %arg12[%dma_wait3A_96, %dma_wait3A_97] : memref<128x128xf32, #tpu.memory_space<vmem>> -> memref<128x128xf32, #tpu.memory_space<vmem>>
      tpu.wait_dma2 semaphore(%run_scoped3A : memref<!tpu.dma_semaphore, #tpu.memory_space<semaphore_mem>>) src(%dma_wait3A_98 : memref<128x128xf32, #tpu.memory_space<vmem>>) dst(%dma_wait3A_95 : memref<128x128xf32, #tpu.memory_space<vmem_shared>>)
      tpu.yield
    }) : () -> ()
    %mul3A_34 = arith.constant 632 : i32
    %mul3A_35 = arith.muli %arg1, %mul3A_34 : i32
    %add3A_36 = arith.constant 512 : i32
    %add3A_37 = arith.addi %mul3A_35, %add3A_36 : i32
    "tpu.region"() ({
      %run_scoped3A = tpu.sem_alloc : memref<!tpu.dma_semaphore, #tpu.memory_space<semaphore_mem>>
      %dma_start3A = arith.constant 0 : i32
      %dma_start3A_81 = arith.constant 0 : i32
      %dma_start3A_82 = tpu.memref_slice %arg12[%dma_start3A, %dma_start3A_81] : memref<128x128xf32, #tpu.memory_space<vmem>> -> memref<120x128xf32, #tpu.memory_space<vmem>>
      %dma_start3A_83 = arith.constant 0 : i32
      %dma_start3A_84 = tpu.memref_slice %arg13[%add3A_37, %dma_start3A_83] : memref<10112x128xf32, #tpu.memory_space<vmem_shared>> -> memref<120x128xf32, #tpu.memory_space<vmem_shared>>
      %dma_start3A_85 = arith.constant 0 : i32
      %dma_start3A_86 = tpu.memref_slice %arg13[%add3A_37, %dma_start3A_85] : memref<10112x128xf32, #tpu.memory_space<vmem_shared>> -> memref<120x128xf32, #tpu.memory_space<vmem_shared>>
      %dma_start3A_87 = arith.constant 0 : i32
      %dma_start3A_88 = arith.constant 0 : i32
      %dma_start3A_89 = tpu.memref_slice %arg12[%dma_start3A_87, %dma_start3A_88] : memref<128x128xf32, #tpu.memory_space<vmem>> -> memref<120x128xf32, #tpu.memory_space<vmem>>
      tpu.enqueue_dma source(%dma_start3A_89 : memref<120x128xf32, #tpu.memory_space<vmem>>) target(%dma_start3A_86 : memref<120x128xf32, #tpu.memory_space<vmem_shared>>) target_semaphore(%run_scoped3A : memref<!tpu.dma_semaphore, #tpu.memory_space<semaphore_mem>>)
      %dma_wait3A = arith.constant 0 : i32
      %dma_wait3A_90 = arith.constant 0 : i32
      %dma_wait3A_91 = tpu.memref_slice %arg12[%dma_wait3A, %dma_wait3A_90] : memref<128x128xf32, #tpu.memory_space<vmem>> -> memref<120x128xf32, #tpu.memory_space<vmem>>
      %dma_wait3A_92 = arith.constant 0 : i32
      %dma_wait3A_93 = tpu.memref_slice %arg13[%add3A_37, %dma_wait3A_92] : memref<10112x128xf32, #tpu.memory_space<vmem_shared>> -> memref<120x128xf32, #tpu.memory_space<vmem_shared>>
      %dma_wait3A_94 = arith.constant 0 : i32
      %dma_wait3A_95 = tpu.memref_slice %arg13[%add3A_37, %dma_wait3A_94] : memref<10112x128xf32, #tpu.memory_space<vmem_shared>> -> memref<120x128xf32, #tpu.memory_space<vmem_shared>>
      %dma_wait3A_96 = arith.constant 0 : i32
      %dma_wait3A_97 = arith.constant 0 : i32
      %dma_wait3A_98 = tpu.memref_slice %arg12[%dma_wait3A_96, %dma_wait3A_97] : memref<128x128xf32, #tpu.memory_space<vmem>> -> memref<120x128xf32, #tpu.memory_space<vmem>>
      tpu.wait_dma2 semaphore(%run_scoped3A : memref<!tpu.dma_semaphore, #tpu.memory_space<semaphore_mem>>) src(%dma_wait3A_98 : memref<120x128xf32, #tpu.memory_space<vmem>>) dst(%dma_wait3A_95 : memref<120x128xf32, #tpu.memory_space<vmem_shared>>)
      tpu.yield
    }) : () -> ()
    %barrier3A = arith.constant 0 : index
    tpu.barrier barrier_id(%barrier3A)
    %scan3A_38 = arith.constant 0 : i32
    %scan3A_39 = arith.constant 0 : i32
    %scan3A_40 = arith.constant 80 : i32
    %scan3A_41 = arith.addi %scan3A_39, %scan3A_40 : i32
    %scan3A_42 = arith.constant 1 : i32
    scf.for %scan3A_81 = %scan3A_39 to %scan3A_41 step %scan3A_42  : i32 {
      "tpu.region"() ({
        %run_scoped3A = tpu.sem_alloc : memref<!tpu.dma_semaphore, #tpu.memory_space<semaphore_mem>>
        %dma_start3A = arith.constant 0 : i32
        %dma_start3A_82 = tpu.memref_slice %arg8[%scan3A_81, %dma_start3A] : memref<80x128xi32, #tpu.memory_space<vmem>> -> memref<1x128xi32, #tpu.memory_space<vmem>>
        %dma_start3A_83 = tpu.memref_squeeze %dma_start3A_82 : memref<1x128xi32, #tpu.memory_space<vmem>> -> memref<128xi32, #tpu.memory_space<vmem>>
        %dma_start3A_84 = arith.constant 0 : i32
        %dma_start3A_85 = arith.constant 0 : i32
        %dma_start3A_86 = tpu.memref_slice %arg2[%dma_start3A_84, %dma_start3A_85] : memref<10112x128xf32, #tpu.memory_space<hbm>> -> memref<10112x128xf32, #tpu.memory_space<hbm>>
        tpu.enqueue_indirect_dma source(%dma_start3A_86 : memref<10112x128xf32, #tpu.memory_space<hbm>>) target(%arg12 : memref<128x128xf32, #tpu.memory_space<vmem>>) offsets(%dma_start3A_83 : memref<128xi32, #tpu.memory_space<vmem>>) semaphore(%run_scoped3A : memref<!tpu.dma_semaphore, #tpu.memory_space<semaphore_mem>>)
        %dma_wait3A = arith.constant 0 : i32
        %dma_wait3A_87 = tpu.memref_slice %arg8[%scan3A_81, %dma_wait3A] : memref<80x128xi32, #tpu.memory_space<vmem>> -> memref<1x128xi32, #tpu.memory_space<vmem>>
        %dma_wait3A_88 = tpu.memref_squeeze %dma_wait3A_87 : memref<1x128xi32, #tpu.memory_space<vmem>> -> memref<128xi32, #tpu.memory_space<vmem>>
        %dma_wait3A_89 = arith.constant 0 : i32
        %dma_wait3A_90 = arith.constant 0 : i32
        %dma_wait3A_91 = tpu.memref_slice %arg2[%dma_wait3A_89, %dma_wait3A_90] : memref<10112x128xf32, #tpu.memory_space<hbm>> -> memref<10112x128xf32, #tpu.memory_space<hbm>>
        tpu.wait_indirect_dma semaphore(%run_scoped3A : memref<!tpu.dma_semaphore, #tpu.memory_space<semaphore_mem>>) src(%dma_wait3A_91 : memref<10112x128xf32, #tpu.memory_space<hbm>>) dst(%arg12 : memref<128x128xf32, #tpu.memory_space<vmem>>)
        tpu.yield
      }) : () -> ()
      "tpu.region"() ({
        %run_scoped3A = tpu.sem_alloc : memref<!tpu.dma_semaphore, #tpu.memory_space<semaphore_mem>>
        %dma_start3A = arith.constant 0 : i32
        %dma_start3A_82 = tpu.memref_slice %arg9[%scan3A_81, %dma_start3A] : memref<80x128xi32, #tpu.memory_space<vmem>> -> memref<1x128xi32, #tpu.memory_space<vmem>>
        %dma_start3A_83 = tpu.memref_squeeze %dma_start3A_82 : memref<1x128xi32, #tpu.memory_space<vmem>> -> memref<128xi32, #tpu.memory_space<vmem>>
        %dma_start3A_84 = arith.constant 0 : i32
        %dma_start3A_85 = arith.constant 0 : i32
        %dma_start3A_86 = tpu.memref_slice %arg13[%dma_start3A_84, %dma_start3A_85] : memref<10112x128xf32, #tpu.memory_space<vmem_shared>> -> memref<10112x128xf32, #tpu.memory_space<vmem_shared>>
        tpu.enqueue_indirect_dma source(%arg12 : memref<128x128xf32, #tpu.memory_space<vmem>>) target(%dma_start3A_86 : memref<10112x128xf32, #tpu.memory_space<vmem_shared>>) offsets(%dma_start3A_83 : memref<128xi32, #tpu.memory_space<vmem>>) semaphore(%run_scoped3A : memref<!tpu.dma_semaphore, #tpu.memory_space<semaphore_mem>>) {add = true}
        %dma_wait3A = arith.constant 0 : i32
        %dma_wait3A_87 = tpu.memref_slice %arg9[%scan3A_81, %dma_wait3A] : memref<80x128xi32, #tpu.memory_space<vmem>> -> memref<1x128xi32, #tpu.memory_space<vmem>>
        %dma_wait3A_88 = tpu.memref_squeeze %dma_wait3A_87 : memref<1x128xi32, #tpu.memory_space<vmem>> -> memref<128xi32, #tpu.memory_space<vmem>>
        %dma_wait3A_89 = arith.constant 0 : i32
        %dma_wait3A_90 = arith.constant 0 : i32
        %dma_wait3A_91 = tpu.memref_slice %arg13[%dma_wait3A_89, %dma_wait3A_90] : memref<10112x128xf32, #tpu.memory_space<vmem_shared>> -> memref<10112x128xf32, #tpu.memory_space<vmem_shared>>
        tpu.wait_indirect_dma semaphore(%run_scoped3A : memref<!tpu.dma_semaphore, #tpu.memory_space<semaphore_mem>>) src(%arg12 : memref<128x128xf32, #tpu.memory_space<vmem>>) dst(%dma_wait3A_91 : memref<10112x128xf32, #tpu.memory_space<vmem_shared>>)
        tpu.yield
      }) : () -> ()
    }
    %scan3A_43 = arith.constant 80 : i32
    %barrier3A_44 = arith.constant 0 : index
    tpu.barrier barrier_id(%barrier3A_44)
    %mul3A_45 = arith.constant 632 : i32
    %mul3A_46 = arith.muli %arg1, %mul3A_45 : i32
    %mul3A_47 = arith.constant 632 : i32
    %mul3A_48 = arith.muli %arg1, %mul3A_47 : i32
    "tpu.region"() ({
      %run_scoped3A = tpu.sem_alloc : memref<!tpu.dma_semaphore, #tpu.memory_space<semaphore_mem>>
      %dma_start3A = arith.constant 0 : i32
      %dma_start3A_81 = tpu.memref_slice %arg6[%arg0, %mul3A_48, %dma_start3A] : memref<2x10112x128xf32, #tpu.memory_space<hbm>> -> memref<1x632x128xf32, #tpu.memory_space<hbm>>
      %dma_start3A_82 = tpu.memref_squeeze %dma_start3A_81 : memref<1x632x128xf32, #tpu.memory_space<hbm>> -> memref<632x128xf32, #tpu.memory_space<hbm>>
      %dma_start3A_83 = arith.constant 0 : i32
      %dma_start3A_84 = tpu.memref_slice %arg13[%mul3A_46, %dma_start3A_83] : memref<10112x128xf32, #tpu.memory_space<vmem_shared>> -> memref<632x128xf32, #tpu.memory_space<vmem_shared>>
      tpu.enqueue_dma source(%dma_start3A_84 : memref<632x128xf32, #tpu.memory_space<vmem_shared>>) target(%dma_start3A_82 : memref<632x128xf32, #tpu.memory_space<hbm>>) target_semaphore(%run_scoped3A : memref<!tpu.dma_semaphore, #tpu.memory_space<semaphore_mem>>)
      %dma_wait3A = arith.constant 0 : i32
      %dma_wait3A_85 = tpu.memref_slice %arg6[%arg0, %mul3A_48, %dma_wait3A] : memref<2x10112x128xf32, #tpu.memory_space<hbm>> -> memref<1x632x128xf32, #tpu.memory_space<hbm>>
      %dma_wait3A_86 = tpu.memref_squeeze %dma_wait3A_85 : memref<1x632x128xf32, #tpu.memory_space<hbm>> -> memref<632x128xf32, #tpu.memory_space<hbm>>
      %dma_wait3A_87 = arith.constant 0 : i32
      %dma_wait3A_88 = tpu.memref_slice %arg13[%mul3A_46, %dma_wait3A_87] : memref<10112x128xf32, #tpu.memory_space<vmem_shared>> -> memref<632x128xf32, #tpu.memory_space<vmem_shared>>
      tpu.wait_dma2 semaphore(%run_scoped3A : memref<!tpu.dma_semaphore, #tpu.memory_space<semaphore_mem>>) src(%dma_wait3A_88 : memref<632x128xf32, #tpu.memory_space<vmem_shared>>) dst(%dma_wait3A_86 : memref<632x128xf32, #tpu.memory_space<hbm>>)
      tpu.yield
    }) : () -> ()
    %barrier3A_49 = arith.constant 0 : index
    tpu.barrier barrier_id(%barrier3A_49)
    %scan3A_50 = arith.constant 0 : i32
    %scan3A_51 = arith.constant 0 : i32
    %scan3A_52 = arith.constant 128 : i32
    %scan3A_53 = arith.addi %scan3A_51, %scan3A_52 : i32
    %scan3A_54 = arith.constant 1 : i32
    scf.for %scan3A_81 = %scan3A_51 to %scan3A_53 step %scan3A_54  : i32 {
      %broadcast_in_dim3A = arith.constant 0.000000e+00 : f32
      %broadcast_in_dim3A_82 = vector.broadcast %broadcast_in_dim3A : f32 to vector<16xf32>
      %swap3A = arith.index_cast %scan3A_81 : i32 to index
      %swap3A_83 = arith.constant 0 : index
      %swap3A_84 = tpu.vector_load %arg12[%swap3A, %swap3A_83] {strides = array<i32>} : memref<128x128xf32, #tpu.memory_space<vmem>>, vector<16xf32>,
      tpu.vector_store %arg12[%swap3A, %swap3A_83], %broadcast_in_dim3A_82 {strides = array<i32>} : memref<128x128xf32, #tpu.memory_space<vmem>>, vector<16xf32>,
      %broadcast_in_dim3A_85 = arith.constant 0.000000e+00 : f32
      %broadcast_in_dim3A_86 = vector.broadcast %broadcast_in_dim3A_85 : f32 to vector<16xf32>
      %swap3A_87 = arith.index_cast %scan3A_81 : i32 to index
      %swap3A_88 = arith.constant 16 : index
      %swap3A_89 = tpu.vector_load %arg12[%swap3A_87, %swap3A_88] {strides = array<i32>} : memref<128x128xf32, #tpu.memory_space<vmem>>, vector<16xf32>,
      tpu.vector_store %arg12[%swap3A_87, %swap3A_88], %broadcast_in_dim3A_86 {strides = array<i32>} : memref<128x128xf32, #tpu.memory_space<vmem>>, vector<16xf32>,
      %broadcast_in_dim3A_90 = arith.constant 0.000000e+00 : f32
      %broadcast_in_dim3A_91 = vector.broadcast %broadcast_in_dim3A_90 : f32 to vector<16xf32>
      %swap3A_92 = arith.index_cast %scan3A_81 : i32 to index
      %swap3A_93 = arith.constant 32 : index
      %swap3A_94 = tpu.vector_load %arg12[%swap3A_92, %swap3A_93] {strides = array<i32>} : memref<128x128xf32, #tpu.memory_space<vmem>>, vector<16xf32>,
      tpu.vector_store %arg12[%swap3A_92, %swap3A_93], %broadcast_in_dim3A_91 {strides = array<i32>} : memref<128x128xf32, #tpu.memory_space<vmem>>, vector<16xf32>,
      %broadcast_in_dim3A_95 = arith.constant 0.000000e+00 : f32
      %broadcast_in_dim3A_96 = vector.broadcast %broadcast_in_dim3A_95 : f32 to vector<16xf32>
      %swap3A_97 = arith.index_cast %scan3A_81 : i32 to index
      %swap3A_98 = arith.constant 48 : index
      %swap3A_99 = tpu.vector_load %arg12[%swap3A_97, %swap3A_98] {strides = array<i32>} : memref<128x128xf32, #tpu.memory_space<vmem>>, vector<16xf32>,
      tpu.vector_store %arg12[%swap3A_97, %swap3A_98], %broadcast_in_dim3A_96 {strides = array<i32>} : memref<128x128xf32, #tpu.memory_space<vmem>>, vector<16xf32>,
      %broadcast_in_dim3A_100 = arith.constant 0.000000e+00 : f32
      %broadcast_in_dim3A_101 = vector.broadcast %broadcast_in_dim3A_100 : f32 to vector<16xf32>
      %swap3A_102 = arith.index_cast %scan3A_81 : i32 to index
      %swap3A_103 = arith.constant 64 : index
      %swap3A_104 = tpu.vector_load %arg12[%swap3A_102, %swap3A_103] {strides = array<i32>} : memref<128x128xf32, #tpu.memory_space<vmem>>, vector<16xf32>,
      tpu.vector_store %arg12[%swap3A_102, %swap3A_103], %broadcast_in_dim3A_101 {strides = array<i32>} : memref<128x128xf32, #tpu.memory_space<vmem>>, vector<16xf32>,
      %broadcast_in_dim3A_105 = arith.constant 0.000000e+00 : f32
      %broadcast_in_dim3A_106 = vector.broadcast %broadcast_in_dim3A_105 : f32 to vector<16xf32>
      %swap3A_107 = arith.index_cast %scan3A_81 : i32 to index
      %swap3A_108 = arith.constant 80 : index
      %swap3A_109 = tpu.vector_load %arg12[%swap3A_107, %swap3A_108] {strides = array<i32>} : memref<128x128xf32, #tpu.memory_space<vmem>>, vector<16xf32>,
      tpu.vector_store %arg12[%swap3A_107, %swap3A_108], %broadcast_in_dim3A_106 {strides = array<i32>} : memref<128x128xf32, #tpu.memory_space<vmem>>, vector<16xf32>,
      %broadcast_in_dim3A_110 = arith.constant 0.000000e+00 : f32
      %broadcast_in_dim3A_111 = vector.broadcast %broadcast_in_dim3A_110 : f32 to vector<16xf32>
      %swap3A_112 = arith.index_cast %scan3A_81 : i32 to index
      %swap3A_113 = arith.constant 96 : index
      %swap3A_114 = tpu.vector_load %arg12[%swap3A_112, %swap3A_113] {strides = array<i32>} : memref<128x128xf32, #tpu.memory_space<vmem>>, vector<16xf32>,
      tpu.vector_store %arg12[%swap3A_112, %swap3A_113], %broadcast_in_dim3A_111 {strides = array<i32>} : memref<128x128xf32, #tpu.memory_space<vmem>>, vector<16xf32>,
      %broadcast_in_dim3A_115 = arith.constant 0.000000e+00 : f32
      %broadcast_in_dim3A_116 = vector.broadcast %broadcast_in_dim3A_115 : f32 to vector<16xf32>
      %swap3A_117 = arith.index_cast %scan3A_81 : i32 to index
      %swap3A_118 = arith.constant 112 : index
      %swap3A_119 = tpu.vector_load %arg12[%swap3A_117, %swap3A_118] {strides = array<i32>} : memref<128x128xf32, #tpu.memory_space<vmem>>, vector<16xf32>,
      tpu.vector_store %arg12[%swap3A_117, %swap3A_118], %broadcast_in_dim3A_116 {strides = array<i32>} : memref<128x128xf32, #tpu.memory_space<vmem>>, vector<16xf32>,
    }
    %scan3A_55 = arith.constant 128 : i32
    %mul3A_56 = arith.constant 320 : i32
    %mul3A_57 = arith.muli %arg1, %mul3A_56 : i32
    %add3A_58 = arith.constant 0 : i32
    %add3A_59 = arith.addi %mul3A_57, %add3A_58 : i32
    "tpu.region"() ({
      %run_scoped3A = tpu.sem_alloc : memref<!tpu.dma_semaphore, #tpu.memory_space<semaphore_mem>>
      %dma_start3A = arith.constant 0 : i32
      %dma_start3A_81 = arith.constant 0 : i32
      %dma_start3A_82 = tpu.memref_slice %arg12[%dma_start3A, %dma_start3A_81] : memref<128x128xf32, #tpu.memory_space<vmem>> -> memref<128x128xf32, #tpu.memory_space<vmem>>
      %dma_start3A_83 = arith.constant 0 : i32
      %dma_start3A_84 = tpu.memref_slice %arg13[%add3A_59, %dma_start3A_83] : memref<10112x128xf32, #tpu.memory_space<vmem_shared>> -> memref<128x128xf32, #tpu.memory_space<vmem_shared>>
      %dma_start3A_85 = arith.constant 0 : i32
      %dma_start3A_86 = tpu.memref_slice %arg13[%add3A_59, %dma_start3A_85] : memref<10112x128xf32, #tpu.memory_space<vmem_shared>> -> memref<128x128xf32, #tpu.memory_space<vmem_shared>>
      %dma_start3A_87 = arith.constant 0 : i32
      %dma_start3A_88 = arith.constant 0 : i32
      %dma_start3A_89 = tpu.memref_slice %arg12[%dma_start3A_87, %dma_start3A_88] : memref<128x128xf32, #tpu.memory_space<vmem>> -> memref<128x128xf32, #tpu.memory_space<vmem>>
      tpu.enqueue_dma source(%dma_start3A_89 : memref<128x128xf32, #tpu.memory_space<vmem>>) target(%dma_start3A_86 : memref<128x128xf32, #tpu.memory_space<vmem_shared>>) target_semaphore(%run_scoped3A : memref<!tpu.dma_semaphore, #tpu.memory_space<semaphore_mem>>)
      %dma_wait3A = arith.constant 0 : i32
      %dma_wait3A_90 = arith.constant 0 : i32
      %dma_wait3A_91 = tpu.memref_slice %arg12[%dma_wait3A, %dma_wait3A_90] : memref<128x128xf32, #tpu.memory_space<vmem>> -> memref<128x128xf32, #tpu.memory_space<vmem>>
      %dma_wait3A_92 = arith.constant 0 : i32
      %dma_wait3A_93 = tpu.memref_slice %arg13[%add3A_59, %dma_wait3A_92] : memref<10112x128xf32, #tpu.memory_space<vmem_shared>> -> memref<128x128xf32, #tpu.memory_space<vmem_shared>>
      %dma_wait3A_94 = arith.constant 0 : i32
      %dma_wait3A_95 = tpu.memref_slice %arg13[%add3A_59, %dma_wait3A_94] : memref<10112x128xf32, #tpu.memory_space<vmem_shared>> -> memref<128x128xf32, #tpu.memory_space<vmem_shared>>
      %dma_wait3A_96 = arith.constant 0 : i32
      %dma_wait3A_97 = arith.constant 0 : i32
      %dma_wait3A_98 = tpu.memref_slice %arg12[%dma_wait3A_96, %dma_wait3A_97] : memref<128x128xf32, #tpu.memory_space<vmem>> -> memref<128x128xf32, #tpu.memory_space<vmem>>
      tpu.wait_dma2 semaphore(%run_scoped3A : memref<!tpu.dma_semaphore, #tpu.memory_space<semaphore_mem>>) src(%dma_wait3A_98 : memref<128x128xf32, #tpu.memory_space<vmem>>) dst(%dma_wait3A_95 : memref<128x128xf32, #tpu.memory_space<vmem_shared>>)
      tpu.yield
    }) : () -> ()
    %mul3A_60 = arith.constant 320 : i32
    %mul3A_61 = arith.muli %arg1, %mul3A_60 : i32
    %add3A_62 = arith.constant 128 : i32
    %add3A_63 = arith.addi %mul3A_61, %add3A_62 : i32
    "tpu.region"() ({
      %run_scoped3A = tpu.sem_alloc : memref<!tpu.dma_semaphore, #tpu.memory_space<semaphore_mem>>
      %dma_start3A = arith.constant 0 : i32
      %dma_start3A_81 = arith.constant 0 : i32
      %dma_start3A_82 = tpu.memref_slice %arg12[%dma_start3A, %dma_start3A_81] : memref<128x128xf32, #tpu.memory_space<vmem>> -> memref<128x128xf32, #tpu.memory_space<vmem>>
      %dma_start3A_83 = arith.constant 0 : i32
      %dma_start3A_84 = tpu.memref_slice %arg13[%add3A_63, %dma_start3A_83] : memref<10112x128xf32, #tpu.memory_space<vmem_shared>> -> memref<128x128xf32, #tpu.memory_space<vmem_shared>>
      %dma_start3A_85 = arith.constant 0 : i32
      %dma_start3A_86 = tpu.memref_slice %arg13[%add3A_63, %dma_start3A_85] : memref<10112x128xf32, #tpu.memory_space<vmem_shared>> -> memref<128x128xf32, #tpu.memory_space<vmem_shared>>
      %dma_start3A_87 = arith.constant 0 : i32
      %dma_start3A_88 = arith.constant 0 : i32
      %dma_start3A_89 = tpu.memref_slice %arg12[%dma_start3A_87, %dma_start3A_88] : memref<128x128xf32, #tpu.memory_space<vmem>> -> memref<128x128xf32, #tpu.memory_space<vmem>>
      tpu.enqueue_dma source(%dma_start3A_89 : memref<128x128xf32, #tpu.memory_space<vmem>>) target(%dma_start3A_86 : memref<128x128xf32, #tpu.memory_space<vmem_shared>>) target_semaphore(%run_scoped3A : memref<!tpu.dma_semaphore, #tpu.memory_space<semaphore_mem>>)
      %dma_wait3A = arith.constant 0 : i32
      %dma_wait3A_90 = arith.constant 0 : i32
      %dma_wait3A_91 = tpu.memref_slice %arg12[%dma_wait3A, %dma_wait3A_90] : memref<128x128xf32, #tpu.memory_space<vmem>> -> memref<128x128xf32, #tpu.memory_space<vmem>>
      %dma_wait3A_92 = arith.constant 0 : i32
      %dma_wait3A_93 = tpu.memref_slice %arg13[%add3A_63, %dma_wait3A_92] : memref<10112x128xf32, #tpu.memory_space<vmem_shared>> -> memref<128x128xf32, #tpu.memory_space<vmem_shared>>
      %dma_wait3A_94 = arith.constant 0 : i32
      %dma_wait3A_95 = tpu.memref_slice %arg13[%add3A_63, %dma_wait3A_94] : memref<10112x128xf32, #tpu.memory_space<vmem_shared>> -> memref<128x128xf32, #tpu.memory_space<vmem_shared>>
      %dma_wait3A_96 = arith.constant 0 : i32
      %dma_wait3A_97 = arith.constant 0 : i32
      %dma_wait3A_98 = tpu.memref_slice %arg12[%dma_wait3A_96, %dma_wait3A_97] : memref<128x128xf32, #tpu.memory_space<vmem>> -> memref<128x128xf32, #tpu.memory_space<vmem>>
      tpu.wait_dma2 semaphore(%run_scoped3A : memref<!tpu.dma_semaphore, #tpu.memory_space<semaphore_mem>>) src(%dma_wait3A_98 : memref<128x128xf32, #tpu.memory_space<vmem>>) dst(%dma_wait3A_95 : memref<128x128xf32, #tpu.memory_space<vmem_shared>>)
      tpu.yield
    }) : () -> ()
    %mul3A_64 = arith.constant 320 : i32
    %mul3A_65 = arith.muli %arg1, %mul3A_64 : i32
    %add3A_66 = arith.constant 256 : i32
    %add3A_67 = arith.addi %mul3A_65, %add3A_66 : i32
    "tpu.region"() ({
      %run_scoped3A = tpu.sem_alloc : memref<!tpu.dma_semaphore, #tpu.memory_space<semaphore_mem>>
      %dma_start3A = arith.constant 0 : i32
      %dma_start3A_81 = arith.constant 0 : i32
      %dma_start3A_82 = tpu.memref_slice %arg12[%dma_start3A, %dma_start3A_81] : memref<128x128xf32, #tpu.memory_space<vmem>> -> memref<64x128xf32, #tpu.memory_space<vmem>>
      %dma_start3A_83 = arith.constant 0 : i32
      %dma_start3A_84 = tpu.memref_slice %arg13[%add3A_67, %dma_start3A_83] : memref<10112x128xf32, #tpu.memory_space<vmem_shared>> -> memref<64x128xf32, #tpu.memory_space<vmem_shared>>
      %dma_start3A_85 = arith.constant 0 : i32
      %dma_start3A_86 = tpu.memref_slice %arg13[%add3A_67, %dma_start3A_85] : memref<10112x128xf32, #tpu.memory_space<vmem_shared>> -> memref<64x128xf32, #tpu.memory_space<vmem_shared>>
      %dma_start3A_87 = arith.constant 0 : i32
      %dma_start3A_88 = arith.constant 0 : i32
      %dma_start3A_89 = tpu.memref_slice %arg12[%dma_start3A_87, %dma_start3A_88] : memref<128x128xf32, #tpu.memory_space<vmem>> -> memref<64x128xf32, #tpu.memory_space<vmem>>
      tpu.enqueue_dma source(%dma_start3A_89 : memref<64x128xf32, #tpu.memory_space<vmem>>) target(%dma_start3A_86 : memref<64x128xf32, #tpu.memory_space<vmem_shared>>) target_semaphore(%run_scoped3A : memref<!tpu.dma_semaphore, #tpu.memory_space<semaphore_mem>>)
      %dma_wait3A = arith.constant 0 : i32
      %dma_wait3A_90 = arith.constant 0 : i32
      %dma_wait3A_91 = tpu.memref_slice %arg12[%dma_wait3A, %dma_wait3A_90] : memref<128x128xf32, #tpu.memory_space<vmem>> -> memref<64x128xf32, #tpu.memory_space<vmem>>
      %dma_wait3A_92 = arith.constant 0 : i32
      %dma_wait3A_93 = tpu.memref_slice %arg13[%add3A_67, %dma_wait3A_92] : memref<10112x128xf32, #tpu.memory_space<vmem_shared>> -> memref<64x128xf32, #tpu.memory_space<vmem_shared>>
      %dma_wait3A_94 = arith.constant 0 : i32
      %dma_wait3A_95 = tpu.memref_slice %arg13[%add3A_67, %dma_wait3A_94] : memref<10112x128xf32, #tpu.memory_space<vmem_shared>> -> memref<64x128xf32, #tpu.memory_space<vmem_shared>>
      %dma_wait3A_96 = arith.constant 0 : i32
      %dma_wait3A_97 = arith.constant 0 : i32
      %dma_wait3A_98 = tpu.memref_slice %arg12[%dma_wait3A_96, %dma_wait3A_97] : memref<128x128xf32, #tpu.memory_space<vmem>> -> memref<64x128xf32, #tpu.memory_space<vmem>>
      tpu.wait_dma2 semaphore(%run_scoped3A : memref<!tpu.dma_semaphore, #tpu.memory_space<semaphore_mem>>) src(%dma_wait3A_98 : memref<64x128xf32, #tpu.memory_space<vmem>>) dst(%dma_wait3A_95 : memref<64x128xf32, #tpu.memory_space<vmem_shared>>)
      tpu.yield
    }) : () -> ()
    %barrier3A_68 = arith.constant 0 : index
    tpu.barrier barrier_id(%barrier3A_68)
    %scan3A_69 = arith.constant 0 : i32
    %scan3A_70 = arith.constant 0 : i32
    %scan3A_71 = arith.constant 40 : i32
    %scan3A_72 = arith.addi %scan3A_70, %scan3A_71 : i32
    %scan3A_73 = arith.constant 1 : i32
    scf.for %scan3A_81 = %scan3A_70 to %scan3A_72 step %scan3A_73  : i32 {
      "tpu.region"() ({
        %run_scoped3A = tpu.sem_alloc : memref<!tpu.dma_semaphore, #tpu.memory_space<semaphore_mem>>
        %dma_start3A = arith.constant 0 : i32
        %dma_start3A_82 = tpu.memref_slice %arg10[%scan3A_81, %dma_start3A] : memref<40x128xi32, #tpu.memory_space<vmem>> -> memref<1x128xi32, #tpu.memory_space<vmem>>
        %dma_start3A_83 = tpu.memref_squeeze %dma_start3A_82 : memref<1x128xi32, #tpu.memory_space<vmem>> -> memref<128xi32, #tpu.memory_space<vmem>>
        %dma_start3A_84 = arith.constant 0 : i32
        %dma_start3A_85 = arith.constant 0 : i32
        %dma_start3A_86 = tpu.memref_slice %arg4[%dma_start3A_84, %dma_start3A_85] : memref<5120x128xf32, #tpu.memory_space<hbm>> -> memref<5120x128xf32, #tpu.memory_space<hbm>>
        tpu.enqueue_indirect_dma source(%dma_start3A_86 : memref<5120x128xf32, #tpu.memory_space<hbm>>) target(%arg12 : memref<128x128xf32, #tpu.memory_space<vmem>>) offsets(%dma_start3A_83 : memref<128xi32, #tpu.memory_space<vmem>>) semaphore(%run_scoped3A : memref<!tpu.dma_semaphore, #tpu.memory_space<semaphore_mem>>)
        %dma_wait3A = arith.constant 0 : i32
        %dma_wait3A_87 = tpu.memref_slice %arg10[%scan3A_81, %dma_wait3A] : memref<40x128xi32, #tpu.memory_space<vmem>> -> memref<1x128xi32, #tpu.memory_space<vmem>>
        %dma_wait3A_88 = tpu.memref_squeeze %dma_wait3A_87 : memref<1x128xi32, #tpu.memory_space<vmem>> -> memref<128xi32, #tpu.memory_space<vmem>>
        %dma_wait3A_89 = arith.constant 0 : i32
        %dma_wait3A_90 = arith.constant 0 : i32
        %dma_wait3A_91 = tpu.memref_slice %arg4[%dma_wait3A_89, %dma_wait3A_90] : memref<5120x128xf32, #tpu.memory_space<hbm>> -> memref<5120x128xf32, #tpu.memory_space<hbm>>
        tpu.wait_indirect_dma semaphore(%run_scoped3A : memref<!tpu.dma_semaphore, #tpu.memory_space<semaphore_mem>>) src(%dma_wait3A_91 : memref<5120x128xf32, #tpu.memory_space<hbm>>) dst(%arg12 : memref<128x128xf32, #tpu.memory_space<vmem>>)
        tpu.yield
      }) : () -> ()
      "tpu.region"() ({
        %run_scoped3A = tpu.sem_alloc : memref<!tpu.dma_semaphore, #tpu.memory_space<semaphore_mem>>
        %dma_start3A = arith.constant 0 : i32
        %dma_start3A_82 = tpu.memref_slice %arg11[%scan3A_81, %dma_start3A] : memref<40x128xi32, #tpu.memory_space<vmem>> -> memref<1x128xi32, #tpu.memory_space<vmem>>
        %dma_start3A_83 = tpu.memref_squeeze %dma_start3A_82 : memref<1x128xi32, #tpu.memory_space<vmem>> -> memref<128xi32, #tpu.memory_space<vmem>>
        %dma_start3A_84 = arith.constant 0 : i32
        %dma_start3A_85 = arith.constant 0 : i32
        %dma_start3A_86 = tpu.memref_slice %arg13[%dma_start3A_84, %dma_start3A_85] : memref<10112x128xf32, #tpu.memory_space<vmem_shared>> -> memref<10112x128xf32, #tpu.memory_space<vmem_shared>>
        tpu.enqueue_indirect_dma source(%arg12 : memref<128x128xf32, #tpu.memory_space<vmem>>) target(%dma_start3A_86 : memref<10112x128xf32, #tpu.memory_space<vmem_shared>>) offsets(%dma_start3A_83 : memref<128xi32, #tpu.memory_space<vmem>>) semaphore(%run_scoped3A : memref<!tpu.dma_semaphore, #tpu.memory_space<semaphore_mem>>) {add = true}
        %dma_wait3A = arith.constant 0 : i32
        %dma_wait3A_87 = tpu.memref_slice %arg11[%scan3A_81, %dma_wait3A] : memref<40x128xi32, #tpu.memory_space<vmem>> -> memref<1x128xi32, #tpu.memory_space<vmem>>
        %dma_wait3A_88 = tpu.memref_squeeze %dma_wait3A_87 : memref<1x128xi32, #tpu.memory_space<vmem>> -> memref<128xi32, #tpu.memory_space<vmem>>
        %dma_wait3A_89 = arith.constant 0 : i32
        %dma_wait3A_90 = arith.constant 0 : i32
        %dma_wait3A_91 = tpu.memref_slice %arg13[%dma_wait3A_89, %dma_wait3A_90] : memref<10112x128xf32, #tpu.memory_space<vmem_shared>> -> memref<10112x128xf32, #tpu.memory_space<vmem_shared>>
        tpu.wait_indirect_dma semaphore(%run_scoped3A : memref<!tpu.dma_semaphore, #tpu.memory_space<semaphore_mem>>) src(%arg12 : memref<128x128xf32, #tpu.memory_space<vmem>>) dst(%dma_wait3A_91 : memref<10112x128xf32, #tpu.memory_space<vmem_shared>>)
        tpu.yield
      }) : () -> ()
    }
    %scan3A_74 = arith.constant 40 : i32
    %barrier3A_75 = arith.constant 0 : index
    tpu.barrier barrier_id(%barrier3A_75)
    %mul3A_76 = arith.constant 320 : i32
    %mul3A_77 = arith.muli %arg1, %mul3A_76 : i32
    %mul3A_78 = arith.constant 320 : i32
    %mul3A_79 = arith.muli %arg1, %mul3A_78 : i32
    "tpu.region"() ({
      %run_scoped3A = tpu.sem_alloc : memref<!tpu.dma_semaphore, #tpu.memory_space<semaphore_mem>>
      %dma_start3A = arith.constant 0 : i32
      %dma_start3A_81 = tpu.memref_slice %arg7[%arg0, %mul3A_79, %dma_start3A] : memref<2x5120x128xf32, #tpu.memory_space<hbm>> -> memref<1x320x128xf32, #tpu.memory_space<hbm>>
      %dma_start3A_82 = tpu.memref_squeeze %dma_start3A_81 : memref<1x320x128xf32, #tpu.memory_space<hbm>> -> memref<320x128xf32, #tpu.memory_space<hbm>>
      %dma_start3A_83 = arith.constant 0 : i32
      %dma_start3A_84 = tpu.memref_slice %arg13[%mul3A_77, %dma_start3A_83] : memref<10112x128xf32, #tpu.memory_space<vmem_shared>> -> memref<320x128xf32, #tpu.memory_space<vmem_shared>>
      tpu.enqueue_dma source(%dma_start3A_84 : memref<320x128xf32, #tpu.memory_space<vmem_shared>>) target(%dma_start3A_82 : memref<320x128xf32, #tpu.memory_space<hbm>>) target_semaphore(%run_scoped3A : memref<!tpu.dma_semaphore, #tpu.memory_space<semaphore_mem>>)
      %dma_wait3A = arith.constant 0 : i32
      %dma_wait3A_85 = tpu.memref_slice %arg7[%arg0, %mul3A_79, %dma_wait3A] : memref<2x5120x128xf32, #tpu.memory_space<hbm>> -> memref<1x320x128xf32, #tpu.memory_space<hbm>>
      %dma_wait3A_86 = tpu.memref_squeeze %dma_wait3A_85 : memref<1x320x128xf32, #tpu.memory_space<hbm>> -> memref<320x128xf32, #tpu.memory_space<hbm>>
      %dma_wait3A_87 = arith.constant 0 : i32
      %dma_wait3A_88 = tpu.memref_slice %arg13[%mul3A_77, %dma_wait3A_87] : memref<10112x128xf32, #tpu.memory_space<vmem_shared>> -> memref<320x128xf32, #tpu.memory_space<vmem_shared>>
      tpu.wait_dma2 semaphore(%run_scoped3A : memref<!tpu.dma_semaphore, #tpu.memory_space<semaphore_mem>>) src(%dma_wait3A_88 : memref<320x128xf32, #tpu.memory_space<vmem_shared>>) dst(%dma_wait3A_86 : memref<320x128xf32, #tpu.memory_space<hbm>>)
      tpu.yield
    }) : () -> ()
    %barrier3A_80 = arith.constant 0 : index
    tpu.barrier barrier_id(%barrier3A_80)
    return
  }
}

#map = affine_map<(d0, d1) -> (0, 0, 0, 0)>
#map1 = affine_map<(d0, d1) -> (0, 0, 0)>
module attributes {stable_mosaic.version = 14 : i64} {
  func.func @body(%arg0: i32, %arg1: i32, %arg2: memref<2x32x40x128xi32, #tpu.memory_space<hbm>>, %arg3: memref<32x2x10240xf32, #tpu.memory_space<hbm>>, %arg4: memref<40x128xi32, #tpu.memory_space<vmem>>, %arg5: memref<40x128xi32, #tpu.memory_space<vmem>>, %arg6: memref<10240xf32, #tpu.memory_space<vmem>>, %arg7: memref<10240xf32, #tpu.memory_space<vmem>>) attributes {dimension_semantics = [#tpu.dimension_semantics<core_parallel>, #tpu.dimension_semantics<subcore_parallel>], iteration_bounds = array<i64: 2, 16>, scalar_prefetch = 0 : i64, scratch_operands = 4 : i64, tpu.core_type = #tpu.core_type<sc_vector_subcore>, window_params = [{transform_indices = #map}, {transform_indices = #map1}]} {
    %mul3A = arith.constant 2 : i32
    %mul3A_0 = arith.muli %arg1, %mul3A : i32
    %add3A = arith.addi %mul3A_0, %arg0 : i32
    %scan3A = arith.constant 0 : i32
    %scan3A_1 = arith.constant 0 : i32
    %scan3A_2 = arith.constant 640 : i32
    %scan3A_3 = arith.addi %scan3A_1, %scan3A_2 : i32
    %scan3A_4 = arith.constant 1 : i32
    scf.for %scan3A_16 = %scan3A_1 to %scan3A_3 step %scan3A_4  : i32 {
      %broadcast_in_dim3A_17 = arith.constant 0.000000e+00 : f32
      %broadcast_in_dim3A_18 = vector.broadcast %broadcast_in_dim3A_17 : f32 to vector<16xf32>
      %mul3A_19 = arith.constant 16 : i32
      %mul3A_20 = arith.muli %scan3A_16, %mul3A_19 : i32
      %swap3A = arith.index_cast %mul3A_20 : i32 to index
      %swap3A_21 = tpu.vector_load %arg6[%swap3A] {strides = array<i32>} : memref<10240xf32, #tpu.memory_space<vmem>>, vector<16xf32>,
      tpu.vector_store %arg6[%swap3A], %broadcast_in_dim3A_18 {strides = array<i32>} : memref<10240xf32, #tpu.memory_space<vmem>>, vector<16xf32>,
      %broadcast_in_dim3A_22 = arith.constant 0.000000e+00 : f32
      %broadcast_in_dim3A_23 = vector.broadcast %broadcast_in_dim3A_22 : f32 to vector<16xf32>
      %mul3A_24 = arith.constant 16 : i32
      %mul3A_25 = arith.muli %scan3A_16, %mul3A_24 : i32
      %swap3A_26 = arith.index_cast %mul3A_25 : i32 to index
      %swap3A_27 = tpu.vector_load %arg7[%swap3A_26] {strides = array<i32>} : memref<10240xf32, #tpu.memory_space<vmem>>, vector<16xf32>,
      tpu.vector_store %arg7[%swap3A_26], %broadcast_in_dim3A_23 {strides = array<i32>} : memref<10240xf32, #tpu.memory_space<vmem>>, vector<16xf32>,
    }
    %scan3A_5 = arith.constant 640 : i32
    %run_scoped3A = arith.constant 0 : i32
    "tpu.region"() ({
      %run_scoped3A_16 = tpu.sem_alloc : memref<!tpu.dma_semaphore, #tpu.memory_space<semaphore_mem>>
      %dma_start3A = arith.constant 0 : i32
      %dma_start3A_17 = arith.constant 0 : i32
      %dma_start3A_18 = tpu.memref_slice %arg2[%run_scoped3A, %add3A, %dma_start3A, %dma_start3A_17] : memref<2x32x40x128xi32, #tpu.memory_space<hbm>> -> memref<1x1x40x128xi32, #tpu.memory_space<hbm>>
      %dma_start3A_19 = tpu.memref_squeeze %dma_start3A_18 : memref<1x1x40x128xi32, #tpu.memory_space<hbm>> -> memref<40x128xi32, #tpu.memory_space<hbm>>
      %dma_start3A_20 = arith.constant 0 : i32
      %dma_start3A_21 = arith.constant 0 : i32
      %dma_start3A_22 = tpu.memref_slice %arg2[%run_scoped3A, %add3A, %dma_start3A_20, %dma_start3A_21] : memref<2x32x40x128xi32, #tpu.memory_space<hbm>> -> memref<1x1x40x128xi32, #tpu.memory_space<hbm>>
      %dma_start3A_23 = tpu.memref_squeeze %dma_start3A_22 : memref<1x1x40x128xi32, #tpu.memory_space<hbm>> -> memref<40x128xi32, #tpu.memory_space<hbm>>
      tpu.enqueue_dma source(%dma_start3A_23 : memref<40x128xi32, #tpu.memory_space<hbm>>) target(%arg4 : memref<40x128xi32, #tpu.memory_space<vmem>>) target_semaphore(%run_scoped3A_16 : memref<!tpu.dma_semaphore, #tpu.memory_space<semaphore_mem>>)
      %dma_wait3A = arith.constant 0 : i32
      %dma_wait3A_24 = arith.constant 0 : i32
      %dma_wait3A_25 = tpu.memref_slice %arg2[%run_scoped3A, %add3A, %dma_wait3A, %dma_wait3A_24] : memref<2x32x40x128xi32, #tpu.memory_space<hbm>> -> memref<1x1x40x128xi32, #tpu.memory_space<hbm>>
      %dma_wait3A_26 = tpu.memref_squeeze %dma_wait3A_25 : memref<1x1x40x128xi32, #tpu.memory_space<hbm>> -> memref<40x128xi32, #tpu.memory_space<hbm>>
      %dma_wait3A_27 = arith.constant 0 : i32
      %dma_wait3A_28 = arith.constant 0 : i32
      %dma_wait3A_29 = tpu.memref_slice %arg2[%run_scoped3A, %add3A, %dma_wait3A_27, %dma_wait3A_28] : memref<2x32x40x128xi32, #tpu.memory_space<hbm>> -> memref<1x1x40x128xi32, #tpu.memory_space<hbm>>
      %dma_wait3A_30 = tpu.memref_squeeze %dma_wait3A_29 : memref<1x1x40x128xi32, #tpu.memory_space<hbm>> -> memref<40x128xi32, #tpu.memory_space<hbm>>
      tpu.wait_dma2 semaphore(%run_scoped3A_16 : memref<!tpu.dma_semaphore, #tpu.memory_space<semaphore_mem>>) src(%dma_wait3A_30 : memref<40x128xi32, #tpu.memory_space<hbm>>) dst(%arg4 : memref<40x128xi32, #tpu.memory_space<vmem>>)
      tpu.yield
    }) : () -> ()
    %run_scoped3A_6 = arith.constant 1 : i32
    "tpu.region"() ({
      %run_scoped3A_16 = tpu.sem_alloc : memref<!tpu.dma_semaphore, #tpu.memory_space<semaphore_mem>>
      %dma_start3A = arith.constant 0 : i32
      %dma_start3A_17 = arith.constant 0 : i32
      %dma_start3A_18 = tpu.memref_slice %arg2[%run_scoped3A_6, %add3A, %dma_start3A, %dma_start3A_17] : memref<2x32x40x128xi32, #tpu.memory_space<hbm>> -> memref<1x1x40x128xi32, #tpu.memory_space<hbm>>
      %dma_start3A_19 = tpu.memref_squeeze %dma_start3A_18 : memref<1x1x40x128xi32, #tpu.memory_space<hbm>> -> memref<40x128xi32, #tpu.memory_space<hbm>>
      %dma_start3A_20 = arith.constant 0 : i32
      %dma_start3A_21 = arith.constant 0 : i32
      %dma_start3A_22 = tpu.memref_slice %arg2[%run_scoped3A_6, %add3A, %dma_start3A_20, %dma_start3A_21] : memref<2x32x40x128xi32, #tpu.memory_space<hbm>> -> memref<1x1x40x128xi32, #tpu.memory_space<hbm>>
      %dma_start3A_23 = tpu.memref_squeeze %dma_start3A_22 : memref<1x1x40x128xi32, #tpu.memory_space<hbm>> -> memref<40x128xi32, #tpu.memory_space<hbm>>
      tpu.enqueue_dma source(%dma_start3A_23 : memref<40x128xi32, #tpu.memory_space<hbm>>) target(%arg5 : memref<40x128xi32, #tpu.memory_space<vmem>>) target_semaphore(%run_scoped3A_16 : memref<!tpu.dma_semaphore, #tpu.memory_space<semaphore_mem>>)
      %dma_wait3A = arith.constant 0 : i32
      %dma_wait3A_24 = arith.constant 0 : i32
      %dma_wait3A_25 = tpu.memref_slice %arg2[%run_scoped3A_6, %add3A, %dma_wait3A, %dma_wait3A_24] : memref<2x32x40x128xi32, #tpu.memory_space<hbm>> -> memref<1x1x40x128xi32, #tpu.memory_space<hbm>>
      %dma_wait3A_26 = tpu.memref_squeeze %dma_wait3A_25 : memref<1x1x40x128xi32, #tpu.memory_space<hbm>> -> memref<40x128xi32, #tpu.memory_space<hbm>>
      %dma_wait3A_27 = arith.constant 0 : i32
      %dma_wait3A_28 = arith.constant 0 : i32
      %dma_wait3A_29 = tpu.memref_slice %arg2[%run_scoped3A_6, %add3A, %dma_wait3A_27, %dma_wait3A_28] : memref<2x32x40x128xi32, #tpu.memory_space<hbm>> -> memref<1x1x40x128xi32, #tpu.memory_space<hbm>>
      %dma_wait3A_30 = tpu.memref_squeeze %dma_wait3A_29 : memref<1x1x40x128xi32, #tpu.memory_space<hbm>> -> memref<40x128xi32, #tpu.memory_space<hbm>>
      tpu.wait_dma2 semaphore(%run_scoped3A_16 : memref<!tpu.dma_semaphore, #tpu.memory_space<semaphore_mem>>) src(%dma_wait3A_30 : memref<40x128xi32, #tpu.memory_space<hbm>>) dst(%arg5 : memref<40x128xi32, #tpu.memory_space<vmem>>)
      tpu.yield
    }) : () -> ()
    %broadcast_in_dim3A = arith.constant 1.000000e+00 : f32
    %broadcast_in_dim3A_7 = vector.broadcast %broadcast_in_dim3A : f32 to vector<16xf32>
    %scan3A_8 = arith.constant 0 : i32
    %scan3A_9 = arith.constant 0 : i32
    %scan3A_10 = arith.constant 40 : i32
    %scan3A_11 = arith.addi %scan3A_9, %scan3A_10 : i32
    %scan3A_12 = arith.constant 1 : i32
    scf.for %scan3A_16 = %scan3A_9 to %scan3A_11 step %scan3A_12  : i32 {
      %get3A = arith.index_cast %scan3A_16 : i32 to index
      %get3A_17 = arith.constant 0 : index
      %get3A_18 = tpu.vector_load %arg4[%get3A, %get3A_17] {strides = array<i32>} : memref<40x128xi32, #tpu.memory_space<vmem>>, vector<16xi32>,
      tpu.vector_store_idx %arg6[%get3A_18], %broadcast_in_dim3A_7 {add = true} : memref<10240xf32, #tpu.memory_space<vmem>>[vector<16xi32>], vector<16xf32>,
      %get3A_19 = arith.index_cast %scan3A_16 : i32 to index
      %get3A_20 = arith.constant 0 : index
      %get3A_21 = tpu.vector_load %arg5[%get3A_19, %get3A_20] {strides = array<i32>} : memref<40x128xi32, #tpu.memory_space<vmem>>, vector<16xi32>,
      tpu.vector_store_idx %arg7[%get3A_21], %broadcast_in_dim3A_7 {add = true} : memref<10240xf32, #tpu.memory_space<vmem>>[vector<16xi32>], vector<16xf32>,
      %get3A_22 = arith.index_cast %scan3A_16 : i32 to index
      %get3A_23 = arith.constant 16 : index
      %get3A_24 = tpu.vector_load %arg4[%get3A_22, %get3A_23] {strides = array<i32>} : memref<40x128xi32, #tpu.memory_space<vmem>>, vector<16xi32>,
      tpu.vector_store_idx %arg6[%get3A_24], %broadcast_in_dim3A_7 {add = true} : memref<10240xf32, #tpu.memory_space<vmem>>[vector<16xi32>], vector<16xf32>,
      %get3A_25 = arith.index_cast %scan3A_16 : i32 to index
      %get3A_26 = arith.constant 16 : index
      %get3A_27 = tpu.vector_load %arg5[%get3A_25, %get3A_26] {strides = array<i32>} : memref<40x128xi32, #tpu.memory_space<vmem>>, vector<16xi32>,
      tpu.vector_store_idx %arg7[%get3A_27], %broadcast_in_dim3A_7 {add = true} : memref<10240xf32, #tpu.memory_space<vmem>>[vector<16xi32>], vector<16xf32>,
      %get3A_28 = arith.index_cast %scan3A_16 : i32 to index
      %get3A_29 = arith.constant 32 : index
      %get3A_30 = tpu.vector_load %arg4[%get3A_28, %get3A_29] {strides = array<i32>} : memref<40x128xi32, #tpu.memory_space<vmem>>, vector<16xi32>,
      tpu.vector_store_idx %arg6[%get3A_30], %broadcast_in_dim3A_7 {add = true} : memref<10240xf32, #tpu.memory_space<vmem>>[vector<16xi32>], vector<16xf32>,
      %get3A_31 = arith.index_cast %scan3A_16 : i32 to index
      %get3A_32 = arith.constant 32 : index
      %get3A_33 = tpu.vector_load %arg5[%get3A_31, %get3A_32] {strides = array<i32>} : memref<40x128xi32, #tpu.memory_space<vmem>>, vector<16xi32>,
      tpu.vector_store_idx %arg7[%get3A_33], %broadcast_in_dim3A_7 {add = true} : memref<10240xf32, #tpu.memory_space<vmem>>[vector<16xi32>], vector<16xf32>,
      %get3A_34 = arith.index_cast %scan3A_16 : i32 to index
      %get3A_35 = arith.constant 48 : index
      %get3A_36 = tpu.vector_load %arg4[%get3A_34, %get3A_35] {strides = array<i32>} : memref<40x128xi32, #tpu.memory_space<vmem>>, vector<16xi32>,
      tpu.vector_store_idx %arg6[%get3A_36], %broadcast_in_dim3A_7 {add = true} : memref<10240xf32, #tpu.memory_space<vmem>>[vector<16xi32>], vector<16xf32>,
      %get3A_37 = arith.index_cast %scan3A_16 : i32 to index
      %get3A_38 = arith.constant 48 : index
      %get3A_39 = tpu.vector_load %arg5[%get3A_37, %get3A_38] {strides = array<i32>} : memref<40x128xi32, #tpu.memory_space<vmem>>, vector<16xi32>,
      tpu.vector_store_idx %arg7[%get3A_39], %broadcast_in_dim3A_7 {add = true} : memref<10240xf32, #tpu.memory_space<vmem>>[vector<16xi32>], vector<16xf32>,
      %get3A_40 = arith.index_cast %scan3A_16 : i32 to index
      %get3A_41 = arith.constant 64 : index
      %get3A_42 = tpu.vector_load %arg4[%get3A_40, %get3A_41] {strides = array<i32>} : memref<40x128xi32, #tpu.memory_space<vmem>>, vector<16xi32>,
      tpu.vector_store_idx %arg6[%get3A_42], %broadcast_in_dim3A_7 {add = true} : memref<10240xf32, #tpu.memory_space<vmem>>[vector<16xi32>], vector<16xf32>,
      %get3A_43 = arith.index_cast %scan3A_16 : i32 to index
      %get3A_44 = arith.constant 64 : index
      %get3A_45 = tpu.vector_load %arg5[%get3A_43, %get3A_44] {strides = array<i32>} : memref<40x128xi32, #tpu.memory_space<vmem>>, vector<16xi32>,
      tpu.vector_store_idx %arg7[%get3A_45], %broadcast_in_dim3A_7 {add = true} : memref<10240xf32, #tpu.memory_space<vmem>>[vector<16xi32>], vector<16xf32>,
      %get3A_46 = arith.index_cast %scan3A_16 : i32 to index
      %get3A_47 = arith.constant 80 : index
      %get3A_48 = tpu.vector_load %arg4[%get3A_46, %get3A_47] {strides = array<i32>} : memref<40x128xi32, #tpu.memory_space<vmem>>, vector<16xi32>,
      tpu.vector_store_idx %arg6[%get3A_48], %broadcast_in_dim3A_7 {add = true} : memref<10240xf32, #tpu.memory_space<vmem>>[vector<16xi32>], vector<16xf32>,
      %get3A_49 = arith.index_cast %scan3A_16 : i32 to index
      %get3A_50 = arith.constant 80 : index
      %get3A_51 = tpu.vector_load %arg5[%get3A_49, %get3A_50] {strides = array<i32>} : memref<40x128xi32, #tpu.memory_space<vmem>>, vector<16xi32>,
      tpu.vector_store_idx %arg7[%get3A_51], %broadcast_in_dim3A_7 {add = true} : memref<10240xf32, #tpu.memory_space<vmem>>[vector<16xi32>], vector<16xf32>,
      %get3A_52 = arith.index_cast %scan3A_16 : i32 to index
      %get3A_53 = arith.constant 96 : index
      %get3A_54 = tpu.vector_load %arg4[%get3A_52, %get3A_53] {strides = array<i32>} : memref<40x128xi32, #tpu.memory_space<vmem>>, vector<16xi32>,
      tpu.vector_store_idx %arg6[%get3A_54], %broadcast_in_dim3A_7 {add = true} : memref<10240xf32, #tpu.memory_space<vmem>>[vector<16xi32>], vector<16xf32>,
      %get3A_55 = arith.index_cast %scan3A_16 : i32 to index
      %get3A_56 = arith.constant 96 : index
      %get3A_57 = tpu.vector_load %arg5[%get3A_55, %get3A_56] {strides = array<i32>} : memref<40x128xi32, #tpu.memory_space<vmem>>, vector<16xi32>,
      tpu.vector_store_idx %arg7[%get3A_57], %broadcast_in_dim3A_7 {add = true} : memref<10240xf32, #tpu.memory_space<vmem>>[vector<16xi32>], vector<16xf32>,
      %get3A_58 = arith.index_cast %scan3A_16 : i32 to index
      %get3A_59 = arith.constant 112 : index
      %get3A_60 = tpu.vector_load %arg4[%get3A_58, %get3A_59] {strides = array<i32>} : memref<40x128xi32, #tpu.memory_space<vmem>>, vector<16xi32>,
      tpu.vector_store_idx %arg6[%get3A_60], %broadcast_in_dim3A_7 {add = true} : memref<10240xf32, #tpu.memory_space<vmem>>[vector<16xi32>], vector<16xf32>,
      %get3A_61 = arith.index_cast %scan3A_16 : i32 to index
      %get3A_62 = arith.constant 112 : index
      %get3A_63 = tpu.vector_load %arg5[%get3A_61, %get3A_62] {strides = array<i32>} : memref<40x128xi32, #tpu.memory_space<vmem>>, vector<16xi32>,
      tpu.vector_store_idx %arg7[%get3A_63], %broadcast_in_dim3A_7 {add = true} : memref<10240xf32, #tpu.memory_space<vmem>>[vector<16xi32>], vector<16xf32>,
    }
    %scan3A_13 = arith.constant 40 : i32
    %run_scoped3A_14 = arith.constant 0 : i32
    "tpu.region"() ({
      %run_scoped3A_16 = tpu.sem_alloc : memref<!tpu.dma_semaphore, #tpu.memory_space<semaphore_mem>>
      %dma_start3A = arith.constant 0 : i32
      %dma_start3A_17 = tpu.memref_slice %arg3[%add3A, %run_scoped3A_14, %dma_start3A] : memref<32x2x10240xf32, #tpu.memory_space<hbm>> -> memref<1x1x10240xf32, #tpu.memory_space<hbm>>
      %dma_start3A_18 = tpu.memref_squeeze %dma_start3A_17 : memref<1x1x10240xf32, #tpu.memory_space<hbm>> -> memref<10240xf32, #tpu.memory_space<hbm>>
      %dma_start3A_19 = arith.constant 0 : i32
      %dma_start3A_20 = tpu.memref_slice %arg3[%add3A, %run_scoped3A_14, %dma_start3A_19] : memref<32x2x10240xf32, #tpu.memory_space<hbm>> -> memref<1x1x10240xf32, #tpu.memory_space<hbm>>
      %dma_start3A_21 = tpu.memref_squeeze %dma_start3A_20 : memref<1x1x10240xf32, #tpu.memory_space<hbm>> -> memref<10240xf32, #tpu.memory_space<hbm>>
      tpu.enqueue_dma source(%arg6 : memref<10240xf32, #tpu.memory_space<vmem>>) target(%dma_start3A_21 : memref<10240xf32, #tpu.memory_space<hbm>>) target_semaphore(%run_scoped3A_16 : memref<!tpu.dma_semaphore, #tpu.memory_space<semaphore_mem>>)
      %dma_wait3A = arith.constant 0 : i32
      %dma_wait3A_22 = tpu.memref_slice %arg3[%add3A, %run_scoped3A_14, %dma_wait3A] : memref<32x2x10240xf32, #tpu.memory_space<hbm>> -> memref<1x1x10240xf32, #tpu.memory_space<hbm>>
      %dma_wait3A_23 = tpu.memref_squeeze %dma_wait3A_22 : memref<1x1x10240xf32, #tpu.memory_space<hbm>> -> memref<10240xf32, #tpu.memory_space<hbm>>
      %dma_wait3A_24 = arith.constant 0 : i32
      %dma_wait3A_25 = tpu.memref_slice %arg3[%add3A, %run_scoped3A_14, %dma_wait3A_24] : memref<32x2x10240xf32, #tpu.memory_space<hbm>> -> memref<1x1x10240xf32, #tpu.memory_space<hbm>>
      %dma_wait3A_26 = tpu.memref_squeeze %dma_wait3A_25 : memref<1x1x10240xf32, #tpu.memory_space<hbm>> -> memref<10240xf32, #tpu.memory_space<hbm>>
      tpu.wait_dma2 semaphore(%run_scoped3A_16 : memref<!tpu.dma_semaphore, #tpu.memory_space<semaphore_mem>>) src(%arg6 : memref<10240xf32, #tpu.memory_space<vmem>>) dst(%dma_wait3A_26 : memref<10240xf32, #tpu.memory_space<hbm>>)
      tpu.yield
    }) : () -> ()
    %run_scoped3A_15 = arith.constant 1 : i32
    "tpu.region"() ({
      %run_scoped3A_16 = tpu.sem_alloc : memref<!tpu.dma_semaphore, #tpu.memory_space<semaphore_mem>>
      %dma_start3A = arith.constant 0 : i32
      %dma_start3A_17 = tpu.memref_slice %arg3[%add3A, %run_scoped3A_15, %dma_start3A] : memref<32x2x10240xf32, #tpu.memory_space<hbm>> -> memref<1x1x10240xf32, #tpu.memory_space<hbm>>
      %dma_start3A_18 = tpu.memref_squeeze %dma_start3A_17 : memref<1x1x10240xf32, #tpu.memory_space<hbm>> -> memref<10240xf32, #tpu.memory_space<hbm>>
      %dma_start3A_19 = arith.constant 0 : i32
      %dma_start3A_20 = tpu.memref_slice %arg3[%add3A, %run_scoped3A_15, %dma_start3A_19] : memref<32x2x10240xf32, #tpu.memory_space<hbm>> -> memref<1x1x10240xf32, #tpu.memory_space<hbm>>
      %dma_start3A_21 = tpu.memref_squeeze %dma_start3A_20 : memref<1x1x10240xf32, #tpu.memory_space<hbm>> -> memref<10240xf32, #tpu.memory_space<hbm>>
      tpu.enqueue_dma source(%arg7 : memref<10240xf32, #tpu.memory_space<vmem>>) target(%dma_start3A_21 : memref<10240xf32, #tpu.memory_space<hbm>>) target_semaphore(%run_scoped3A_16 : memref<!tpu.dma_semaphore, #tpu.memory_space<semaphore_mem>>)
      %dma_wait3A = arith.constant 0 : i32
      %dma_wait3A_22 = tpu.memref_slice %arg3[%add3A, %run_scoped3A_15, %dma_wait3A] : memref<32x2x10240xf32, #tpu.memory_space<hbm>> -> memref<1x1x10240xf32, #tpu.memory_space<hbm>>
      %dma_wait3A_23 = tpu.memref_squeeze %dma_wait3A_22 : memref<1x1x10240xf32, #tpu.memory_space<hbm>> -> memref<10240xf32, #tpu.memory_space<hbm>>
      %dma_wait3A_24 = arith.constant 0 : i32
      %dma_wait3A_25 = tpu.memref_slice %arg3[%add3A, %run_scoped3A_15, %dma_wait3A_24] : memref<32x2x10240xf32, #tpu.memory_space<hbm>> -> memref<1x1x10240xf32, #tpu.memory_space<hbm>>
      %dma_wait3A_26 = tpu.memref_squeeze %dma_wait3A_25 : memref<1x1x10240xf32, #tpu.memory_space<hbm>> -> memref<10240xf32, #tpu.memory_space<hbm>>
      tpu.wait_dma2 semaphore(%run_scoped3A_16 : memref<!tpu.dma_semaphore, #tpu.memory_space<semaphore_mem>>) src(%arg7 : memref<10240xf32, #tpu.memory_space<vmem>>) dst(%dma_wait3A_26 : memref<10240xf32, #tpu.memory_space<hbm>>)
      tpu.yield
    }) : () -> ()
    return
  }
}

module attributes {stable_mosaic.version = 14 : i64} {
  func.func @body(%arg0: i32, %arg1: i32, %arg2: memref<1x256x128xi32, #tpu.memory_space<vmem>>, %arg3: memref<1x256x128xi32, #tpu.memory_space<vmem>>) attributes {dimension_semantics = [#tpu.dimension_semantics<arbitrary>, #tpu.dimension_semantics<arbitrary>], iteration_bounds = array<i64: 2, 10>, scalar_prefetch = 0 : i64, scratch_operands = 0 : i64, tpu.core_type = #tpu.core_type<tc>, window_params = [{transform_indices = @transform_0, window_bounds = array<i64: 1, 256, 128>}, {transform_indices = @transform_1, window_bounds = array<i64: 1, 256, 128>}]} {
    %mul3A = arith.constant 256 : i32
    %mul3A_0 = arith.muli %arg1, %mul3A : i32
    %iota3A = tpu.iota {dimensions = array<i32: 0>} : vector<256x128xi32>
    %add3A = vector.broadcast %mul3A_0 : i32 to vector<256x128xi32>
    %add3A_1 = arith.addi %add3A, %iota3A : vector<256x128xi32>
    %lt3A = arith.constant 2500 : i32
    %lt3A_2 = vector.broadcast %lt3A : i32 to vector<256x128xi32>
    %lt3A_3 = arith.cmpi slt, %add3A_1, %lt3A_2 : vector<256x128xi32>
    %get3A = arith.constant 0 : index
    %get3A_4 = arith.constant 0 : index
    %get3A_5 = arith.constant 0 : index
    %get3A_6 = vector.load %arg2[%get3A, %get3A_4, %get3A_5] : memref<1x256x128xi32, #tpu.memory_space<vmem>>, vector<1x256x128xi32>
    %get3A_7 = vector.shape_cast %get3A_6 : vector<1x256x128xi32> to vector<256x128xi32>
    %jit3A = arith.constant 10000 : i32
    %broadcast_in_dim3A = vector.broadcast %jit3A : i32 to vector<256x128xi32>
    %select_n3A = arith.select %lt3A_3, %get3A_7, %broadcast_in_dim3A : vector<256x128xi1>, vector<256x128xi32>
    %broadcast_in_dim3A_8 = vector.shape_cast %select_n3A : vector<256x128xi32> to vector<1x256x128xi32>
    %swap3A = arith.constant 0 : index
    %swap3A_9 = arith.constant 0 : index
    %swap3A_10 = arith.constant 0 : index
    %swap3A_11 = vector.load %arg3[%swap3A, %swap3A_9, %swap3A_10] : memref<1x256x128xi32, #tpu.memory_space<vmem>>, vector<1x256x128xi32>
    tpu.vector_store %arg3[%swap3A, %swap3A_9, %swap3A_10], %broadcast_in_dim3A_8 {strides = array<i32>} : memref<1x256x128xi32, #tpu.memory_space<vmem>>, vector<1x256x128xi32>,
    return
  }
  func.func @transform_0(%arg0: i32, %arg1: i32) -> (i32, i32, i32) {
    %c0_i32 = arith.constant 0 : i32
    %c0_i32_0 = arith.constant 0 : i32
    return %arg0, %arg1, %c0_i32 : i32, i32, i32
  }
  func.func @transform_1(%arg0: i32, %arg1: i32) -> (i32, i32, i32) {
    %c0_i32 = arith.constant 0 : i32
    %c0_i32_0 = arith.constant 0 : i32
    return %arg0, %arg1, %c0_i32 : i32, i32, i32
  }
}

module attributes {stable_mosaic.version = 14 : i64} {
  func.func @body(%arg0: i32, %arg1: i32, %arg2: memref<1x256x128xi32, #tpu.memory_space<vmem>>, %arg3: memref<1x256x128xi32, #tpu.memory_space<vmem>>) attributes {dimension_semantics = [#tpu.dimension_semantics<arbitrary>, #tpu.dimension_semantics<arbitrary>], iteration_bounds = array<i64: 2, 5>, scalar_prefetch = 0 : i64, scratch_operands = 0 : i64, tpu.core_type = #tpu.core_type<tc>, window_params = [{transform_indices = @transform_0, window_bounds = array<i64: 1, 256, 128>}, {transform_indices = @transform_1, window_bounds = array<i64: 1, 256, 128>}]} {
    %mul3A = arith.constant 256 : i32
    %mul3A_0 = arith.muli %arg1, %mul3A : i32
    %iota3A = tpu.iota {dimensions = array<i32: 0>} : vector<256x128xi32>
    %add3A = vector.broadcast %mul3A_0 : i32 to vector<256x128xi32>
    %add3A_1 = arith.addi %add3A, %iota3A : vector<256x128xi32>
    %lt3A = arith.constant 1250 : i32
    %lt3A_2 = vector.broadcast %lt3A : i32 to vector<256x128xi32>
    %lt3A_3 = arith.cmpi slt, %add3A_1, %lt3A_2 : vector<256x128xi32>
    %get3A = arith.constant 0 : index
    %get3A_4 = arith.constant 0 : index
    %get3A_5 = arith.constant 0 : index
    %get3A_6 = vector.load %arg2[%get3A, %get3A_4, %get3A_5] : memref<1x256x128xi32, #tpu.memory_space<vmem>>, vector<1x256x128xi32>
    %get3A_7 = vector.shape_cast %get3A_6 : vector<1x256x128xi32> to vector<256x128xi32>
    %jit3A = arith.constant 5000 : i32
    %broadcast_in_dim3A = vector.broadcast %jit3A : i32 to vector<256x128xi32>
    %select_n3A = arith.select %lt3A_3, %get3A_7, %broadcast_in_dim3A : vector<256x128xi1>, vector<256x128xi32>
    %broadcast_in_dim3A_8 = vector.shape_cast %select_n3A : vector<256x128xi32> to vector<1x256x128xi32>
    %swap3A = arith.constant 0 : index
    %swap3A_9 = arith.constant 0 : index
    %swap3A_10 = arith.constant 0 : index
    %swap3A_11 = vector.load %arg3[%swap3A, %swap3A_9, %swap3A_10] : memref<1x256x128xi32, #tpu.memory_space<vmem>>, vector<1x256x128xi32>
    tpu.vector_store %arg3[%swap3A, %swap3A_9, %swap3A_10], %broadcast_in_dim3A_8 {strides = array<i32>} : memref<1x256x128xi32, #tpu.memory_space<vmem>>, vector<1x256x128xi32>,
    return
  }
  func.func @transform_0(%arg0: i32, %arg1: i32) -> (i32, i32, i32) {
    %c0_i32 = arith.constant 0 : i32
    %c0_i32_0 = arith.constant 0 : i32
    return %arg0, %arg1, %c0_i32 : i32, i32, i32
  }
  func.func @transform_1(%arg0: i32, %arg1: i32) -> (i32, i32, i32) {
    %c0_i32 = arith.constant 0 : i32
    %c0_i32_0 = arith.constant 0 : i32
    return %arg0, %arg1, %c0_i32 : i32, i32, i32
  }
}

module attributes {stable_mosaic.version = 14 : i64} {
  func.func @body(%arg0: i32, %arg1: memref<1000x128xf32, #tpu.memory_space<vmem>>, %arg2: memref<1000x128xf32, #tpu.memory_space<vmem>>) attributes {dimension_semantics = [#tpu.dimension_semantics<arbitrary>], iteration_bounds = array<i64: 5>, scalar_prefetch = 0 : i64, scratch_operands = 0 : i64, tpu.core_type = #tpu.core_type<tc>, window_params = [{transform_indices = @transform_0, window_bounds = array<i64: 1000, 128>}, {transform_indices = @transform_1, window_bounds = array<i64: 1000, 128>}]} {
    %get3A = arith.constant 0 : index
    %get3A_0 = arith.constant 0 : index
    %get3A_1 = vector.load %arg1[%get3A, %get3A_0] : memref<1000x128xf32, #tpu.memory_space<vmem>>, vector<1000x128xf32>
    %swap3A = arith.constant 0 : index
    %swap3A_2 = arith.constant 0 : index
    %swap3A_3 = vector.load %arg2[%swap3A, %swap3A_2] : memref<1000x128xf32, #tpu.memory_space<vmem>>, vector<1000x128xf32>
    tpu.vector_store %arg2[%swap3A, %swap3A_2], %get3A_1 {strides = array<i32>} : memref<1000x128xf32, #tpu.memory_space<vmem>>, vector<1000x128xf32>,
    return
  }
  func.func @transform_0(%arg0: i32) -> (i32, i32) {
    %c0_i32 = arith.constant 0 : i32
    %c0_i32_0 = arith.constant 0 : i32
    return %arg0, %c0_i32 : i32, i32
  }
  func.func @transform_1(%arg0: i32) -> (i32, i32) {
    %c0_i32 = arith.constant 0 : i32
    %c0_i32_0 = arith.constant 0 : i32
    return %arg0, %c0_i32 : i32, i32
  }
}

module attributes {stable_mosaic.version = 14 : i64} {
  func.func @body(%arg0: i32, %arg1: memref<1000x128xf32, #tpu.memory_space<vmem>>, %arg2: memref<1000x128xf32, #tpu.memory_space<vmem>>, %arg3: memref<1000x128xf32, #tpu.memory_space<vmem>>, %arg4: memref<1000x128xf32, #tpu.memory_space<vmem>>) attributes {dimension_semantics = [#tpu.dimension_semantics<arbitrary>], iteration_bounds = array<i64: 10>, scalar_prefetch = 0 : i64, scratch_operands = 0 : i64, tpu.core_type = #tpu.core_type<tc>, window_params = [{transform_indices = @transform_0, window_bounds = array<i64: 1000, 128>}, {transform_indices = @transform_1, window_bounds = array<i64: 1000, 128>}, {transform_indices = @transform_2, window_bounds = array<i64: 1000, 128>}, {transform_indices = @transform_3, window_bounds = array<i64: 1000, 128>}]} {
    %lt3A = arith.constant 5 : i32
    %lt3A_0 = arith.cmpi slt, %arg0, %lt3A : i32
    %get3A = arith.constant 0 : index
    %get3A_1 = arith.constant 0 : index
    %get3A_2 = vector.load %arg1[%get3A, %get3A_1] : memref<1000x128xf32, #tpu.memory_space<vmem>>, vector<1000x128xf32>
    %get3A_3 = arith.constant 0 : index
    %get3A_4 = arith.constant 0 : index
    %get3A_5 = vector.load %arg2[%get3A_3, %get3A_4] : memref<1000x128xf32, #tpu.memory_space<vmem>>, vector<1000x128xf32>
    %select_n3A = arith.select %lt3A_0, %get3A_2, %get3A_5 : vector<1000x128xf32>
    %swap3A = arith.constant 0 : index
    %swap3A_6 = arith.constant 0 : index
    %swap3A_7 = vector.load %arg3[%swap3A, %swap3A_6] : memref<1000x128xf32, #tpu.memory_space<vmem>>, vector<1000x128xf32>
    tpu.vector_store %arg3[%swap3A, %swap3A_6], %select_n3A {strides = array<i32>} : memref<1000x128xf32, #tpu.memory_space<vmem>>, vector<1000x128xf32>,
    %swap3A_8 = arith.constant 0 : index
    %swap3A_9 = arith.constant 0 : index
    %swap3A_10 = vector.load %arg4[%swap3A_8, %swap3A_9] : memref<1000x128xf32, #tpu.memory_space<vmem>>, vector<1000x128xf32>
    tpu.vector_store %arg4[%swap3A_8, %swap3A_9], %select_n3A {strides = array<i32>} : memref<1000x128xf32, #tpu.memory_space<vmem>>, vector<1000x128xf32>,
    return
  }
  func.func @transform_0(%arg0: i32) -> (i32, i32) {
    %lt3A = arith.constant 5 : i32
    %lt3A_0 = arith.cmpi slt, %arg0, %lt3A : i32
    %jit3A = arith.constant 0 : i32
    %select_n3A = arith.select %lt3A_0, %arg0, %jit3A : i32
    %c0_i32 = arith.constant 0 : i32
    %c0_i32_1 = arith.constant 0 : i32
    return %select_n3A, %c0_i32 : i32, i32
  }
  func.func @transform_1(%arg0: i32) -> (i32, i32) {
    %lt3A = arith.constant 5 : i32
    %lt3A_0 = arith.cmpi slt, %arg0, %lt3A : i32
    %sub3A = arith.constant 5 : i32
    %sub3A_1 = arith.subi %arg0, %sub3A : i32
    %jit3A = arith.constant 0 : i32
    %select_n3A = arith.select %lt3A_0, %jit3A, %sub3A_1 : i32
    %c0_i32 = arith.constant 0 : i32
    %c0_i32_2 = arith.constant 0 : i32
    return %select_n3A, %c0_i32 : i32, i32
  }
  func.func @transform_2(%arg0: i32) -> (i32, i32) {
    %c0_i32 = arith.constant 0 : i32
    %c0_i32_0 = arith.constant 0 : i32
    return %arg0, %c0_i32 : i32, i32
  }
  func.func @transform_3(%arg0: i32) -> (i32, i32) {
    %c0_i32 = arith.constant 0 : i32
    %c0_i32_0 = arith.constant 0 : i32
    return %arg0, %c0_i32 : i32, i32
  }
}

module attributes {stable_mosaic.version = 14 : i64} {
  func.func @body(%arg0: i32, %arg1: i32, %arg2: i32, %arg3: memref<1x1x1024x1xf32, #tpu.memory_space<vmem>>, %arg4: memref<1x1024x1xf32, #tpu.memory_space<vmem>>, %arg5: memref<1024x1xf32, #tpu.memory_space<vmem>>) attributes {dimension_semantics = [#tpu.dimension_semantics<arbitrary>, #tpu.dimension_semantics<arbitrary>, #tpu.dimension_semantics<arbitrary>], iteration_bounds = array<i64: 2, 10, 32>, scalar_prefetch = 0 : i64, scratch_operands = 1 : i64, tpu.core_type = #tpu.core_type<tc>, window_params = [{transform_indices = @transform_0, window_bounds = array<i64: 1, 1, 1024, 1>}, {transform_indices = @transform_1, window_bounds = array<i64: 1, 1024, 1>}]} {
    %eq3A = arith.constant 0 : i32
    %eq3A_0 = arith.cmpi eq, %arg2, %eq3A : i32
    %convert_element_type3A = arith.extui %eq3A_0 : i1 to i32
    %cond3A = arith.constant 0 : i32
    %cond3A_1 = arith.cmpi ne, %convert_element_type3A, %cond3A : i32
    scf.if %cond3A_1 {
      %broadcast_in_dim3A = arith.constant 0.000000e+00 : f32
      %broadcast_in_dim3A_17 = vector.broadcast %broadcast_in_dim3A : f32 to vector<1024x1xf32>
      %swap3A_18 = arith.constant 0 : index
      %swap3A_19 = arith.constant 0 : index
      %swap3A_20 = vector.load %arg5[%swap3A_18, %swap3A_19] : memref<1024x1xf32, #tpu.memory_space<vmem>>, vector<1024x1xf32>
      tpu.vector_store %arg5[%swap3A_18, %swap3A_19], %broadcast_in_dim3A_17 {strides = array<i32>} : memref<1024x1xf32, #tpu.memory_space<vmem>>, vector<1024x1xf32>,
    } else {
    }
    %get3A = arith.constant 0 : index
    %get3A_2 = arith.constant 0 : index
    %get3A_3 = vector.load %arg5[%get3A, %get3A_2] : memref<1024x1xf32, #tpu.memory_space<vmem>>, vector<1024x1xf32>
    %get3A_4 = arith.constant 0 : index
    %get3A_5 = arith.constant 0 : index
    %get3A_6 = arith.constant 0 : index
    %get3A_7 = arith.constant 0 : index
    %get3A_8 = vector.load %arg3[%get3A_4, %get3A_5, %get3A_6, %get3A_7] : memref<1x1x1024x1xf32, #tpu.memory_space<vmem>>, vector<1x1x1024x1xf32>
    %get3A_9 = vector.shape_cast %get3A_8 : vector<1x1x1024x1xf32> to vector<1024x1xf32>
    %add3A = arith.addf %get3A_3, %get3A_9 : vector<1024x1xf32>
    %swap3A = arith.constant 0 : index
    %swap3A_10 = arith.constant 0 : index
    %swap3A_11 = vector.load %arg5[%swap3A, %swap3A_10] : memref<1024x1xf32, #tpu.memory_space<vmem>>, vector<1024x1xf32>
    tpu.vector_store %arg5[%swap3A, %swap3A_10], %add3A {strides = array<i32>} : memref<1024x1xf32, #tpu.memory_space<vmem>>, vector<1024x1xf32>,
    %eq3A_12 = arith.constant 31 : i32
    %eq3A_13 = arith.cmpi eq, %arg2, %eq3A_12 : i32
    %convert_element_type3A_14 = arith.extui %eq3A_13 : i1 to i32
    %cond3A_15 = arith.constant 0 : i32
    %cond3A_16 = arith.cmpi ne, %convert_element_type3A_14, %cond3A_15 : i32
    scf.if %cond3A_16 {
      %get3A_17 = arith.constant 0 : index
      %get3A_18 = arith.constant 0 : index
      %get3A_19 = vector.load %arg5[%get3A_17, %get3A_18] : memref<1024x1xf32, #tpu.memory_space<vmem>>, vector<1024x1xf32>
      %max3A = arith.constant 1.000000e+00 : f32
      %max3A_20 = vector.broadcast %max3A : f32 to vector<1024x1xf32>
      %max3A_21 = arith.maximumf %get3A_19, %max3A_20 : vector<1024x1xf32>
      %rsqrt3A = math.rsqrt %max3A_21 : vector<1024x1xf32>
      %broadcast_in_dim3A = vector.shape_cast %rsqrt3A : vector<1024x1xf32> to vector<1x1024x1xf32>
      %swap3A_22 = arith.constant 0 : index
      %swap3A_23 = arith.constant 0 : index
      %swap3A_24 = arith.constant 0 : index
      %swap3A_25 = vector.load %arg4[%swap3A_22, %swap3A_23, %swap3A_24] : memref<1x1024x1xf32, #tpu.memory_space<vmem>>, vector<1x1024x1xf32>
      tpu.vector_store %arg4[%swap3A_22, %swap3A_23, %swap3A_24], %broadcast_in_dim3A {strides = array<i32>} : memref<1x1024x1xf32, #tpu.memory_space<vmem>>, vector<1x1024x1xf32>,
    } else {
    }
    return
  }
  func.func @transform_0(%arg0: i32, %arg1: i32, %arg2: i32) -> (i32, i32, i32, i32) {
    %c0_i32 = arith.constant 0 : i32
    %c0_i32_0 = arith.constant 0 : i32
    return %arg2, %arg0, %arg1, %c0_i32 : i32, i32, i32, i32
  }
  func.func @transform_1(%arg0: i32, %arg1: i32, %arg2: i32) -> (i32, i32, i32) {
    %c0_i32 = arith.constant 0 : i32
    %c0_i32_0 = arith.constant 0 : i32
    return %arg0, %arg1, %c0_i32 : i32, i32, i32
  }
}

module attributes {stable_mosaic.version = 14 : i64} {
  func.func @body(%arg0: i32, %arg1: memref<1000x128xf32, #tpu.memory_space<vmem>>, %arg2: memref<128x128xf32, #tpu.memory_space<vmem>>, %arg3: memref<1x1000x1xf32, #tpu.memory_space<vmem>>, %arg4: memref<1000x128xf32, #tpu.memory_space<vmem>>) attributes {dimension_semantics = [#tpu.dimension_semantics<arbitrary>], iteration_bounds = array<i64: 5>, scalar_prefetch = 0 : i64, scratch_operands = 0 : i64, tpu.core_type = #tpu.core_type<tc>, window_params = [{transform_indices = @transform_0, window_bounds = array<i64: 1000, 128>}, {pipeline_mode = #tpu.pipeline_mode<synchronous>, transform_indices = @transform_1, window_bounds = array<i64: 128, 128>}, {transform_indices = @transform_2, window_bounds = array<i64: 1, 1000, 1>}, {transform_indices = @transform_3, window_bounds = array<i64: 1000, 128>}]} {
    %get3A = arith.constant 0 : index
    %get3A_0 = arith.constant 0 : index
    %get3A_1 = vector.load %arg1[%get3A, %get3A_0] : memref<1000x128xf32, #tpu.memory_space<vmem>>, vector<1000x128xf32>
    %get3A_2 = arith.constant 0 : index
    %get3A_3 = arith.constant 0 : index
    %get3A_4 = vector.load %arg2[%get3A_2, %get3A_3] : memref<128x128xf32, #tpu.memory_space<vmem>>, vector<128x128xf32>
    %dot_general3A = arith.constant dense<0.000000e+00> : vector<1000x128xf32>
    %dot_general3A_5 = tpu.matmul %get3A_1, %get3A_4, %dot_general3A {dimension_numbers = #tpu.dot_dimension_numbers<[1], [0], [0], [1], [0, 0, 1, 1], [], []>, transpose_lhs_hint = false} : vector<1000x128xf32>, vector<128x128xf32>, vector<1000x128xf32> -> vector<1000x128xf32>
    %get3A_6 = arith.constant 0 : index
    %get3A_7 = arith.constant 0 : index
    %get3A_8 = arith.constant 0 : index
    %get3A_9 = vector.load %arg3[%get3A_6, %get3A_7, %get3A_8] : memref<1x1000x1xf32, #tpu.memory_space<vmem>>, vector<1x1000x1xf32>
    %get3A_10 = vector.shape_cast %get3A_9 : vector<1x1000x1xf32> to vector<1000x1xf32>
    %mul3A = vector.broadcast %get3A_10 : vector<1000x1xf32> to vector<1000x128xf32>
    %mul3A_11 = arith.mulf %dot_general3A_5, %mul3A : vector<1000x128xf32>
    %swap3A = arith.constant 0 : index
    %swap3A_12 = arith.constant 0 : index
    %swap3A_13 = vector.load %arg4[%swap3A, %swap3A_12] : memref<1000x128xf32, #tpu.memory_space<vmem>>, vector<1000x128xf32>
    tpu.vector_store %arg4[%swap3A, %swap3A_12], %mul3A_11 {strides = array<i32>} : memref<1000x128xf32, #tpu.memory_space<vmem>>, vector<1000x128xf32>,
    return
  }
  func.func @transform_0(%arg0: i32) -> (i32, i32) {
    %c0_i32 = arith.constant 0 : i32
    %c0_i32_0 = arith.constant 0 : i32
    return %arg0, %c0_i32 : i32, i32
  }
  func.func @transform_1(%arg0: i32) -> (i32, i32) {
    %c0_i32 = arith.constant 0 : i32
    %c0_i32_0 = arith.constant 0 : i32
    %c0_i32_1 = arith.constant 0 : i32
    return %c0_i32, %c0_i32_0 : i32, i32
  }
  func.func @transform_2(%arg0: i32) -> (i32, i32, i32) {
    %c0_i32 = arith.constant 0 : i32
    %c0_i32_0 = arith.constant 0 : i32
    %c0_i32_1 = arith.constant 0 : i32
    return %c0_i32, %arg0, %c0_i32_0 : i32, i32, i32
  }
  func.func @transform_3(%arg0: i32) -> (i32, i32) {
    %c0_i32 = arith.constant 0 : i32
    %c0_i32_0 = arith.constant 0 : i32
    return %arg0, %c0_i32 : i32, i32
  }
}

module attributes {stable_mosaic.version = 14 : i64} {
  func.func @body(%arg0: i32, %arg1: memref<1000x128xf32, #tpu.memory_space<vmem>>, %arg2: memref<128x128xf32, #tpu.memory_space<vmem>>, %arg3: memref<128x128xf32, #tpu.memory_space<vmem>>, %arg4: memref<1x1000x1xf32, #tpu.memory_space<vmem>>, %arg5: memref<1000x128xf32, #tpu.memory_space<vmem>>) attributes {dimension_semantics = [#tpu.dimension_semantics<arbitrary>], iteration_bounds = array<i64: 10>, scalar_prefetch = 0 : i64, scratch_operands = 0 : i64, tpu.core_type = #tpu.core_type<tc>, window_params = [{transform_indices = @transform_0, window_bounds = array<i64: 1000, 128>}, {pipeline_mode = #tpu.pipeline_mode<synchronous>, transform_indices = @transform_1, window_bounds = array<i64: 128, 128>}, {pipeline_mode = #tpu.pipeline_mode<synchronous>, transform_indices = @transform_2, window_bounds = array<i64: 128, 128>}, {transform_indices = @transform_3, window_bounds = array<i64: 1, 1000, 1>}, {transform_indices = @transform_4, window_bounds = array<i64: 1000, 128>}]} {
    %lt3A = arith.constant 5 : i32
    %lt3A_0 = arith.cmpi slt, %arg0, %lt3A : i32
    %get3A = arith.constant 0 : index
    %get3A_1 = arith.constant 0 : index
    %get3A_2 = vector.load %arg2[%get3A, %get3A_1] : memref<128x128xf32, #tpu.memory_space<vmem>>, vector<128x128xf32>
    %get3A_3 = arith.constant 0 : index
    %get3A_4 = arith.constant 0 : index
    %get3A_5 = vector.load %arg3[%get3A_3, %get3A_4] : memref<128x128xf32, #tpu.memory_space<vmem>>, vector<128x128xf32>
    %select_n3A = arith.select %lt3A_0, %get3A_2, %get3A_5 : vector<128x128xf32>
    %get3A_6 = arith.constant 0 : index
    %get3A_7 = arith.constant 0 : index
    %get3A_8 = vector.load %arg1[%get3A_6, %get3A_7] : memref<1000x128xf32, #tpu.memory_space<vmem>>, vector<1000x128xf32>
    %dot_general3A = arith.constant dense<0.000000e+00> : vector<1000x128xf32>
    %dot_general3A_9 = tpu.matmul %get3A_8, %select_n3A, %dot_general3A {dimension_numbers = #tpu.dot_dimension_numbers<[1], [0], [0], [1], [0, 0, 1, 1], [], []>, transpose_lhs_hint = false} : vector<1000x128xf32>, vector<128x128xf32>, vector<1000x128xf32> -> vector<1000x128xf32>
    %get3A_10 = arith.constant 0 : index
    %get3A_11 = arith.constant 0 : index
    %get3A_12 = arith.constant 0 : index
    %get3A_13 = vector.load %arg4[%get3A_10, %get3A_11, %get3A_12] : memref<1x1000x1xf32, #tpu.memory_space<vmem>>, vector<1x1000x1xf32>
    %get3A_14 = vector.shape_cast %get3A_13 : vector<1x1000x1xf32> to vector<1000x1xf32>
    %mul3A = vector.broadcast %get3A_14 : vector<1000x1xf32> to vector<1000x128xf32>
    %mul3A_15 = arith.mulf %dot_general3A_9, %mul3A : vector<1000x128xf32>
    %swap3A = arith.constant 0 : index
    %swap3A_16 = arith.constant 0 : index
    %swap3A_17 = vector.load %arg5[%swap3A, %swap3A_16] : memref<1000x128xf32, #tpu.memory_space<vmem>>, vector<1000x128xf32>
    tpu.vector_store %arg5[%swap3A, %swap3A_16], %mul3A_15 {strides = array<i32>} : memref<1000x128xf32, #tpu.memory_space<vmem>>, vector<1000x128xf32>,
    return
  }
  func.func @transform_0(%arg0: i32) -> (i32, i32) {
    %c0_i32 = arith.constant 0 : i32
    %c0_i32_0 = arith.constant 0 : i32
    return %arg0, %c0_i32 : i32, i32
  }
  func.func @transform_1(%arg0: i32) -> (i32, i32) {
    %c0_i32 = arith.constant 0 : i32
    %c0_i32_0 = arith.constant 0 : i32
    %c0_i32_1 = arith.constant 0 : i32
    return %c0_i32, %c0_i32_0 : i32, i32
  }
  func.func @transform_2(%arg0: i32) -> (i32, i32) {
    %c0_i32 = arith.constant 0 : i32
    %c0_i32_0 = arith.constant 0 : i32
    %c0_i32_1 = arith.constant 0 : i32
    return %c0_i32, %c0_i32_0 : i32, i32
  }
  func.func @transform_3(%arg0: i32) -> (i32, i32, i32) {
    %c0_i32 = arith.constant 0 : i32
    %c0_i32_0 = arith.constant 0 : i32
    %c0_i32_1 = arith.constant 0 : i32
    return %c0_i32, %arg0, %c0_i32_0 : i32, i32, i32
  }
  func.func @transform_4(%arg0: i32) -> (i32, i32) {
    %c0_i32 = arith.constant 0 : i32
    %c0_i32_0 = arith.constant 0 : i32
    return %arg0, %c0_i32 : i32, i32
  }
}

module attributes {stable_mosaic.version = 14 : i64} {
  func.func @body(%arg0: i32, %arg1: memref<1x1000x128xf32, #tpu.memory_space<vmem>>, %arg2: memref<1x1000x128xf32, #tpu.memory_space<vmem>>, %arg3: memref<1x1000x1xf32, #tpu.memory_space<vmem>>, %arg4: memref<1000x128xf32, #tpu.memory_space<vmem>>, %arg5: memref<1000x128xf32, #tpu.memory_space<vmem>>, %arg6: memref<1000x128xf32, #tpu.memory_space<vmem>>) attributes {dimension_semantics = [#tpu.dimension_semantics<arbitrary>], iteration_bounds = array<i64: 10>, scalar_prefetch = 0 : i64, scratch_operands = 0 : i64, tpu.core_type = #tpu.core_type<tc>, window_params = [{transform_indices = @transform_0, window_bounds = array<i64: 1, 1000, 128>}, {transform_indices = @transform_1, window_bounds = array<i64: 1, 1000, 128>}, {transform_indices = @transform_2, window_bounds = array<i64: 1, 1000, 1>}, {transform_indices = @transform_3, window_bounds = array<i64: 1000, 128>}, {transform_indices = @transform_4, window_bounds = array<i64: 1000, 128>}, {transform_indices = @transform_5, window_bounds = array<i64: 1000, 128>}]} {
    %get3A = arith.constant 0 : index
    %get3A_0 = arith.constant 0 : index
    %get3A_1 = arith.constant 0 : index
    %get3A_2 = vector.load %arg1[%get3A, %get3A_0, %get3A_1] : memref<1x1000x128xf32, #tpu.memory_space<vmem>>, vector<1x1000x128xf32>
    %get3A_3 = vector.shape_cast %get3A_2 : vector<1x1000x128xf32> to vector<1000x128xf32>
    %get3A_4 = arith.constant 0 : index
    %get3A_5 = arith.constant 0 : index
    %get3A_6 = arith.constant 0 : index
    %get3A_7 = vector.load %arg2[%get3A_4, %get3A_5, %get3A_6] : memref<1x1000x128xf32, #tpu.memory_space<vmem>>, vector<1x1000x128xf32>
    %get3A_8 = vector.shape_cast %get3A_7 : vector<1x1000x128xf32> to vector<1000x128xf32>
    %add3A = arith.addf %get3A_3, %get3A_8 : vector<1000x128xf32>
    %get3A_9 = arith.constant 0 : index
    %get3A_10 = arith.constant 0 : index
    %get3A_11 = arith.constant 0 : index
    %get3A_12 = vector.load %arg3[%get3A_9, %get3A_10, %get3A_11] : memref<1x1000x1xf32, #tpu.memory_space<vmem>>, vector<1x1000x1xf32>
    %get3A_13 = vector.shape_cast %get3A_12 : vector<1x1000x1xf32> to vector<1000x1xf32>
    %mul3A = vector.broadcast %get3A_13 : vector<1000x1xf32> to vector<1000x128xf32>
    %mul3A_14 = arith.mulf %add3A, %mul3A : vector<1000x128xf32>
    %ge3A = arith.constant 0.000000e+00 : f32
    %ge3A_15 = vector.broadcast %ge3A : f32 to vector<1000x128xf32>
    %ge3A_16 = arith.cmpf oge, %mul3A_14, %ge3A_15 : vector<1000x128xf32>
    %mul3A_17 = arith.constant 5.000000e-01 : f32
    %mul3A_18 = vector.broadcast %mul3A_17 : f32 to vector<1000x128xf32>
    %mul3A_19 = arith.mulf %mul3A_18, %mul3A_14 : vector<1000x128xf32>
    %select_n3A = arith.select %ge3A_16, %mul3A_14, %mul3A_19 : vector<1000x128xi1>, vector<1000x128xf32>
    %swap3A = arith.constant 0 : index
    %swap3A_20 = arith.constant 0 : index
    %swap3A_21 = vector.load %arg5[%swap3A, %swap3A_20] : memref<1000x128xf32, #tpu.memory_space<vmem>>, vector<1000x128xf32>
    tpu.vector_store %arg5[%swap3A, %swap3A_20], %select_n3A {strides = array<i32>} : memref<1000x128xf32, #tpu.memory_space<vmem>>, vector<1000x128xf32>,
    %mul3A_22 = arith.mulf %select_n3A, %select_n3A : vector<1000x128xf32>
    %reduce_sum3A = arith.constant dense<0.000000e+00> : vector<1000xf32>
    %reduce_sum3A_23 = vector.multi_reduction <add>, %mul3A_22, %reduce_sum3A [1] : vector<1000x128xf32> to vector<1000xf32>
    %broadcast_in_dim3A = vector.shape_cast %reduce_sum3A_23 : vector<1000xf32> to vector<1000x1xf32>
    %sqrt3A = math.sqrt %broadcast_in_dim3A : vector<1000x1xf32>
    %get3A_24 = arith.constant 0 : index
    %get3A_25 = arith.constant 0 : index
    %get3A_26 = vector.load %arg4[%get3A_24, %get3A_25] : memref<1000x128xf32, #tpu.memory_space<vmem>>, vector<1000x128xf32>
    %max3A = arith.constant 9.99999996E-13 : f32
    %max3A_27 = vector.broadcast %max3A : f32 to vector<1000x1xf32>
    %max3A_28 = arith.maximumf %sqrt3A, %max3A_27 : vector<1000x1xf32>
    %div3A = vector.broadcast %max3A_28 : vector<1000x1xf32> to vector<1000x128xf32>
    %div3A_29 = arith.divf %select_n3A, %div3A : vector<1000x128xf32>
    %add3A_30 = arith.addf %get3A_26, %div3A_29 : vector<1000x128xf32>
    %swap3A_31 = arith.constant 0 : index
    %swap3A_32 = arith.constant 0 : index
    %swap3A_33 = vector.load %arg6[%swap3A_31, %swap3A_32] : memref<1000x128xf32, #tpu.memory_space<vmem>>, vector<1000x128xf32>
    tpu.vector_store %arg6[%swap3A_31, %swap3A_32], %add3A_30 {strides = array<i32>} : memref<1000x128xf32, #tpu.memory_space<vmem>>, vector<1000x128xf32>,
    return
  }
  func.func @transform_0(%arg0: i32) -> (i32, i32, i32) {
    %c0_i32 = arith.constant 0 : i32
    %c0_i32_0 = arith.constant 0 : i32
    %c0_i32_1 = arith.constant 0 : i32
    return %c0_i32, %arg0, %c0_i32_0 : i32, i32, i32
  }
  func.func @transform_1(%arg0: i32) -> (i32, i32, i32) {
    %c1_i32 = arith.constant 1 : i32
    %c0_i32 = arith.constant 0 : i32
    %c0_i32_0 = arith.constant 0 : i32
    return %c1_i32, %arg0, %c0_i32 : i32, i32, i32
  }
  func.func @transform_2(%arg0: i32) -> (i32, i32, i32) {
    %c1_i32 = arith.constant 1 : i32
    %c0_i32 = arith.constant 0 : i32
    %c0_i32_0 = arith.constant 0 : i32
    return %c1_i32, %arg0, %c0_i32 : i32, i32, i32
  }
  func.func @transform_3(%arg0: i32) -> (i32, i32) {
    %c0_i32 = arith.constant 0 : i32
    %c0_i32_0 = arith.constant 0 : i32
    return %arg0, %c0_i32 : i32, i32
  }
  func.func @transform_4(%arg0: i32) -> (i32, i32) {
    %c0_i32 = arith.constant 0 : i32
    %c0_i32_0 = arith.constant 0 : i32
    return %arg0, %c0_i32 : i32, i32
  }
  func.func @transform_5(%arg0: i32) -> (i32, i32) {
    %c0_i32 = arith.constant 0 : i32
    %c0_i32_0 = arith.constant 0 : i32
    return %arg0, %c0_i32 : i32, i32
  }
}

module attributes {stable_mosaic.version = 14 : i64} {
  func.func @body(%arg0: i32, %arg1: memref<1x1000x128xf32, #tpu.memory_space<vmem>>, %arg2: memref<1x1000x128xf32, #tpu.memory_space<vmem>>, %arg3: memref<1x1000x1xf32, #tpu.memory_space<vmem>>, %arg4: memref<1000x128xf32, #tpu.memory_space<vmem>>, %arg5: memref<1000x128xf32, #tpu.memory_space<vmem>>, %arg6: memref<1000x128xf32, #tpu.memory_space<vmem>>) attributes {dimension_semantics = [#tpu.dimension_semantics<arbitrary>], iteration_bounds = array<i64: 5>, scalar_prefetch = 0 : i64, scratch_operands = 0 : i64, tpu.core_type = #tpu.core_type<tc>, window_params = [{transform_indices = @transform_0, window_bounds = array<i64: 1, 1000, 128>}, {transform_indices = @transform_1, window_bounds = array<i64: 1, 1000, 128>}, {transform_indices = @transform_2, window_bounds = array<i64: 1, 1000, 1>}, {transform_indices = @transform_3, window_bounds = array<i64: 1000, 128>}, {transform_indices = @transform_4, window_bounds = array<i64: 1000, 128>}, {transform_indices = @transform_5, window_bounds = array<i64: 1000, 128>}]} {
    %get3A = arith.constant 0 : index
    %get3A_0 = arith.constant 0 : index
    %get3A_1 = arith.constant 0 : index
    %get3A_2 = vector.load %arg1[%get3A, %get3A_0, %get3A_1] : memref<1x1000x128xf32, #tpu.memory_space<vmem>>, vector<1x1000x128xf32>
    %get3A_3 = vector.shape_cast %get3A_2 : vector<1x1000x128xf32> to vector<1000x128xf32>
    %get3A_4 = arith.constant 0 : index
    %get3A_5 = arith.constant 0 : index
    %get3A_6 = arith.constant 0 : index
    %get3A_7 = vector.load %arg2[%get3A_4, %get3A_5, %get3A_6] : memref<1x1000x128xf32, #tpu.memory_space<vmem>>, vector<1x1000x128xf32>
    %get3A_8 = vector.shape_cast %get3A_7 : vector<1x1000x128xf32> to vector<1000x128xf32>
    %add3A = arith.addf %get3A_3, %get3A_8 : vector<1000x128xf32>
    %get3A_9 = arith.constant 0 : index
    %get3A_10 = arith.constant 0 : index
    %get3A_11 = arith.constant 0 : index
    %get3A_12 = vector.load %arg3[%get3A_9, %get3A_10, %get3A_11] : memref<1x1000x1xf32, #tpu.memory_space<vmem>>, vector<1x1000x1xf32>
    %get3A_13 = vector.shape_cast %get3A_12 : vector<1x1000x1xf32> to vector<1000x1xf32>
    %mul3A = vector.broadcast %get3A_13 : vector<1000x1xf32> to vector<1000x128xf32>
    %mul3A_14 = arith.mulf %add3A, %mul3A : vector<1000x128xf32>
    %ge3A = arith.constant 0.000000e+00 : f32
    %ge3A_15 = vector.broadcast %ge3A : f32 to vector<1000x128xf32>
    %ge3A_16 = arith.cmpf oge, %mul3A_14, %ge3A_15 : vector<1000x128xf32>
    %mul3A_17 = arith.constant 5.000000e-01 : f32
    %mul3A_18 = vector.broadcast %mul3A_17 : f32 to vector<1000x128xf32>
    %mul3A_19 = arith.mulf %mul3A_18, %mul3A_14 : vector<1000x128xf32>
    %select_n3A = arith.select %ge3A_16, %mul3A_14, %mul3A_19 : vector<1000x128xi1>, vector<1000x128xf32>
    %swap3A = arith.constant 0 : index
    %swap3A_20 = arith.constant 0 : index
    %swap3A_21 = vector.load %arg5[%swap3A, %swap3A_20] : memref<1000x128xf32, #tpu.memory_space<vmem>>, vector<1000x128xf32>
    tpu.vector_store %arg5[%swap3A, %swap3A_20], %select_n3A {strides = array<i32>} : memref<1000x128xf32, #tpu.memory_space<vmem>>, vector<1000x128xf32>,
    %mul3A_22 = arith.mulf %select_n3A, %select_n3A : vector<1000x128xf32>
    %reduce_sum3A = arith.constant dense<0.000000e+00> : vector<1000xf32>
    %reduce_sum3A_23 = vector.multi_reduction <add>, %mul3A_22, %reduce_sum3A [1] : vector<1000x128xf32> to vector<1000xf32>
    %broadcast_in_dim3A = vector.shape_cast %reduce_sum3A_23 : vector<1000xf32> to vector<1000x1xf32>
    %sqrt3A = math.sqrt %broadcast_in_dim3A : vector<1000x1xf32>
    %get3A_24 = arith.constant 0 : index
    %get3A_25 = arith.constant 0 : index
    %get3A_26 = vector.load %arg4[%get3A_24, %get3A_25] : memref<1000x128xf32, #tpu.memory_space<vmem>>, vector<1000x128xf32>
    %max3A = arith.constant 9.99999996E-13 : f32
    %max3A_27 = vector.broadcast %max3A : f32 to vector<1000x1xf32>
    %max3A_28 = arith.maximumf %sqrt3A, %max3A_27 : vector<1000x1xf32>
    %div3A = vector.broadcast %max3A_28 : vector<1000x1xf32> to vector<1000x128xf32>
    %div3A_29 = arith.divf %select_n3A, %div3A : vector<1000x128xf32>
    %add3A_30 = arith.addf %get3A_26, %div3A_29 : vector<1000x128xf32>
    %swap3A_31 = arith.constant 0 : index
    %swap3A_32 = arith.constant 0 : index
    %swap3A_33 = vector.load %arg6[%swap3A_31, %swap3A_32] : memref<1000x128xf32, #tpu.memory_space<vmem>>, vector<1000x128xf32>
    tpu.vector_store %arg6[%swap3A_31, %swap3A_32], %add3A_30 {strides = array<i32>} : memref<1000x128xf32, #tpu.memory_space<vmem>>, vector<1000x128xf32>,
    return
  }
  func.func @transform_0(%arg0: i32) -> (i32, i32, i32) {
    %c0_i32 = arith.constant 0 : i32
    %c0_i32_0 = arith.constant 0 : i32
    %c0_i32_1 = arith.constant 0 : i32
    return %c0_i32, %arg0, %c0_i32_0 : i32, i32, i32
  }
  func.func @transform_1(%arg0: i32) -> (i32, i32, i32) {
    %c1_i32 = arith.constant 1 : i32
    %c0_i32 = arith.constant 0 : i32
    %c0_i32_0 = arith.constant 0 : i32
    return %c1_i32, %arg0, %c0_i32 : i32, i32, i32
  }
  func.func @transform_2(%arg0: i32) -> (i32, i32, i32) {
    %c1_i32 = arith.constant 1 : i32
    %c0_i32 = arith.constant 0 : i32
    %c0_i32_0 = arith.constant 0 : i32
    return %c1_i32, %arg0, %c0_i32 : i32, i32, i32
  }
  func.func @transform_3(%arg0: i32) -> (i32, i32) {
    %c0_i32 = arith.constant 0 : i32
    %c0_i32_0 = arith.constant 0 : i32
    return %arg0, %c0_i32 : i32, i32
  }
  func.func @transform_4(%arg0: i32) -> (i32, i32) {
    %c0_i32 = arith.constant 0 : i32
    %c0_i32_0 = arith.constant 0 : i32
    return %arg0, %c0_i32 : i32, i32
  }
  func.func @transform_5(%arg0: i32) -> (i32, i32) {
    %c0_i32 = arith.constant 0 : i32
    %c0_i32_0 = arith.constant 0 : i32
    return %arg0, %c0_i32 : i32, i32
  }
}

</mosaic_0001>

<sc_bundles>
// kernel: closed_call.26.cloned.1.call-start
scs
__scs_entry_jumppad:
0x0: {  	(pc) =	sbr.rel $0x88, $3  }
0x1: {  	(tag) =	ssettag $0x0;
	lr =	simm.s32 $0x1  }
0x2: {  	[smem:$0x3F9A] =	sst lr;
	_ =	strace $0xD0000000  }
0x3: {  	_ = 	snop  }
0x4: {  	_ = 	snop  }
0x5: {  	_ = 	snop  }
0x6: {  	_ = 	snop  }
0x7: {  	_ = 	snop  }
__scs_overlays_trampoline_lowered:
0x8: {  	[smem:$0x3FA9] =	sst s0  }
0x9: {  	[smem:$0x3FAA] =	sst s1  }
0xa: {  	[smem:$0x3FAB] =	sst s2  }
0xb: {  	[smem:$0x3FAC] =	sst s3  }
0xc: {  	[smem:$0x3FAD] =	sst s4  }
0xd: {  	[smem:$0x3FAE] =	sst s5  }
0xe: {  	[smem:$0x3FAF] =	sst s6  }
0xf: {  	[smem:$0x3FB0] =	sst s7  }
0x10: {  	[smem:$0x3FB1] =	sst s8  }
0x11: {  	[smem:$0x3FB2] =	sst s9;
	s0 =	simm.s32 @!p0 $0x0  }
0x12: {  	s1 =	sld [smem:$0x3F98];
	s0 =	simm.s32 @p0 $0x1  }
0x13: {  	[smem:$0x3FB3] =	sst s0;
	s0 =	simm.s32 @!p1 $0x0  }
0x14: {  	s2 =	sld [smem:$0x3F97];
	s0 =	simm.s32 @p1 $0x1  }
0x15: {  	[smem:$0x3FB4] =	sst s0;
	s0 =	simm.s32 @!p2 $0x0  }
0x16: {  	s3 =	sld [smem:$0x3FDB];
	s0 =	simm.s32 @p2 $0x1  }
0x17: {  	s4 =	simm.s32 $0x1BF5;
	[smem:$0x3FB6] =	sst s0  }
0x18: {  	s0 =	sld [smem:$0x3F99];
	_ =	swait.ge [sflag:s4], $0x0  }
0x19: {  	s7 =	sld [smem:$0x3F9A]  }
0x1a: {  	s8 =	sadd.s32 $0xFFFFE003, lr  }
0x1b: {  	s9 =	sadd.s32 $0xFFFFFEF7, lr;
	s5 =	simm.s32 $0xFFFFFFFF;
	p2 =	slt.u32 s8, $0xFFFFF086  }
0x1c: {  	p1 =	slt.u32 s9, $0xF7A;
	s5 =	simm.s32 @!p2 $0x0  }
0x1d: {  	s5 =	simm.s32 @p1 $0x1;
	p0 =	seq.s32 s7, s2  }
0x1e: {  	s7 =	smul.u32 @!p0 $0xF7A, s2;
	p2 =	seq.s32 @!p0 s5, $0x0  }
0x1f: {  	s9 =	smul.u32 $0xF7A, s1;
	s8 =	simm.s32 @!p0 $0x1BF5;
	p2 =	por !p2, p0  }
0x20: {  	[sflag:s8] =	ssyncset.s32 @!p0 $0xFFFFF086;
	s6 =	sadd.s32 @!p0 s3, s7;
	s7 =	simm.s32 @!p0 $0x108  }
0x21: {  	s3 =	sadd.s32 s3, s9;
	s6 =	sadd.s32 @!p0 $0x88, s6;
	s7 =	simm.s32 @p2 $0x1082  }
0x22: {  	[simem:s7], [sflag:s8] =	dma.local @!p0 [hbm:s6], $0xF7A  }
0x23: {  	s9 =	sor.u32 $0xD0000000, s2;
	s6 =	simm.s32 $0x108;
	_ =	swait.ge @!p0 [sflag:s8], $0x0  }
0x24: {  	s3 =	sadd.s32 $0x88, s3;
	s6 =	simm.s32 @!p1 $0x1082;
	[sflag:s4] =	ssyncset.s32 $0xFFFFF086  }
0x25: {  	[simem:s6], [sflag:s4] =	dma.local [hbm:s3], $0xF7A  }
0x26: {  	[smem:$0x3F9A] =	sst s1;
	(tag) =	ssettag s2;
	_ =	strace s9  }
0x27: {  	s1 =	sld [smem:$0x3FAA]  }
0x28: {  	s2 =	sld [smem:$0x3FAB]  }
0x29: {  	s4 =	sld [smem:$0x3FAD]  }
0x2a: {  	p0 =	seq.s32 s5, $0x0;
	s5 =	sld [smem:$0x3FAE]  }
0x2b: {  	s6 =	sld [smem:$0x3FAF]  }
0x2c: {  	s7 =	sld [smem:$0x3FB0]  }
0x2d: {  	s3 =	simm.s32 $0x108;
	s8 =	sld [smem:$0x3FB1]  }
0x2e: {  	s3 =	simm.s32 @!p0 $0x1082;
	s9 =	sld [smem:$0x3FB2]  }
0x2f: {  	lr =	sadd.s32 s0, s3;
	s0 =	sld [smem:$0x3FA9]  }
0x30: {  	s3 =	sld [smem:$0x3FAC]  }
0x31: {  	[smem:$0x3FB5] =	sst s10  }
0x32: {  	s10 =	sld [smem:$0x3FB3];
	_ =	sdelay $0x3  }
0x33: {  	p0 =	seq.s32 s10, $0x1;
	s10 =	sld [smem:$0x3FB5];
	_ =	sdelay $0x3  }
0x34: {  	[smem:$0x3FB5] =	sst s10  }
0x35: {  	s10 =	sld [smem:$0x3FB4];
	_ =	sdelay $0x3  }
0x36: {  	p1 =	seq.s32 s10, $0x1;
	s10 =	sld [smem:$0x3FB5];
	_ =	sdelay $0x3  }
0x37: {  	[smem:$0x3FB5] =	sst s10  }
0x38: {  	s10 =	sld [smem:$0x3FB6]  }
0x39: {  	_ = 	snop;
	(pc) =	sbr.ind lr, $3  }
0x3a: {  	_ = 	snop  }
0x3b: {  	_ = 	snop  }
0x3c: {  	p2 =	seq.s32 s10, $0x1;
	s10 =	sld [smem:$0x3FB5]  }
0x3d: {  	_ =	shalt  }
0x3e: {  	_ =	shalt  }
0x3f: {  	_ =	shalt  }
0x40: {  	_ =	shalt  }
0x41: {  	_ =	shalt  }
0x42: {  	_ =	shalt  }
0x43: {  	_ =	shalt  }
0x44: {  	_ =	shalt  }
0x45: {  	_ =	shalt  }
0x46: {  	_ =	shalt  }
0x47: {  	_ =	shalt  }
0x48: {  	_ =	shalt  }
0x49: {  	_ =	shalt  }
0x4a: {  	_ =	shalt  }
0x4b: {  	_ =	shalt  }
0x4c: {  	_ =	shalt  }
0x4d: {  	_ =	shalt  }
0x4e: {  	_ =	shalt  }
0x4f: {  	_ =	shalt  }
0x50: {  	_ =	shalt  }
0x51: {  	_ =	shalt  }
0x52: {  	_ =	shalt  }
0x53: {  	_ =	shalt  }
0x54: {  	_ =	shalt  }
0x55: {  	_ =	shalt  }
0x56: {  	_ =	shalt  }
0x57: {  	_ =	shalt  }
0x58: {  	_ =	shalt  }
0x59: {  	_ =	shalt  }
0x5a: {  	_ =	shalt  }
0x5b: {  	_ =	shalt  }
0x5c: {  	_ =	shalt  }
0x5d: {  	_ =	shalt  }
0x5e: {  	_ =	shalt  }
0x5f: {  	_ =	shalt  }
0x60: {  	_ =	shalt  }
0x61: {  	_ =	shalt  }
0x62: {  	_ =	shalt  }
0x63: {  	_ =	shalt  }
0x64: {  	_ =	shalt  }
0x65: {  	_ =	shalt  }
0x66: {  	_ =	shalt  }
0x67: {  	_ =	shalt  }
0x68: {  	_ =	shalt  }
0x69: {  	_ =	shalt  }
0x6a: {  	_ =	shalt  }
0x6b: {  	_ =	shalt  }
0x6c: {  	_ =	shalt  }
0x6d: {  	_ =	shalt  }
0x6e: {  	_ =	shalt  }
0x6f: {  	_ =	shalt  }
0x70: {  	_ =	shalt  }
0x71: {  	_ =	shalt  }
0x72: {  	_ =	shalt  }
0x73: {  	_ =	shalt  }
0x74: {  	_ =	shalt  }
0x75: {  	_ =	shalt  }
0x76: {  	_ =	shalt  }
0x77: {  	_ =	shalt  }
0x78: {  	_ =	shalt  }
0x79: {  	_ =	shalt  }
0x7a: {  	_ =	shalt  }
0x7b: {  	_ =	shalt  }
0x7c: {  	_ =	shalt  }
0x7d: {  	_ =	shalt  }
0x7e: {  	_ =	shalt  }
0x7f: {  	_ =	shalt  }
0x80: {  	_ =	shalt  }
0x81: {  	_ =	shalt  }
0x82: {  	_ =	shalt  }
0x83: {  	_ =	shalt  }
0x84: {  	_ =	shalt  }
0x85: {  	_ =	shalt  }
0x86: {  	_ =	shalt  }
0x87: {  	_ =	shalt  }
.Lfunc_end0:
.L_simem_size_0:
called_computation_lowered:
.L_overlay_start_0:
0x88: {  	s2 =	sld [smem:$0x3FD9]  }
0x89: {  	s3 =	sld [smem:$0x3FFE];
	_ =	sdelay $0x1  }
0x8a: {  	s1 =	srdreg.scid  }
0x8b: {  	s0 =	sand.u32 $0x1, s1  }
0x8c: {  	s16 =	sshll.u32 s0, $0xA;
	s2 =	sadd.s32 s3, s2  }
0x8d: {  	s2 =	sadd.s32 s2, s16  }
0x8e: {  	[smem:$0x3FC1] =	sst s2  }
0x8f: {  	_ = 	snop  }
0x90: {  	(tm) =	ssettm $0x1  }
0x91: {  	s17 =	sld [smem:$0x3FFB];
	_ =	sdelay $0x3  }
0x92: {  	_ =	strace s17  }
0x93: {  	s2 =	sld [smem:$0x3FFC];
	_ =	sdelay $0x3  }
0x94: {  	_ =	strace s2  }
0x95: {  	s2 =	sld [smem:$0x3FFD];
	_ =	sdelay $0x3  }
0x96: {  	_ =	strace s2  }
0x97: {  	_ =	strace $0x8FFFFFFF  }
0x98: {  	s18 =	sld [smem:$0x3FDB];
	_ =	sdelay $0x1  }
0x99: {  	s19 =	simm.s32 $_scs_section_size  }
0x9a: {  	s4 =	simm.s32 $_size__tile_overlayer_lowered;
	s5 =	simm.s32 $_tile_overlayer_lowered  }
0x9b: {  	s22 =	simm.s32 $0x1BFF;
	s21 =	sshll.u32 s5, $0x1;
	s2 =	sadd.s32 s19, s18  }
0x9c: {  	s6 =	simm.s32 $0x0;
	s20 =	sshll.u32 s4, $0x1;
	s4 =	sadd.s32 s21, s2  }
0x9d: {  	[timem:s6], [sflag:s22] =	dma.local [hbm:s4], s20  }
0x9e: {  	_ =	swait.ge [sflag:s22], s20  }
0x9f: {  	s3 =	ssub.s32 $0x0, s20;
	[sflag:s22] =	ssyncset.done $0x0  }
0xa0: {  	[sflag:s22] =	ssyncadd.s32 s3;
	_ =	sdelay $0x1  }
0xa1: {  	s23 =	simm.s32 $0x1B8B  }
0xa2: {  	_ =	swait.ge [sflag:s23], $0x1  }
0xa3: {  	[sflag:s23] =	ssyncset.done $0x0  }
0xa4: {  	s25 =	simm.s32 $0x1B8E;
	s24 =	sld [smem:$0x3FFE];
	[sflag:s23] =	ssyncadd.s32 $0xFFFFFFFF  }
0xa5: {  	s26 =	simm.s32 $execute0_lowered;
	[smem:$0x3FD2] =	sst s25  }
0xa6: {  	s4 =	sshll.u32 s26, $0x1;
	_ =	strace $0x8000004C;
	[dreg:$0x1] =	wrdreg $0xFFFFFFFF  }
0xa7: {  	s28 =	simm.s32 $_size_execute0_lowered;
	s2 =	sadd.s32 s2, s4;
	[dreg:$0x0] =	wrdreg $0x0  }
0xa8: {  	s4 =	sshll.u32 s28, $0x1;
	[dreg:$0x2] =	wrdreg s2  }
0xa9: {  	[dreg:$0x3] =	wrdreg s4  }
0xaa: {  	[dreg:$0x4] =	wrdreg $0xC0  }
0xab: {  	_ =	task [dreg:s6], $0x5FFFF  }
0xac: {  	[dreg:$0x1] =	wrdreg $0xFFFFFFFF  }
0xad: {  	[dreg:$0x0] =	wrdreg $0x60  }
0xae: {  	[dreg:$0x2] =	wrdreg s24  }
0xaf: {  	[dreg:$0x3] =	wrdreg $0xB8000  }
0xb0: {  	[dreg:$0x4] =	wrdreg $0x9  }
0xb1: {  	_ =	task.clear_ibuf [dreg:s6], $0x5FFFF;
	_ =	strace $0x9000004C  }
0xb2: {  	s29 =	simm.s32 $0x9;
	_ =	strace $0x8000004E  }
0xb3: {  	_ =	swait.ge [sflag:s29], $0x1  }
0xb4: {  	[sflag:s29] =	ssyncadd.s32 $0xFFFFFFFF  }
0xb5: {  	_ =	strace $0x9000004E  }
0xb6: {  	_ =	sfence  }
0xb7: {  	s30 =	sld [smem:$0x0];
	_ =	sdelay $0x2  }
0xb8: {  	s31 =	sshll.u32 s1, $0xD;
	s1 =	sshrl.u32 s1, $0x2  }
0xb9: {  	s3 =	sand.u32 $0x4000, s31;
	s1 =	sadd.s32 s1, s30  }
0xba: {  	s0 =	sor.u32 s3, s0;
	s1 =	sshll.u32 s1, $0x11  }
0xbb: {  	s0 =	sor.u32 s1, s0  }
0xbc: {  	s0 =	sadd.s32 $0x8F2B, s0  }
0xbd: {  	[sflag:s0] =	ssyncadd.remote.s32 $0x1  }
0xbe: {  	_ =	sfence.sel $0xFFFF  }
0xbf: {  	[dreg:$0x0] =	wrdreg $0xFFFFFFFF;
	(pc) =	sbr.abs _section_cstart, $3  }
0xc0: {  	[dreg:$0x1] =	wrdreg $0xFFFFFFFF  }
0xc1: {  	_ =	task.clear_ibuf [dreg:s6], $0x2FFFF;
	_ =	strace $0x9FFFFFFF  }
0xc2: {  	(tm) =	ssettm $0x7FFFFFFF  }
0xc3: {  	_ =	shalt  }
tec
execute0_lowered:
.L_overlay_start_1:
0x0: {  	(tag) =	ssettag $0x1  }
0x1: {  	s13 =	stileid.u32  }
0x2: {  	s0 =	srdreg.scid;
	s8 =	smul.u32 $0x13C00, s13  }
0x3: {  	s1 =	rddreg [dreg:$0x0];
	s26 =	smul.u32 $0xA000, s13  }
0x4: {  	s2 =	rddreg [dreg:$0x1];
	s11 =	smul.u32 $0x4F000, s13  }
0x5: {  	s30 =	simm.s32 $0x1;
	s0 =	sand.u32 $0x1, s0;
	s22 =	smul.u32 $0x5000, s13  }
0x6: {  	s31 =	simm.s32 $0x80;
	s3 =	sshll.u32 s13, $0x1;
	s7 =	smul.u32 $0x13C000, s0  }
0x7: {  	s9 =	sadd.s32 $0x3800, s1;
	s4 =	sor.u32 s0, s3;
	s10 =	smul.u32 $0xA0000, s0  }
0x8: {  	s3 =	simm.s32 $0x0;
	s14 =	ssub.s32 $0x2, s0;
	s0 =	smul.u32 $0x2800, s0  }
0x9: {  	s5 =	sadd.s32 $0x17800, s1;
	s6 =	smul.u32 $0x1400, s4;
	[smem:$0x7FF] =	sst s3  }
0xa: {  	s4 =	sadd.s32 $0x35800, s1;
	s15 =	sshrl.u32 s11, $0x2;
	s16 =	sshrl.u32 s14, $0x1  }
0xb: {  	_ =	strace $0x8000004D;
	s7 =	sadd.s32 s8, s7;
	s12 =	sadd.s32 s26, s10  }
0xc: {  	s17 =	ssub.s32 s14, s16;
	s0 =	sadd.s32 s0, s22;
	s6 =	sshrl.u32 s6, $0x3  }
0xd: {  	s7 =	sshrl.u32 s7, $0x3;
	s8 =	sshrl.u32 s12, $0x3;
	s12 =	smul.u32 $0x28000, s13  }
0xe: {  	s23 =	smax.u32 s17, $0x1;
	s26 =	sadd.s32 $0x50000, s0;
	s0 =	sshrl.u32 s0, $0x3  }
0xf: {  	s25 =	sadd.s32 s6, s1;
	s7 =	sadd.s32 s7, s1;
	s6 =	sadd.s32 s15, s2  }
0x10: {  	s1 =	sadd.s32 s8, s1;
	[dreg:$0x8] =	wrdreg s23;
	s18 =	sadd.s32 $0x4000, s6  }
0x11: {  	s22 =	sadd.s32 s0, s9;
	s19 =	sadd.s32 $0x8000, s6;
	[dreg:$0x3] =	wrdreg s18  }
0x12: {  	s0 =	simm.s32 $0x7800;
	s20 =	sadd.s32 $0xC000, s6;
	[dreg:$0x4] =	wrdreg s19  }
0x13: {  	s21 =	sshrl.u32 s12, $0x2;
	s7 =	sadd.s32 $0x85200, s7;
	[dreg:$0x5] =	wrdreg s20  }
0x14: {  	s1 =	sadd.s32 $0x5D000, s1;
	s24 =	sadd.s32 $0x2B800, s25;
	[dreg:$0x6] =	wrdreg s7  }
0x15: {  	s15 =	sadd.s32 $0x30800, s25;
	s16 =	sadd.s32 $0x2B880, s25;
	[dreg:$0x7] =	wrdreg s1  }
0x16: {  	s17 =	sadd.s32 $0x30880, s25;
	s11 =	sadd.s32 s21, s2;
	[dreg:$0x9] =	wrdreg s24  }
0x17: {  	s18 =	sadd.s32 $0x2B900, s25;
	s19 =	sadd.s32 $0x30900, s25;
	s20 =	sadd.s32 $0x2B980, s25  }
0x18: {  	s21 =	sadd.s32 $0x30980, s25;
	s1 =	sshrl.u32 s26, $0x3;
	s24 =	sadd.s32 $0x2BA00, s25  }
0x19: {  	s25 =	sadd.s32 $0x30A00, s25;
	s26 =	sadd.s32 $0x10000, s6;
	s23 =	sadd.s32 s1, s9  }
0x1a: {  	v0 =	vimm.f32 $0.0e+00;
	s28 =	sadd.s32 $0x4000, s11;
	s29 =	sadd.s32 $0x8000, s11;
	s1 =	simm.s32 $0x0  }
.LBB2_1:
0x1b: {  	s8 =	sadd.s32 $0x0, s22  }
0x1c: {  	[tilespmem:s3], [sflag:$0x1] =	stream.linear.gather [hbm4b:s8+s3], $0x400, $0x38;
	[tilespmem:$0x1F400] =	vst v63  }
0x1d: {  	_ =	swait.ge [sflag:s30], $0x400  }
0x1e: {  	[sflag:s30] =	ssyncset.done $0x0  }
0x1f: {  	s7 =	simm.s32 $0x2800;
	s14 =	sadd.s32 $0x0, s23;
	[sflag:s30] =	ssyncadd.s32 $0xFFFFFC00  }
0x20: {  	[tilespmem:s7], [sflag:$0x1] =	stream.linear.gather [hbm4b:s14+s3], $0x400, $0x38;
	[tilespmem:$0x1F400] =	vst v63  }
0x21: {  	s10 =	simm.s32 $0x100;
	s9 =	simm.s32 $0x400;
	_ =	swait.ge [sflag:s30], $0x400  }
0x22: {  	s8 =	simm.s32 $0x2C00;
	s7 =	simm.s32 $0x80;
	[sflag:s30] =	ssyncset.done $0x0  }
.LBB2_2:
0x23: {  	s12 =	sadd.s32 s7, s22  }
0x24: {  	[sflag:s30] =	ssyncadd.s32 $0xFFFFFC00;
	s13 =	smov.u32 s10;
	s14 =	sadd.s32 $0x80, s10  }
0x25: {  	[tilespmem:s9], [sflag:$0x1] =	stream.linear.gather [hbm4b:s12+s3], $0x400, $0x38;
	[tilespmem:$0x1F400] =	vst v63  }
0x26: {  	p0 =	seq.s32 s10, $0x480;
	_ =	swait.ge [sflag:s30], $0x400  }
.Ltmp0:
0x27: {  	[sflag:s30] =	ssyncset.done $0x0;
	(pc) =	sbr.rel @!p0 .LBB2_2-.Ltmp0, $4  }
0x28: {  	s10 =	sadd.s32 s7, s23;
	s7 =	smov.u32 s13;
	[sflag:s30] =	ssyncadd.s32 $0xFFFFFC00  }
0x29: {  	[tilespmem:s8], [sflag:$0x1] =	stream.linear.gather [hbm4b:s10+s3], $0x400, $0x38;
	[tilespmem:$0x1F400] =	vst v63  }
0x2a: {  	s9 =	sadd.s32 $0x400, s9;
	_ =	swait.ge [sflag:s30], $0x400  }
0x2b: {  	s8 =	sadd.s32 $0x400, s8;
	s10 =	smov.u32 s14;
	[sflag:s30] =	ssyncset.done $0x0  }
0x2c: {  	s10 =	sadd.s32 s7, s22;
	[sflag:s30] =	ssyncadd.s32 $0xFFFFFC00  }
0x2d: {  	[tilespmem:s9], [sflag:$0x1] =	stream.linear.gather [hbm4b:s10+s3], $0x400, $0x38;
	[tilespmem:$0x1F400] =	vst v63  }
0x2e: {  	_ =	swait.ge [sflag:s30], $0x400  }
0x2f: {  	[sflag:s30] =	ssyncset.done $0x0  }
0x30: {  	s12 =	sadd.s32 s7, s23;
	[sflag:s30] =	ssyncadd.s32 $0xFFFFFC00  }
0x31: {  	[tilespmem:s8], [sflag:$0x1] =	stream.linear.gather [hbm4b:s12+s3], $0x400, $0x38;
	[tilespmem:$0x1F400] =	vst v63  }
0x32: {  	_ =	swait.ge [sflag:s30], $0x400  }
0x33: {  	s7 =	simm.s32 $0x0;
	[sflag:s30] =	ssyncset.done $0x0  }
0x34: {  	s14 =	simm.s32 $0x5000;
	s13 =	rddreg [dreg:$0x9];
	[sflag:s30] =	ssyncadd.s32 $0xFFFFFC00  }
0x35: {  	[tilespmem:s14], [sflag:$0x1] =	stream.linear.gather [hbm4b:s13+s7], $0x400, $0x38;
	[tilespmem:$0x1F400] =	vst v63  }
0x36: {  	_ =	swait.ge [sflag:s30], $0x400  }
0x37: {  	[sflag:s30] =	ssyncset.done $0x0  }
0x38: {  	s10 =	simm.s32 $0x6400;
	[sflag:s30] =	ssyncadd.s32 $0xFFFFFC00  }
0x39: {  	[tilespmem:s10], [sflag:$0x1] =	stream.linear.gather [hbm4b:s15+s7], $0x400, $0x38;
	[tilespmem:$0x1F400] =	vst v63  }
0x3a: {  	_ =	swait.ge [sflag:s30], $0x400  }
0x3b: {  	[sflag:s30] =	ssyncset.done $0x0  }
0x3c: {  	s12 =	simm.s32 $0x5400;
	[sflag:s30] =	ssyncadd.s32 $0xFFFFFC00  }
0x3d: {  	[tilespmem:s12], [sflag:$0x1] =	stream.linear.gather [hbm4b:s16+s7], $0x400, $0x38;
	[tilespmem:$0x1F400] =	vst v63  }
0x3e: {  	_ =	swait.ge [sflag:s30], $0x400  }
0x3f: {  	[sflag:s30] =	ssyncset.done $0x0  }
0x40: {  	s13 =	simm.s32 $0x6800;
	[sflag:s30] =	ssyncadd.s32 $0xFFFFFC00  }
0x41: {  	[tilespmem:s13], [sflag:$0x1] =	stream.linear.gather [hbm4b:s17+s7], $0x400, $0x38;
	[tilespmem:$0x1F400] =	vst v63  }
0x42: {  	_ =	swait.ge [sflag:s30], $0x400  }
0x43: {  	[sflag:s30] =	ssyncset.done $0x0  }
0x44: {  	s14 =	simm.s32 $0x5800;
	[sflag:s30] =	ssyncadd.s32 $0xFFFFFC00  }
0x45: {  	[tilespmem:s14], [sflag:$0x1] =	stream.linear.gather [hbm4b:s18+s7], $0x400, $0x38;
	[tilespmem:$0x1F400] =	vst v63  }
0x46: {  	_ =	swait.ge [sflag:s30], $0x400  }
0x47: {  	[sflag:s30] =	ssyncset.done $0x0  }
0x48: {  	s9 =	simm.s32 $0x6C00;
	[sflag:s30] =	ssyncadd.s32 $0xFFFFFC00  }
0x49: {  	[tilespmem:s9], [sflag:$0x1] =	stream.linear.gather [hbm4b:s19+s7], $0x400, $0x38;
	[tilespmem:$0x1F400] =	vst v63  }
0x4a: {  	_ =	swait.ge [sflag:s30], $0x400  }
0x4b: {  	[sflag:s30] =	ssyncset.done $0x0  }
0x4c: {  	s10 =	simm.s32 $0x5C00;
	[sflag:s30] =	ssyncadd.s32 $0xFFFFFC00  }
0x4d: {  	[tilespmem:s10], [sflag:$0x1] =	stream.linear.gather [hbm4b:s20+s7], $0x400, $0x38;
	[tilespmem:$0x1F400] =	vst v63  }
0x4e: {  	_ =	swait.ge [sflag:s30], $0x400  }
0x4f: {  	[sflag:s30] =	ssyncset.done $0x0  }
0x50: {  	s12 =	simm.s32 $0x7000;
	[sflag:s30] =	ssyncadd.s32 $0xFFFFFC00  }
0x51: {  	[tilespmem:s12], [sflag:$0x1] =	stream.linear.gather [hbm4b:s21+s7], $0x400, $0x38;
	[tilespmem:$0x1F400] =	vst v63  }
0x52: {  	_ =	swait.ge [sflag:s30], $0x400  }
0x53: {  	[sflag:s30] =	ssyncset.done $0x0  }
0x54: {  	s13 =	simm.s32 $0x6000;
	[sflag:s30] =	ssyncadd.s32 $0xFFFFFC00  }
0x55: {  	[tilespmem:s13], [sflag:$0x1] =	stream.linear.gather [hbm4b:s24+s7], $0x400, $0x38;
	[tilespmem:$0x1F400] =	vst v63  }
0x56: {  	_ =	swait.ge [sflag:s30], $0x400  }
0x57: {  	[sflag:s30] =	ssyncset.done $0x0  }
0x58: {  	s14 =	simm.s32 $0x7400;
	[sflag:s30] =	ssyncadd.s32 $0xFFFFFC00  }
0x59: {  	[tilespmem:s14], [sflag:$0x1] =	stream.linear.gather [hbm4b:s25+s7], $0x400, $0x38;
	[tilespmem:$0x1F400] =	vst v63  }
0x5a: {  	_ =	swait.ge [sflag:s30], $0x400  }
0x5b: {  	[sflag:s30] =	ssyncset.done $0x0  }
0x5c: {  	s8 =	simm.s32 $0x200;
	s7 =	simm.s32 $0x0;
	[sflag:s30] =	ssyncadd.s32 $0xFFFFFC00  }
.LBB2_4:
0x5d: {  	p0 =	sne.s32 s8, $0xFE00;
	[tilespmem:s7+$0x7870] =	vst v0  }
0x5e: {  	[tilespmem:s7+$0x7800] =	vst v0  }
0x5f: {  	[tilespmem:s7+$0x7810] =	vst v0  }
.Ltmp1:
0x60: {  	[tilespmem:s7+$0x7820] =	vst v0;
	(pc) =	sbr.rel @p0 .LBB2_4-.Ltmp1, $4  }
0x61: {  	[tilespmem:s7+$0x7830] =	vst v0  }
0x62: {  	[tilespmem:s7+$0x7840] =	vst v0  }
0x63: {  	[tilespmem:s7+$0x7850] =	vst v0  }
0x64: {  	[tilespmem:s7+$0x7860] =	vst v0;
	s7 =	sshra.s32 s8, $0x2;
	s8 =	sadd.s32 $0x200, s8  }
0x65: {  	[tilespmem:s7+$0x7870] =	vst v0  }
0x66: {  	[tilespmem:s7+$0x7800] =	vst v0  }
0x67: {  	[tilespmem:s7+$0x7810] =	vst v0  }
0x68: {  	[tilespmem:s7+$0x7820] =	vst v0  }
0x69: {  	[tilespmem:s7+$0x7830] =	vst v0  }
0x6a: {  	[tilespmem:s7+$0x7840] =	vst v0  }
0x6b: {  	[tilespmem:s7+$0x7850] =	vst v0  }
0x6c: {  	[tilespmem:s7+$0x7860] =	vst v0  }
0x6d: {  	[spmem:s6] =	stream.linear.scatter [tilespmem:s0], [sflag:$0x1], $0x4000, $0x38;
	[tilespmem:$0x1F400] =	vst v63  }
0x6e: {  	_ =	swait.ge [sflag:s30], $0x4000  }
0x6f: {  	[sflag:s30] =	ssyncset.done $0x0  }
0x70: {  	s9 =	rddreg [dreg:$0x3];
	[sflag:s30] =	ssyncadd.s32 $0xFFFFC000  }
0x71: {  	[spmem:s9] =	stream.linear.scatter [tilespmem:s0], [sflag:$0x1], $0x4000, $0x38;
	[tilespmem:$0x1F400] =	vst v63  }
0x72: {  	_ =	swait.ge [sflag:s30], $0x4000  }
0x73: {  	[sflag:s30] =	ssyncset.done $0x0  }
0x74: {  	s10 =	rddreg [dreg:$0x4];
	[sflag:s30] =	ssyncadd.s32 $0xFFFFC000  }
0x75: {  	[spmem:s10] =	stream.linear.scatter [tilespmem:s0], [sflag:$0x1], $0x4000, $0x38;
	[tilespmem:$0x1F400] =	vst v63  }
0x76: {  	_ =	swait.ge [sflag:s30], $0x4000  }
0x77: {  	[sflag:s30] =	ssyncset.done $0x0  }
0x78: {  	s12 =	rddreg [dreg:$0x5];
	[sflag:s30] =	ssyncadd.s32 $0xFFFFC000  }
0x79: {  	[spmem:s12] =	stream.linear.scatter [tilespmem:s0], [sflag:$0x1], $0x4000, $0x38;
	[tilespmem:$0x1F400] =	vst v63  }
0x7a: {  	_ =	swait.ge [sflag:s30], $0x4000  }
0x7b: {  	[sflag:s30] =	ssyncset.done $0x0  }
0x7c: {  	[sflag:s30] =	ssyncadd.s32 $0xFFFFC000  }
0x7d: {  	[spmem:s26] =	stream.linear.scatter [tilespmem:s0], [sflag:$0x1], $0x3C00, $0x38;
	[tilespmem:$0x1F400] =	vst v63  }
0x7e: {  	_ =	swait.ge [sflag:s30], $0x3C00  }
0x7f: {  	[sflag:s30] =	ssyncset.done $0x0  }
0x80: {  	[sflag:s30] =	ssyncadd.s32 $0xFFFFC400  }
0x81: {  	s13 =	simm.s32 $0x0;
	[bflag:$0x0] =	sbarrier.arrive $0xFFFF  }
0x82: {  	[tilespmem:s0], [sflag:$0x1] =	stream.indirect.gather [hbm4b:s4+s31], $0x80, s13, s31, $0xb8;
	[tilespmem:$0x1F400] =	vst v63  }
0x83: {  	_ =	swait.ge [sflag:s30], $0x4000  }
0x84: {  	[sflag:s30] =	ssyncset.done $0x0  }
0x85: {  	s14 =	simm.s32 $0x2800;
	[sflag:s30] =	ssyncadd.s32 $0xFFFFC000  }
0x86: {  	[spmem:s2] =	stream.indirect.scatter.add.f32 [tilespmem:s0], [sflag:$0x1], $0x80, s14, s31, $0xb8;
	[tilespmem:$0x1F400] =	vst v63  }
0x87: {  	_ =	swait.ge [sflag:s30], $0x4000  }
0x88: {  	s7 =	simm.s32 $0x200;
	s8 =	simm.s32 $0x400;
	[sflag:s30] =	ssyncset.done $0x0  }
.LBB2_6:
0x89: {  	s9 =	sshra.s32 s7, $0x2  }
0x8a: {  	[sflag:s30] =	ssyncadd.s32 $0xFFFFC000;
	s7 =	smov.u32 s8;
	s10 =	sadd.s32 $0x200, s8  }
0x8b: {  	[tilespmem:s0], [sflag:$0x1] =	stream.indirect.gather [hbm4b:s4+s31], $0x80, s9, s31, $0xb8;
	[tilespmem:$0x1F400] =	vst v63  }
0x8c: {  	p0 =	sne.s32 s8, $0x9E00;
	_ =	swait.ge [sflag:s30], $0x4000  }
.Ltmp2:
0x8d: {  	[sflag:s30] =	ssyncset.done $0x0;
	(pc) =	sbr.rel @p0 .LBB2_6-.Ltmp2, $4  }
0x8e: {  	s8 =	sadd.s32 $0x2800, s9;
	[sflag:s30] =	ssyncadd.s32 $0xFFFFC000  }
0x8f: {  	[spmem:s2] =	stream.indirect.scatter.add.f32 [tilespmem:s0], [sflag:$0x1], $0x80, s8, s31, $0xb8;
	[tilespmem:$0x1F400] =	vst v63  }
0x90: {  	_ =	swait.ge [sflag:s30], $0x4000  }
0x91: {  	s8 =	smov.u32 s10;
	[sflag:s30] =	ssyncset.done $0x0  }
0x92: {  	s7 =	sshra.s32 s7, $0x2;
	[sflag:s30] =	ssyncadd.s32 $0xFFFFC000  }
0x93: {  	[tilespmem:s0], [sflag:$0x1] =	stream.indirect.gather [hbm4b:s4+s31], $0x80, s7, s31, $0xb8;
	[tilespmem:$0x1F400] =	vst v63  }
0x94: {  	_ =	swait.ge [sflag:s30], $0x4000  }
0x95: {  	[sflag:s30] =	ssyncset.done $0x0  }
0x96: {  	s7 =	sadd.s32 $0x2800, s7;
	[sflag:s30] =	ssyncadd.s32 $0xFFFFC000  }
0x97: {  	[spmem:s2] =	stream.indirect.scatter.add.f32 [tilespmem:s0], [sflag:$0x1], $0x80, s7, s31, $0xb8;
	[tilespmem:$0x1F400] =	vst v63  }
0x98: {  	_ =	swait.ge [sflag:s30], $0x4000  }
0x99: {  	[sflag:s30] =	ssyncset.done $0x0  }
0x9a: {  	s14 =	stileid.u32;
	[sflag:s30] =	ssyncadd.s32 $0xFFFFC000  }
0x9b: {  	s7 =	sshll.u32 s14, $0x6;
	[bflag:$0x0] =	sbarrier.arrive $0xFFFF  }
0x9c: {  	s8 =	sshrl.u32 s6, $0x3;
	s7 =	sor.u32 $0x1C01, s7;
	s9 =	rddreg [dreg:$0x6]  }
0x9d: {  	[hbm:s9], [sflag:s7] =	dma.local [spmem:s8], $0x2780  }
0x9e: {  	_ =	swait.ge [sflag:s30], $0x2780  }
0x9f: {  	[sflag:s30] =	ssyncset.done $0x0  }
0xa0: {  	[sflag:s30] =	ssyncadd.s32 $0xFFFFD880  }
0xa1: {  	s8 =	simm.s32 $0x0;
	s9 =	simm.s32 $0x200;
	[bflag:$0x0] =	sbarrier.arrive $0xFFFF  }
.LBB2_8:
0xa2: {  	p0 =	sne.s32 s9, $0xFE00;
	[tilespmem:s8+$0x7870] =	vst v0  }
0xa3: {  	[tilespmem:s8+$0x7800] =	vst v0  }
0xa4: {  	[tilespmem:s8+$0x7810] =	vst v0  }
.Ltmp3:
0xa5: {  	[tilespmem:s8+$0x7820] =	vst v0;
	(pc) =	sbr.rel @p0 .LBB2_8-.Ltmp3, $4  }
0xa6: {  	[tilespmem:s8+$0x7830] =	vst v0  }
0xa7: {  	[tilespmem:s8+$0x7840] =	vst v0  }
0xa8: {  	[tilespmem:s8+$0x7850] =	vst v0  }
0xa9: {  	[tilespmem:s8+$0x7860] =	vst v0;
	s8 =	sshra.s32 s9, $0x2;
	s9 =	sadd.s32 $0x200, s9  }
0xaa: {  	[tilespmem:s8+$0x7870] =	vst v0  }
0xab: {  	[tilespmem:s8+$0x7800] =	vst v0  }
0xac: {  	[tilespmem:s8+$0x7810] =	vst v0  }
0xad: {  	[tilespmem:s8+$0x7820] =	vst v0  }
0xae: {  	[tilespmem:s8+$0x7830] =	vst v0  }
0xaf: {  	[tilespmem:s8+$0x7840] =	vst v0  }
0xb0: {  	[tilespmem:s8+$0x7850] =	vst v0  }
0xb1: {  	[tilespmem:s8+$0x7860] =	vst v0  }
0xb2: {  	[spmem:s11] =	stream.linear.scatter [tilespmem:s0], [sflag:$0x1], $0x4000, $0x38;
	[tilespmem:$0x1F400] =	vst v63  }
0xb3: {  	_ =	swait.ge [sflag:s30], $0x4000  }
0xb4: {  	[sflag:s30] =	ssyncset.done $0x0  }
0xb5: {  	[sflag:s30] =	ssyncadd.s32 $0xFFFFC000  }
0xb6: {  	[spmem:s28] =	stream.linear.scatter [tilespmem:s0], [sflag:$0x1], $0x4000, $0x38;
	[tilespmem:$0x1F400] =	vst v63  }
0xb7: {  	_ =	swait.ge [sflag:s30], $0x4000  }
0xb8: {  	[sflag:s30] =	ssyncset.done $0x0  }
0xb9: {  	[sflag:s30] =	ssyncadd.s32 $0xFFFFC000  }
0xba: {  	[spmem:s29] =	stream.linear.scatter [tilespmem:s0], [sflag:$0x1], $0x2000, $0x38;
	[tilespmem:$0x1F400] =	vst v63  }
0xbb: {  	_ =	swait.ge [sflag:s30], $0x2000  }
0xbc: {  	[sflag:s30] =	ssyncset.done $0x0  }
0xbd: {  	[sflag:s30] =	ssyncadd.s32 $0xFFFFE000  }
0xbe: {  	s13 =	simm.s32 $0x5000;
	[bflag:$0x0] =	sbarrier.arrive $0xFFFF  }
0xbf: {  	[tilespmem:s0], [sflag:$0x1] =	stream.indirect.gather [hbm4b:s5+s31], $0x80, s13, s31, $0xb8;
	[tilespmem:$0x1F400] =	vst v63  }
0xc0: {  	_ =	swait.ge [sflag:s30], $0x4000  }
0xc1: {  	[sflag:s30] =	ssyncset.done $0x0  }
0xc2: {  	s14 =	simm.s32 $0x6400;
	[sflag:s30] =	ssyncadd.s32 $0xFFFFC000  }
0xc3: {  	[spmem:s2] =	stream.indirect.scatter.add.f32 [tilespmem:s0], [sflag:$0x1], $0x80, s14, s31, $0xb8;
	[tilespmem:$0x1F400] =	vst v63  }
0xc4: {  	_ =	swait.ge [sflag:s30], $0x4000  }
0xc5: {  	s9 =	simm.s32 $0x400;
	s8 =	simm.s32 $0x80;
	[sflag:s30] =	ssyncset.done $0x0  }
.LBB2_10:
0xc6: {  	s10 =	sadd.s32 $0x5000, s8  }
0xc7: {  	[sflag:s30] =	ssyncadd.s32 $0xFFFFC000;
	s12 =	smov.u32 s9;
	s13 =	sadd.s32 $0x200, s9  }
0xc8: {  	[tilespmem:s0], [sflag:$0x1] =	stream.indirect.gather [hbm4b:s5+s31], $0x80, s10, s31, $0xb8;
	[tilespmem:$0x1F400] =	vst v63  }
0xc9: {  	p0 =	sne.s32 s9, $0x4E00;
	_ =	swait.ge [sflag:s30], $0x4000  }
.Ltmp4:
0xca: {  	[sflag:s30] =	ssyncset.done $0x0;
	(pc) =	sbr.rel @p0 .LBB2_10-.Ltmp4, $4  }
0xcb: {  	s8 =	sadd.s32 $0x6400, s8;
	[sflag:s30] =	ssyncadd.s32 $0xFFFFC000  }
0xcc: {  	[spmem:s2] =	stream.indirect.scatter.add.f32 [tilespmem:s0], [sflag:$0x1], $0x80, s8, s31, $0xb8;
	[tilespmem:$0x1F400] =	vst v63  }
0xcd: {  	_ =	swait.ge [sflag:s30], $0x4000  }
0xce: {  	s9 =	smov.u32 s13;
	s8 =	sshra.s32 s12, $0x2;
	[sflag:s30] =	ssyncset.done $0x0  }
0xcf: {  	s9 =	sadd.s32 $0x5000, s8;
	[sflag:s30] =	ssyncadd.s32 $0xFFFFC000  }
0xd0: {  	[tilespmem:s0], [sflag:$0x1] =	stream.indirect.gather [hbm4b:s5+s31], $0x80, s9, s31, $0xb8;
	[tilespmem:$0x1F400] =	vst v63  }
0xd1: {  	_ =	swait.ge [sflag:s30], $0x4000  }
0xd2: {  	[sflag:s30] =	ssyncset.done $0x0  }
0xd3: {  	s10 =	sadd.s32 $0x6400, s8;
	[sflag:s30] =	ssyncadd.s32 $0xFFFFC000  }
0xd4: {  	[spmem:s2] =	stream.indirect.scatter.add.f32 [tilespmem:s0], [sflag:$0x1], $0x80, s10, s31, $0xb8;
	[tilespmem:$0x1F400] =	vst v63  }
0xd5: {  	_ =	swait.ge [sflag:s30], $0x4000  }
0xd6: {  	[sflag:s30] =	ssyncset.done $0x0  }
0xd7: {  	[sflag:s30] =	ssyncadd.s32 $0xFFFFC000  }
0xd8: {  	[bflag:$0x0] =	sbarrier.arrive $0xFFFF  }
0xd9: {  	s12 =	sshrl.u32 s11, $0x3;
	s13 =	rddreg [dreg:$0x7]  }
0xda: {  	[hbm:s13], [sflag:s7] =	dma.local [spmem:s12], $0x1400  }
0xdb: {  	_ =	swait.ge [sflag:s30], $0x1400  }
0xdc: {  	s1 =	sadd.s32 $0x1, s1;
	s14 =	rddreg [dreg:$0x8]  }
0xdd: {  	p0 =	sne.s32 s1, s14  }
.Ltmp5:
0xde: {  	_ = 	snop;
	(pc) =	sbr.rel @p0 .LBB2_1-.Ltmp5, $3  }
0xdf: {  	[sflag:s30] =	ssyncset.done $0x0  }
0xe0: {  	[sflag:s30] =	ssyncadd.s32 $0xFFFFEC00  }
0xe1: {  	[bflag:$0x0] =	sbarrier.arrive $0xFFFF;
	_ =	sdelay $0x1  }
0xe2: {  	_ =	sfence.sel $0x180000  }
0xe3: {  	[bflag:$0x0] =	sbarrier.arrive $0xFFFF  }
0xe4: {  	_ =	strace $0x9000004D  }
0xe5: {  	s0 =	stileid.u32;
	[bflag:$0x2] =	sbarrier.arrive $0xFFFF  }
0xe6: {  	p0 =	sne.s32 s0, $0x0;
	s0 =	rddreg [dreg:$0x2]  }
0xe7: {  	s0 =	sadd.s32 @!p0 $0x100000, s0  }
0xe8: {  	[sflag:s0] =	ssyncadd.tile.s32 @!p0 $0x1;
	_ =	shalt  }
.Lfunc_end2:
_tile_overlayer_lowered:
.L_overlay_start_2:
0xe9: {  	(tag) =	ssettag $0x2  }
0xea: {  	s0 =	rddreg [dreg:$0x0];
	s2 =	stileid.u32  }
0xeb: {  	s1 =	rddreg [dreg:$0x1];
	p0 =	sne.s32 s2, $0x0  }
0xec: {  	s3 =	rddreg [dreg:$0x2];
	[bflag:$0x3] =	sbarrier.arrive $0xFFFF;
	s2 =	simm.s32 @!p0 $0x1C01  }
0xed: {  	[timem:s3], [sflag:s2] =	dma.local @!p0 [hbm:s0], s1  }
0xee: {  	s0 =	simm.s32 @!p0 $0x1  }
0xef: {  	_ =	swait.ge @!p0 [sflag:s0], s1  }
0xf0: {  	s1 =	ssub.s32 @!p0 $0x0, s1;
	[sflag:s0] =	ssyncset.done @!p0 $0x0  }
0xf1: {  	[sflag:s0] =	ssyncadd.s32 @!p0 s1  }
0xf2: {  	[bflag:$0x3] =	sbarrier.arrive $0xFFFF  }
0xf3: {  	_ =	shalt  }

// kernel: kernel.10.cloned.1.call-start
scs
__scs_entry_jumppad:
0x0: {  	(pc) =	sbr.rel $0x88, $3  }
0x1: {  	(tag) =	ssettag $0x0;
	lr =	simm.s32 $0x1  }
0x2: {  	[smem:$0x3F9A] =	sst lr;
	_ =	strace $0xD0000000  }
0x3: {  	_ = 	snop  }
0x4: {  	_ = 	snop  }
0x5: {  	_ = 	snop  }
0x6: {  	_ = 	snop  }
0x7: {  	_ = 	snop  }
__scs_overlays_trampoline_lowered:
0x8: {  	[smem:$0x3FA9] =	sst s0  }
0x9: {  	[smem:$0x3FAA] =	sst s1  }
0xa: {  	[smem:$0x3FAB] =	sst s2  }
0xb: {  	[smem:$0x3FAC] =	sst s3  }
0xc: {  	[smem:$0x3FAD] =	sst s4  }
0xd: {  	[smem:$0x3FAE] =	sst s5  }
0xe: {  	[smem:$0x3FAF] =	sst s6  }
0xf: {  	[smem:$0x3FB0] =	sst s7  }
0x10: {  	[smem:$0x3FB1] =	sst s8  }
0x11: {  	[smem:$0x3FB2] =	sst s9;
	s0 =	simm.s32 @!p0 $0x0  }
0x12: {  	s1 =	sld [smem:$0x3F98];
	s0 =	simm.s32 @p0 $0x1  }
0x13: {  	[smem:$0x3FB3] =	sst s0;
	s0 =	simm.s32 @!p1 $0x0  }
0x14: {  	s2 =	sld [smem:$0x3F97];
	s0 =	simm.s32 @p1 $0x1  }
0x15: {  	[smem:$0x3FB4] =	sst s0;
	s0 =	simm.s32 @!p2 $0x0  }
0x16: {  	s3 =	sld [smem:$0x3FDB];
	s0 =	simm.s32 @p2 $0x1  }
0x17: {  	s4 =	simm.s32 $0x1BF5;
	[smem:$0x3FB6] =	sst s0  }
0x18: {  	s0 =	sld [smem:$0x3F99];
	_ =	swait.ge [sflag:s4], $0x0  }
0x19: {  	s7 =	sld [smem:$0x3F9A]  }
0x1a: {  	s8 =	sadd.s32 $0xFFFFE003, lr  }
0x1b: {  	s9 =	sadd.s32 $0xFFFFFEF7, lr;
	s5 =	simm.s32 $0xFFFFFFFF;
	p2 =	slt.u32 s8, $0xFFFFF086  }
0x1c: {  	p1 =	slt.u32 s9, $0xF7A;
	s5 =	simm.s32 @!p2 $0x0  }
0x1d: {  	s5 =	simm.s32 @p1 $0x1;
	p0 =	seq.s32 s7, s2  }
0x1e: {  	s7 =	smul.u32 @!p0 $0xF7A, s2;
	p2 =	seq.s32 @!p0 s5, $0x0  }
0x1f: {  	s9 =	smul.u32 $0xF7A, s1;
	s8 =	simm.s32 @!p0 $0x1BF5;
	p2 =	por !p2, p0  }
0x20: {  	[sflag:s8] =	ssyncset.s32 @!p0 $0xFFFFF086;
	s6 =	sadd.s32 @!p0 s3, s7;
	s7 =	simm.s32 @!p0 $0x108  }
0x21: {  	s3 =	sadd.s32 s3, s9;
	s6 =	sadd.s32 @!p0 $0x88, s6;
	s7 =	simm.s32 @p2 $0x1082  }
0x22: {  	[simem:s7], [sflag:s8] =	dma.local @!p0 [hbm:s6], $0xF7A  }
0x23: {  	s9 =	sor.u32 $0xD0000000, s2;
	s6 =	simm.s32 $0x108;
	_ =	swait.ge @!p0 [sflag:s8], $0x0  }
0x24: {  	s3 =	sadd.s32 $0x88, s3;
	s6 =	simm.s32 @!p1 $0x1082;
	[sflag:s4] =	ssyncset.s32 $0xFFFFF086  }
0x25: {  	[simem:s6], [sflag:s4] =	dma.local [hbm:s3], $0xF7A  }
0x26: {  	[smem:$0x3F9A] =	sst s1;
	(tag) =	ssettag s2;
	_ =	strace s9  }
0x27: {  	s1 =	sld [smem:$0x3FAA]  }
0x28: {  	s2 =	sld [smem:$0x3FAB]  }
0x29: {  	s4 =	sld [smem:$0x3FAD]  }
0x2a: {  	p0 =	seq.s32 s5, $0x0;
	s5 =	sld [smem:$0x3FAE]  }
0x2b: {  	s6 =	sld [smem:$0x3FAF]  }
0x2c: {  	s7 =	sld [smem:$0x3FB0]  }
0x2d: {  	s3 =	simm.s32 $0x108;
	s8 =	sld [smem:$0x3FB1]  }
0x2e: {  	s3 =	simm.s32 @!p0 $0x1082;
	s9 =	sld [smem:$0x3FB2]  }
0x2f: {  	lr =	sadd.s32 s0, s3;
	s0 =	sld [smem:$0x3FA9]  }
0x30: {  	s3 =	sld [smem:$0x3FAC]  }
0x31: {  	[smem:$0x3FB5] =	sst s10  }
0x32: {  	s10 =	sld [smem:$0x3FB3];
	_ =	sdelay $0x3  }
0x33: {  	p0 =	seq.s32 s10, $0x1;
	s10 =	sld [smem:$0x3FB5];
	_ =	sdelay $0x3  }
0x34: {  	[smem:$0x3FB5] =	sst s10  }
0x35: {  	s10 =	sld [smem:$0x3FB4];
	_ =	sdelay $0x3  }
0x36: {  	p1 =	seq.s32 s10, $0x1;
	s10 =	sld [smem:$0x3FB5];
	_ =	sdelay $0x3  }
0x37: {  	[smem:$0x3FB5] =	sst s10  }
0x38: {  	s10 =	sld [smem:$0x3FB6]  }
0x39: {  	_ = 	snop;
	(pc) =	sbr.ind lr, $3  }
0x3a: {  	_ = 	snop  }
0x3b: {  	_ = 	snop  }
0x3c: {  	p2 =	seq.s32 s10, $0x1;
	s10 =	sld [smem:$0x3FB5]  }
0x3d: {  	_ =	shalt  }
0x3e: {  	_ =	shalt  }
0x3f: {  	_ =	shalt  }
0x40: {  	_ =	shalt  }
0x41: {  	_ =	shalt  }
0x42: {  	_ =	shalt  }
0x43: {  	_ =	shalt  }
0x44: {  	_ =	shalt  }
0x45: {  	_ =	shalt  }
0x46: {  	_ =	shalt  }
0x47: {  	_ =	shalt  }
0x48: {  	_ =	shalt  }
0x49: {  	_ =	shalt  }
0x4a: {  	_ =	shalt  }
0x4b: {  	_ =	shalt  }
0x4c: {  	_ =	shalt  }
0x4d: {  	_ =	shalt  }
0x4e: {  	_ =	shalt  }
0x4f: {  	_ =	shalt  }
0x50: {  	_ =	shalt  }
0x51: {  	_ =	shalt  }
0x52: {  	_ =	shalt  }
0x53: {  	_ =	shalt  }
0x54: {  	_ =	shalt  }
0x55: {  	_ =	shalt  }
0x56: {  	_ =	shalt  }
0x57: {  	_ =	shalt  }
0x58: {  	_ =	shalt  }
0x59: {  	_ =	shalt  }
0x5a: {  	_ =	shalt  }
0x5b: {  	_ =	shalt  }
0x5c: {  	_ =	shalt  }
0x5d: {  	_ =	shalt  }
0x5e: {  	_ =	shalt  }
0x5f: {  	_ =	shalt  }
0x60: {  	_ =	shalt  }
0x61: {  	_ =	shalt  }
0x62: {  	_ =	shalt  }
0x63: {  	_ =	shalt  }
0x64: {  	_ =	shalt  }
0x65: {  	_ =	shalt  }
0x66: {  	_ =	shalt  }
0x67: {  	_ =	shalt  }
0x68: {  	_ =	shalt  }
0x69: {  	_ =	shalt  }
0x6a: {  	_ =	shalt  }
0x6b: {  	_ =	shalt  }
0x6c: {  	_ =	shalt  }
0x6d: {  	_ =	shalt  }
0x6e: {  	_ =	shalt  }
0x6f: {  	_ =	shalt  }
0x70: {  	_ =	shalt  }
0x71: {  	_ =	shalt  }
0x72: {  	_ =	shalt  }
0x73: {  	_ =	shalt  }
0x74: {  	_ =	shalt  }
0x75: {  	_ =	shalt  }
0x76: {  	_ =	shalt  }
0x77: {  	_ =	shalt  }
0x78: {  	_ =	shalt  }
0x79: {  	_ =	shalt  }
0x7a: {  	_ =	shalt  }
0x7b: {  	_ =	shalt  }
0x7c: {  	_ =	shalt  }
0x7d: {  	_ =	shalt  }
0x7e: {  	_ =	shalt  }
0x7f: {  	_ =	shalt  }
0x80: {  	_ =	shalt  }
0x81: {  	_ =	shalt  }
0x82: {  	_ =	shalt  }
0x83: {  	_ =	shalt  }
0x84: {  	_ =	shalt  }
0x85: {  	_ =	shalt  }
0x86: {  	_ =	shalt  }
0x87: {  	_ =	shalt  }
.Lfunc_end0:
.L_simem_size_0:
called_computation.1_lowered:
.L_overlay_start_0:
0x88: {  	s2 =	sld [smem:$0x3FD9]  }
0x89: {  	s3 =	sld [smem:$0x3FFE];
	_ =	sdelay $0x1  }
0x8a: {  	s1 =	srdreg.scid  }
0x8b: {  	s0 =	sand.u32 $0x1, s1  }
0x8c: {  	s16 =	sshll.u32 s0, $0xA;
	s2 =	sadd.s32 s3, s2  }
0x8d: {  	s2 =	sadd.s32 s2, s16  }
0x8e: {  	[smem:$0x3FC1] =	sst s2  }
0x8f: {  	_ = 	snop  }
0x90: {  	(tm) =	ssettm $0x1  }
0x91: {  	s17 =	sld [smem:$0x3FFB];
	_ =	sdelay $0x3  }
0x92: {  	_ =	strace s17  }
0x93: {  	s2 =	sld [smem:$0x3FFC];
	_ =	sdelay $0x3  }
0x94: {  	_ =	strace s2  }
0x95: {  	s2 =	sld [smem:$0x3FFD];
	_ =	sdelay $0x3  }
0x96: {  	_ =	strace s2  }
0x97: {  	_ =	strace $0x8FFFFFFF  }
0x98: {  	s18 =	sld [smem:$0x3FDB];
	_ =	sdelay $0x1  }
0x99: {  	s19 =	simm.s32 $_scs_section_size  }
0x9a: {  	s4 =	simm.s32 $_size__tile_overlayer_lowered;
	s5 =	simm.s32 $_tile_overlayer_lowered  }
0x9b: {  	s22 =	simm.s32 $0x1BFF;
	s21 =	sshll.u32 s5, $0x1;
	s2 =	sadd.s32 s19, s18  }
0x9c: {  	s6 =	simm.s32 $0x0;
	s20 =	sshll.u32 s4, $0x1;
	s4 =	sadd.s32 s21, s2  }
0x9d: {  	[timem:s6], [sflag:s22] =	dma.local [hbm:s4], s20  }
0x9e: {  	_ =	swait.ge [sflag:s22], s20  }
0x9f: {  	s3 =	ssub.s32 $0x0, s20;
	[sflag:s22] =	ssyncset.done $0x0  }
0xa0: {  	[sflag:s22] =	ssyncadd.s32 s3;
	_ =	sdelay $0x1  }
0xa1: {  	s23 =	simm.s32 $0x1B8B  }
0xa2: {  	_ =	swait.ge [sflag:s23], $0x1  }
0xa3: {  	[sflag:s23] =	ssyncset.done $0x0  }
0xa4: {  	s25 =	simm.s32 $0x1B8E;
	s24 =	sld [smem:$0x3FFE];
	[sflag:s23] =	ssyncadd.s32 $0xFFFFFFFF  }
0xa5: {  	s26 =	simm.s32 $execute0_lowered;
	[smem:$0x3FD2] =	sst s25  }
0xa6: {  	s4 =	sshll.u32 s26, $0x1;
	_ =	strace $0x80000046;
	[dreg:$0x1] =	wrdreg $0xFFFFFFFF  }
0xa7: {  	s28 =	simm.s32 $_size_execute0_lowered;
	s2 =	sadd.s32 s2, s4;
	[dreg:$0x0] =	wrdreg $0x0  }
0xa8: {  	s4 =	sshll.u32 s28, $0x1;
	[dreg:$0x2] =	wrdreg s2  }
0xa9: {  	[dreg:$0x3] =	wrdreg s4  }
0xaa: {  	[dreg:$0x4] =	wrdreg $0xC0  }
0xab: {  	_ =	task [dreg:s6], $0x5FFFF  }
0xac: {  	[dreg:$0x1] =	wrdreg $0xFFFFFFFF  }
0xad: {  	[dreg:$0x0] =	wrdreg $0x60  }
0xae: {  	[dreg:$0x2] =	wrdreg s24  }
0xaf: {  	[dreg:$0x3] =	wrdreg $0x9  }
0xb0: {  	_ =	task.clear_ibuf [dreg:s6], $0x4FFFF;
	_ =	strace $0x90000046  }
0xb1: {  	s29 =	simm.s32 $0x9;
	_ =	strace $0x80000048  }
0xb2: {  	_ =	swait.ge [sflag:s29], $0x1  }
0xb3: {  	[sflag:s29] =	ssyncadd.s32 $0xFFFFFFFF  }
0xb4: {  	_ =	strace $0x90000048  }
0xb5: {  	_ =	sfence  }
0xb6: {  	s30 =	sld [smem:$0x0];
	_ =	sdelay $0x2  }
0xb7: {  	s31 =	sshll.u32 s1, $0xD;
	s1 =	sshrl.u32 s1, $0x2  }
0xb8: {  	s3 =	sand.u32 $0x4000, s31;
	s1 =	sadd.s32 s1, s30  }
0xb9: {  	s0 =	sor.u32 s3, s0;
	s1 =	sshll.u32 s1, $0x11  }
0xba: {  	s0 =	sor.u32 s1, s0  }
0xbb: {  	s0 =	sadd.s32 $0x8F2B, s0  }
0xbc: {  	[sflag:s0] =	ssyncadd.remote.s32 $0x1  }
0xbd: {  	_ =	sfence.sel $0xFFFF  }
0xbe: {  	[dreg:$0x0] =	wrdreg $0xFFFFFFFF;
	(pc) =	sbr.abs _section_cstart, $3  }
0xbf: {  	[dreg:$0x1] =	wrdreg $0xFFFFFFFF  }
0xc0: {  	_ =	task.clear_ibuf [dreg:s6], $0x2FFFF;
	_ =	strace $0x9FFFFFFF  }
0xc1: {  	(tm) =	ssettm $0x7FFFFFFF  }
tec
execute0_lowered:
.L_overlay_start_1:
0x0: {  	(tag) =	ssettag $0x1  }
0x1: {  	s1 =	srdreg.scid;
	s0 =	stileid.u32  }
0x2: {  	s4 =	rddreg [dreg:$0x0];
	s2 =	simm.s32 $0x0;
	s9 =	simm.s32 $0x2800  }
0x3: {  	s10 =	simm.s32 $0x5000;
	s3 =	sand.u32 $0x1, s1;
	s30 =	sshll.u32 s0, $0x1  }
0x4: {  	s11 =	simm.s32 $0x7800;
	s12 =	simm.s32 $0x80;
	s5 =	sor.u32 s3, s30  }
0x5: {  	s13 =	simm.s32 $0x100;
	s1 =	rddreg [dreg:$0x1];
	s6 =	smul.u32 $0x2800, s5  }
0x6: {  	[smem:$0x7FF] =	sst s2;
	s3 =	ssub.s32 $0x2, s3;
	s5 =	smul.u32 $0xA00, s5  }
0x7: {  	_ =	strace $0x80000047;
	s31 =	sshrl.u32 s3, $0x1;
	s6 =	sshrl.u32 s6, $0x3  }
0x8: {  	s8 =	ssub.s32 s3, s31;
	s7 =	sadd.s32 s5, s4;
	s6 =	sadd.s32 s6, s4  }
0x9: {  	s5 =	sadd.s32 $0x17800, s7;
	s3 =	sadd.s32 $0x3800, s6;
	s4 =	sadd.s32 $0xD800, s6  }
0xa: {  	v0 =	vimm.f32 $0.0e+00;
	v1 =	vimm.f32 $1.000000000e+00;
	s6 =	sadd.s32 $0x17810, s7;
	s7 =	smax.u32 s8, $0x1;
	s8 =	simm.s32 $0x1  }
.LBB2_1:
0xb: {  	s14 =	simm.s32 $0x40;
	s15 =	simm.s32 $0x0  }
.LBB2_2:
0xc: {  	p0 =	sne.s32 s14, $0x9FC0;
	[tilespmem:s15+$0x5000] =	vst v0;
	s16 =	smov.u32 s14;
	s14 =	sadd.s32 $0x40, s14  }
.Ltmp0:
0xd: {  	[tilespmem:s15+$0x7800] =	vst v0;
	(pc) =	sbr.rel @p0 .LBB2_2-.Ltmp0, $2  }
0xe: {  	_ =	sdelay $0x2  }
0xf: {  	s15 =	sshra.s32 s16, $0x2  }
0x10: {  	[tilespmem:s15+$0x5000] =	vst v0  }
0x11: {  	[tilespmem:s15+$0x7800] =	vst v0;
	s14 =	simm.s32 $0x0  }
0x12: {  	[tilespmem:s14], [sflag:$0x1] =	stream.linear.gather [hbm4b:s3+s14], $0x2800, $0x38;
	[tilespmem:$0xA000] =	vst v63  }
0x13: {  	_ =	swait.ge [sflag:s8], $0x2800  }
0x14: {  	[sflag:s8] =	ssyncset.done $0x0  }
0x15: {  	[sflag:s8] =	ssyncadd.s32 $0xFFFFD800  }
0x16: {  	[tilespmem:s9], [sflag:$0x1] =	stream.linear.gather [hbm4b:s4+s14], $0x2800, $0x38;
	[tilespmem:$0xA000] =	vst v63  }
0x17: {  	_ =	swait.ge [sflag:s8], $0x2800  }
0x18: {  	[sflag:s8] =	ssyncset.done $0x0  }
0x19: {  	[sflag:s8] =	ssyncadd.s32 $0xFFFFD800  }
.LBB2_4:
0x1a: {  	s15 =	sshra.s32 s14, $0x2  }
0x1b: {  	v2 =	vld [tilespmem:s15+$0x0];
	_ =	sdelay $0x7  }
0x1c: {  	[tilespmem:v2+s10+$0x0] =	vst.idx.add.f32.msk $0xffff, v1  }
0x1d: {  	v2 =	vld [tilespmem:s15+$0x2800];
	_ =	sdelay $0x7  }
0x1e: {  	[tilespmem:v2+s11+$0x0] =	vst.idx.add.f32.msk $0xffff, v1  }
0x1f: {  	v2 =	vld [tilespmem:s15+$0x10];
	_ =	sdelay $0x7  }
0x20: {  	[tilespmem:v2+s10+$0x0] =	vst.idx.add.f32.msk $0xffff, v1  }
0x21: {  	v2 =	vld [tilespmem:s15+$0x2810];
	_ =	sdelay $0x7  }
0x22: {  	[tilespmem:v2+s11+$0x0] =	vst.idx.add.f32.msk $0xffff, v1  }
0x23: {  	v2 =	vld [tilespmem:s15+$0x20];
	_ =	sdelay $0x7  }
0x24: {  	[tilespmem:v2+s10+$0x0] =	vst.idx.add.f32.msk $0xffff, v1  }
0x25: {  	v2 =	vld [tilespmem:s15+$0x2820];
	_ =	sdelay $0x7  }
0x26: {  	[tilespmem:v2+s11+$0x0] =	vst.idx.add.f32.msk $0xffff, v1  }
0x27: {  	v2 =	vld [tilespmem:s15+$0x30];
	_ =	sdelay $0x7  }
0x28: {  	[tilespmem:v2+s10+$0x0] =	vst.idx.add.f32.msk $0xffff, v1  }
0x29: {  	v2 =	vld [tilespmem:s15+$0x2830];
	_ =	sdelay $0x7  }
0x2a: {  	[tilespmem:v2+s11+$0x0] =	vst.idx.add.f32.msk $0xffff, v1  }
0x2b: {  	v2 =	vld [tilespmem:s15+$0x40];
	_ =	sdelay $0x7  }
0x2c: {  	[tilespmem:v2+s10+$0x0] =	vst.idx.add.f32.msk $0xffff, v1  }
0x2d: {  	v2 =	vld [tilespmem:s15+$0x2840];
	_ =	sdelay $0x7  }
0x2e: {  	[tilespmem:v2+s11+$0x0] =	vst.idx.add.f32.msk $0xffff, v1  }
0x2f: {  	v2 =	vld [tilespmem:s15+$0x50];
	_ =	sdelay $0x7  }
0x30: {  	[tilespmem:v2+s10+$0x0] =	vst.idx.add.f32.msk $0xffff, v1  }
0x31: {  	v2 =	vld [tilespmem:s15+$0x2850];
	_ =	sdelay $0x7  }
0x32: {  	[tilespmem:v2+s11+$0x0] =	vst.idx.add.f32.msk $0xffff, v1  }
0x33: {  	v2 =	vld [tilespmem:s15+$0x60];
	_ =	sdelay $0x7  }
0x34: {  	[tilespmem:v2+s10+$0x0] =	vst.idx.add.f32.msk $0xffff, v1  }
0x35: {  	v2 =	vld [tilespmem:s15+$0x2860];
	_ =	sdelay $0x7  }
0x36: {  	[tilespmem:v2+s11+$0x0] =	vst.idx.add.f32.msk $0xffff, v1  }
0x37: {  	v2 =	vld [tilespmem:s15+$0x70];
	_ =	sdelay $0x7  }
0x38: {  	[tilespmem:v2+s10+$0x0] =	vst.idx.add.f32.msk $0xffff, v1  }
0x39: {  	v2 =	vld [tilespmem:s15+$0x2870];
	_ =	sdelay $0x2  }
0x3a: {  	p0 =	sne.s32 s14, $0x9E00  }
.Ltmp1:
0x3b: {  	_ = 	snop;
	(pc) =	sbr.rel @p0 .LBB2_4-.Ltmp1, $2  }
0x3c: {  	_ =	sdelay $0x2  }
0x3d: {  	s14 =	sadd.s32 $0x200, s14;
	[tilespmem:v2+s11+$0x0] =	vst.idx.add.f32.msk $0xffff, v1  }
0x3e: {  	[hbm4b:s5+s12] =	stream.strided.scatter [tilespmem:s10], [sflag:$0x1], $0x2800, s13, s12, $0x38;
	[tilespmem:$0xA000] =	vst v63  }
0x3f: {  	s2 =	sadd.s32 $0x1, s2;
	_ =	swait.ge [sflag:s8], $0x2800  }
0x40: {  	p0 =	sne.s32 s2, s7;
	[sflag:s8] =	ssyncset.done $0x0  }
.Ltmp2:
0x41: {  	[sflag:s8] =	ssyncadd.s32 $0xFFFFD800;
	(pc) =	sbr.rel @p0 .LBB2_1-.Ltmp2, $4  }
0x42: {  	[hbm4b:s6+s12] =	stream.strided.scatter [tilespmem:s11], [sflag:$0x1], $0x2800, s13, s12, $0x38;
	[tilespmem:$0xA000] =	vst v63  }
0x43: {  	_ =	swait.ge [sflag:s8], $0x2800  }
0x44: {  	[sflag:s8] =	ssyncset.done $0x0  }
0x45: {  	[sflag:s8] =	ssyncadd.s32 $0xFFFFD800  }
0x46: {  	_ =	sfence.sel $0x180000  }
0x47: {  	[bflag:$0x0] =	sbarrier.arrive $0xFFFF  }
0x48: {  	p0 =	sne.s32 s0, $0x0;
	_ =	strace $0x90000047  }
0x49: {  	s0 =	sadd.s32 @!p0 $0x100000, s1;
	[bflag:$0x2] =	sbarrier.arrive $0xFFFF  }
0x4a: {  	[sflag:s0] =	ssyncadd.tile.s32 @!p0 $0x1;
	_ =	shalt  }
.Lfunc_end2:
_tile_overlayer_lowered:
.L_overlay_start_2:
0x4b: {  	(tag) =	ssettag $0x2  }
0x4c: {  	s0 =	rddreg [dreg:$0x0];
	s2 =	stileid.u32  }
0x4d: {  	s1 =	rddreg [dreg:$0x1];
	p0 =	sne.s32 s2, $0x0  }
0x4e: {  	s3 =	rddreg [dreg:$0x2];
	[bflag:$0x3] =	sbarrier.arrive $0xFFFF;
	s2 =	simm.s32 @!p0 $0x1C01  }
0x4f: {  	[timem:s3], [sflag:s2] =	dma.local @!p0 [hbm:s0], s1  }
0x50: {  	s0 =	simm.s32 @!p0 $0x1  }
0x51: {  	_ =	swait.ge @!p0 [sflag:s0], s1  }
0x52: {  	s1 =	ssub.s32 @!p0 $0x0, s1;
	[sflag:s0] =	ssyncset.done @!p0 $0x0  }
0x53: {  	[sflag:s0] =	ssyncadd.s32 @!p0 s1  }
0x54: {  	[bflag:$0x3] =	sbarrier.arrive $0xFFFF  }
0x55: {  	_ =	shalt  }

// kernel: kernel.13.cloned.1.call-start
scs
__scs_entry_jumppad:
0x0: {  	(pc) =	sbr.rel $0x88, $3  }
0x1: {  	(tag) =	ssettag $0x0;
	lr =	simm.s32 $0x1  }
0x2: {  	[smem:$0x3F9A] =	sst lr;
	_ =	strace $0xD0000000  }
0x3: {  	_ = 	snop  }
0x4: {  	_ = 	snop  }
0x5: {  	_ = 	snop  }
0x6: {  	_ = 	snop  }
0x7: {  	_ = 	snop  }
__scs_overlays_trampoline_lowered:
0x8: {  	[smem:$0x3FA9] =	sst s0  }
0x9: {  	[smem:$0x3FAA] =	sst s1  }
0xa: {  	[smem:$0x3FAB] =	sst s2  }
0xb: {  	[smem:$0x3FAC] =	sst s3  }
0xc: {  	[smem:$0x3FAD] =	sst s4  }
0xd: {  	[smem:$0x3FAE] =	sst s5  }
0xe: {  	[smem:$0x3FAF] =	sst s6  }
0xf: {  	[smem:$0x3FB0] =	sst s7  }
0x10: {  	[smem:$0x3FB1] =	sst s8  }
0x11: {  	[smem:$0x3FB2] =	sst s9;
	s0 =	simm.s32 @!p0 $0x0  }
0x12: {  	s1 =	sld [smem:$0x3F98];
	s0 =	simm.s32 @p0 $0x1  }
0x13: {  	[smem:$0x3FB3] =	sst s0;
	s0 =	simm.s32 @!p1 $0x0  }
0x14: {  	s2 =	sld [smem:$0x3F97];
	s0 =	simm.s32 @p1 $0x1  }
0x15: {  	[smem:$0x3FB4] =	sst s0;
	s0 =	simm.s32 @!p2 $0x0  }
0x16: {  	s3 =	sld [smem:$0x3FDB];
	s0 =	simm.s32 @p2 $0x1  }
0x17: {  	s4 =	simm.s32 $0x1BF5;
	[smem:$0x3FB6] =	sst s0  }
0x18: {  	s0 =	sld [smem:$0x3F99];
	_ =	swait.ge [sflag:s4], $0x0  }
0x19: {  	s7 =	sld [smem:$0x3F9A]  }
0x1a: {  	s8 =	sadd.s32 $0xFFFFE003, lr  }
0x1b: {  	s9 =	sadd.s32 $0xFFFFFEF7, lr;
	s5 =	simm.s32 $0xFFFFFFFF;
	p2 =	slt.u32 s8, $0xFFFFF086  }
0x1c: {  	p1 =	slt.u32 s9, $0xF7A;
	s5 =	simm.s32 @!p2 $0x0  }
0x1d: {  	s5 =	simm.s32 @p1 $0x1;
	p0 =	seq.s32 s7, s2  }
0x1e: {  	s7 =	smul.u32 @!p0 $0xF7A, s2;
	p2 =	seq.s32 @!p0 s5, $0x0  }
0x1f: {  	s9 =	smul.u32 $0xF7A, s1;
	s8 =	simm.s32 @!p0 $0x1BF5;
	p2 =	por !p2, p0  }
0x20: {  	[sflag:s8] =	ssyncset.s32 @!p0 $0xFFFFF086;
	s6 =	sadd.s32 @!p0 s3, s7;
	s7 =	simm.s32 @!p0 $0x108  }
0x21: {  	s3 =	sadd.s32 s3, s9;
	s6 =	sadd.s32 @!p0 $0x88, s6;
	s7 =	simm.s32 @p2 $0x1082  }
0x22: {  	[simem:s7], [sflag:s8] =	dma.local @!p0 [hbm:s6], $0xF7A  }
0x23: {  	s9 =	sor.u32 $0xD0000000, s2;
	s6 =	simm.s32 $0x108;
	_ =	swait.ge @!p0 [sflag:s8], $0x0  }
0x24: {  	s3 =	sadd.s32 $0x88, s3;
	s6 =	simm.s32 @!p1 $0x1082;
	[sflag:s4] =	ssyncset.s32 $0xFFFFF086  }
0x25: {  	[simem:s6], [sflag:s4] =	dma.local [hbm:s3], $0xF7A  }
0x26: {  	[smem:$0x3F9A] =	sst s1;
	(tag) =	ssettag s2;
	_ =	strace s9  }
0x27: {  	s1 =	sld [smem:$0x3FAA]  }
0x28: {  	s2 =	sld [smem:$0x3FAB]  }
0x29: {  	s4 =	sld [smem:$0x3FAD]  }
0x2a: {  	p0 =	seq.s32 s5, $0x0;
	s5 =	sld [smem:$0x3FAE]  }
0x2b: {  	s6 =	sld [smem:$0x3FAF]  }
0x2c: {  	s7 =	sld [smem:$0x3FB0]  }
0x2d: {  	s3 =	simm.s32 $0x108;
	s8 =	sld [smem:$0x3FB1]  }
0x2e: {  	s3 =	simm.s32 @!p0 $0x1082;
	s9 =	sld [smem:$0x3FB2]  }
0x2f: {  	lr =	sadd.s32 s0, s3;
	s0 =	sld [smem:$0x3FA9]  }
0x30: {  	s3 =	sld [smem:$0x3FAC]  }
0x31: {  	[smem:$0x3FB5] =	sst s10  }
0x32: {  	s10 =	sld [smem:$0x3FB3];
	_ =	sdelay $0x3  }
0x33: {  	p0 =	seq.s32 s10, $0x1;
	s10 =	sld [smem:$0x3FB5];
	_ =	sdelay $0x3  }
0x34: {  	[smem:$0x3FB5] =	sst s10  }
0x35: {  	s10 =	sld [smem:$0x3FB4];
	_ =	sdelay $0x3  }
0x36: {  	p1 =	seq.s32 s10, $0x1;
	s10 =	sld [smem:$0x3FB5];
	_ =	sdelay $0x3  }
0x37: {  	[smem:$0x3FB5] =	sst s10  }
0x38: {  	s10 =	sld [smem:$0x3FB6]  }
0x39: {  	_ = 	snop;
	(pc) =	sbr.ind lr, $3  }
0x3a: {  	_ = 	snop  }
0x3b: {  	_ = 	snop  }
0x3c: {  	p2 =	seq.s32 s10, $0x1;
	s10 =	sld [smem:$0x3FB5]  }
0x3d: {  	_ =	shalt  }
0x3e: {  	_ =	shalt  }
0x3f: {  	_ =	shalt  }
0x40: {  	_ =	shalt  }
0x41: {  	_ =	shalt  }
0x42: {  	_ =	shalt  }
0x43: {  	_ =	shalt  }
0x44: {  	_ =	shalt  }
0x45: {  	_ =	shalt  }
0x46: {  	_ =	shalt  }
0x47: {  	_ =	shalt  }
0x48: {  	_ =	shalt  }
0x49: {  	_ =	shalt  }
0x4a: {  	_ =	shalt  }
0x4b: {  	_ =	shalt  }
0x4c: {  	_ =	shalt  }
0x4d: {  	_ =	shalt  }
0x4e: {  	_ =	shalt  }
0x4f: {  	_ =	shalt  }
0x50: {  	_ =	shalt  }
0x51: {  	_ =	shalt  }
0x52: {  	_ =	shalt  }
0x53: {  	_ =	shalt  }
0x54: {  	_ =	shalt  }
0x55: {  	_ =	shalt  }
0x56: {  	_ =	shalt  }
0x57: {  	_ =	shalt  }
0x58: {  	_ =	shalt  }
0x59: {  	_ =	shalt  }
0x5a: {  	_ =	shalt  }
0x5b: {  	_ =	shalt  }
0x5c: {  	_ =	shalt  }
0x5d: {  	_ =	shalt  }
0x5e: {  	_ =	shalt  }
0x5f: {  	_ =	shalt  }
0x60: {  	_ =	shalt  }
0x61: {  	_ =	shalt  }
0x62: {  	_ =	shalt  }
0x63: {  	_ =	shalt  }
0x64: {  	_ =	shalt  }
0x65: {  	_ =	shalt  }
0x66: {  	_ =	shalt  }
0x67: {  	_ =	shalt  }
0x68: {  	_ =	shalt  }
0x69: {  	_ =	shalt  }
0x6a: {  	_ =	shalt  }
0x6b: {  	_ =	shalt  }
0x6c: {  	_ =	shalt  }
0x6d: {  	_ =	shalt  }
0x6e: {  	_ =	shalt  }
0x6f: {  	_ =	shalt  }
0x70: {  	_ =	shalt  }
0x71: {  	_ =	shalt  }
0x72: {  	_ =	shalt  }
0x73: {  	_ =	shalt  }
0x74: {  	_ =	shalt  }
0x75: {  	_ =	shalt  }
0x76: {  	_ =	shalt  }
0x77: {  	_ =	shalt  }
0x78: {  	_ =	shalt  }
0x79: {  	_ =	shalt  }
0x7a: {  	_ =	shalt  }
0x7b: {  	_ =	shalt  }
0x7c: {  	_ =	shalt  }
0x7d: {  	_ =	shalt  }
0x7e: {  	_ =	shalt  }
0x7f: {  	_ =	shalt  }
0x80: {  	_ =	shalt  }
0x81: {  	_ =	shalt  }
0x82: {  	_ =	shalt  }
0x83: {  	_ =	shalt  }
0x84: {  	_ =	shalt  }
0x85: {  	_ =	shalt  }
0x86: {  	_ =	shalt  }
0x87: {  	_ =	shalt  }
.Lfunc_end0:
.L_simem_size_0:
called_computation.2_lowered:
.L_overlay_start_0:
0x88: {  	s2 =	sld [smem:$0x3FD9]  }
0x89: {  	s3 =	sld [smem:$0x3FFE];
	_ =	sdelay $0x1  }
0x8a: {  	s1 =	srdreg.scid  }
0x8b: {  	s0 =	sand.u32 $0x1, s1  }
0x8c: {  	s17 =	sshll.u32 s0, $0xA;
	s2 =	sadd.s32 s3, s2  }
0x8d: {  	s2 =	sadd.s32 s2, s17  }
0x8e: {  	[smem:$0x3FC1] =	sst s2  }
0x8f: {  	_ = 	snop  }
0x90: {  	(tm) =	ssettm $0x1  }
0x91: {  	s18 =	sld [smem:$0x3FFB];
	_ =	sdelay $0x3  }
0x92: {  	_ =	strace s18  }
0x93: {  	s2 =	sld [smem:$0x3FFC];
	_ =	sdelay $0x3  }
0x94: {  	_ =	strace s2  }
0x95: {  	s2 =	sld [smem:$0x3FFD];
	_ =	sdelay $0x3  }
0x96: {  	_ =	strace s2  }
0x97: {  	_ =	strace $0x8FFFFFFF  }
0x98: {  	s19 =	sld [smem:$0x3FDB];
	_ =	sdelay $0x1  }
0x99: {  	s20 =	simm.s32 $_scs_section_size  }
0x9a: {  	s4 =	simm.s32 $_size__tile_overlayer_lowered;
	s5 =	simm.s32 $_tile_overlayer_lowered  }
0x9b: {  	s6 =	simm.s32 $0x1BFF;
	s21 =	sshll.u32 s5, $0x1;
	s3 =	sadd.s32 s20, s19  }
0x9c: {  	s22 =	simm.s32 $0x0;
	s4 =	sshll.u32 s4, $0x1;
	s5 =	sadd.s32 s21, s3  }
0x9d: {  	[timem:s22], [sflag:s6] =	dma.local [hbm:s5], s4  }
0x9e: {  	_ =	swait.ge [sflag:s6], s4  }
0x9f: {  	s4 =	ssub.s32 $0x0, s4;
	[sflag:s6] =	ssyncset.done $0x0  }
0xa0: {  	[sflag:s6] =	ssyncadd.s32 s4;
	_ =	sdelay $0x1  }
0xa1: {  	s23 =	simm.s32 $0x1B8B  }
0xa2: {  	_ =	swait.ge [sflag:s23], $0x1  }
0xa3: {  	[sflag:s23] =	ssyncset.done $0x0  }
0xa4: {  	[sflag:s23] =	ssyncadd.s32 $0xFFFFFFFF  }
0xa5: {  	s4 =	sld [smem:$0x0]  }
0xa6: {  	s5 =	sand.u32 $0xFFFFFFFE, s1  }
0xa7: {  	p0 =	sne.s32 s1, s5  }
0xa8: {  	s5 =	sshll.u32 @p0 s5, $0xE  }
0xa9: {  	s5 =	sadd.s32 @p0 $0x11B8D, s5;
	s6 =	sshll.u32 @p0 s4, $0x11  }
0xaa: {  	s5 =	sor.u32 @p0 s6, s5  }
0xab: {  	[sflag:s5] =	ssyncadd.remote.s32 @p0 $0x1;
	_ =	sdelay $0x1  }
0xac: {  	s5 =	simm.s32 @p0 $0x1B8D  }
0xad: {  	_ =	swait.eq @p0 [sflag:s5], $0x1  }
0xae: {  	[sflag:s5] =	ssyncadd.s32 @p0 $0xFFFFFFFF  }
0xaf: {  	s6 =	sshll.u32 @!p0 s1, $0xE  }
0xb0: {  	s6 =	sor.u32 @!p0 $0x4000, s6;
	s5 =	simm.s32 @!p0 $0x1B8D  }
0xb1: {  	s4 =	sshll.u32 @!p0 s4, $0x11;
	s6 =	sadd.s32 @!p0 $0x11B8D, s6;
	_ =	swait.eq @!p0 [sflag:s5], $0x1  }
0xb2: {  	s4 =	sor.u32 @!p0 s4, s6;
	[sflag:s5] =	ssyncadd.s32 @!p0 $0xFFFFFFFF  }
0xb3: {  	s25 =	simm.s32 $0x1B8E;
	s24 =	sld [smem:$0x3FFE];
	[sflag:s4] =	ssyncadd.remote.s32 @!p0 $0x1  }
0xb4: {  	s26 =	simm.s32 $execute0_lowered;
	[smem:$0x3FD2] =	sst s25  }
0xb5: {  	s5 =	sshll.u32 s26, $0x1;
	_ =	strace $0x80000049;
	[dreg:$0x1] =	wrdreg $0xFFFFFFFF  }
0xb6: {  	s28 =	simm.s32 $_size_execute0_lowered;
	s3 =	sadd.s32 s3, s5;
	[dreg:$0x0] =	wrdreg $0x0  }
0xb7: {  	s5 =	sshll.u32 s28, $0x1;
	[dreg:$0x2] =	wrdreg s3  }
0xb8: {  	[dreg:$0x3] =	wrdreg s5  }
0xb9: {  	[dreg:$0x4] =	wrdreg $0xC0  }
0xba: {  	_ =	task [dreg:s22], $0x5FFFF  }
0xbb: {  	[dreg:$0x1] =	wrdreg $0xFFFFFFFF  }
0xbc: {  	[dreg:$0x0] =	wrdreg $0x60  }
0xbd: {  	[dreg:$0x2] =	wrdreg s24  }
0xbe: {  	[dreg:$0x3] =	wrdreg $0xA  }
0xbf: {  	_ =	task.clear_ibuf [dreg:s22], $0x4FFFF;
	_ =	strace $0x90000049  }
0xc0: {  	s29 =	simm.s32 $0xA;
	_ =	strace $0x8000004B  }
0xc1: {  	_ =	swait.ge [sflag:s29], $0x1  }
0xc2: {  	[sflag:s29] =	ssyncadd.s32 $0xFFFFFFFF  }
0xc3: {  	_ =	strace $0x9000004B  }
0xc4: {  	_ =	sfence  }
0xc5: {  	s30 =	sld [smem:$0x0];
	_ =	sdelay $0x2  }
0xc6: {  	s31 =	sshll.u32 s1, $0xD;
	s1 =	sshrl.u32 s1, $0x2  }
0xc7: {  	s4 =	sand.u32 $0x4000, s31;
	s1 =	sadd.s32 s1, s30  }
0xc8: {  	s0 =	sor.u32 s4, s0;
	s1 =	sshll.u32 s1, $0x11  }
0xc9: {  	s0 =	sor.u32 s1, s0  }
0xca: {  	s0 =	sadd.s32 $0x8F2B, s0  }
0xcb: {  	[sflag:s0] =	ssyncadd.remote.s32 $0x1  }
0xcc: {  	_ =	sfence.sel $0xFFFF  }
0xcd: {  	[dreg:$0x0] =	wrdreg $0xFFFFFFFF;
	(pc) =	sbr.abs _section_cstart, $3  }
0xce: {  	[dreg:$0x1] =	wrdreg $0xFFFFFFFF  }
0xcf: {  	_ =	task.clear_ibuf [dreg:s22], $0x2FFFF;
	_ =	strace $0x9FFFFFFF  }
0xd0: {  	(tm) =	ssettm $0x7FFFFFFF  }
0xd1: {  	_ =	shalt  }
tec
execute0_lowered:
.L_overlay_start_1:
0x0: {  	(tag) =	ssettag $0x1  }
0x1: {  	s1 =	srdreg.scid;
	s0 =	stileid.u32  }
0x2: {  	s4 =	rddreg [dreg:$0x0];
	s2 =	simm.s32 $0x0;
	s9 =	simm.s32 $0x1400  }
0x3: {  	s10 =	simm.s32 $0x2800;
	s3 =	sand.u32 $0x1, s1;
	s30 =	sshll.u32 s0, $0x1  }
0x4: {  	s11 =	simm.s32 $0x5000;
	s12 =	simm.s32 $0x80;
	s5 =	sor.u32 s3, s30  }
0x5: {  	s13 =	simm.s32 $0x100;
	s1 =	rddreg [dreg:$0x1];
	s6 =	smul.u32 $0x1400, s5  }
0x6: {  	[smem:$0x7FF] =	sst s2;
	s3 =	ssub.s32 $0x2, s3;
	s5 =	smul.u32 $0xA00, s5  }
0x7: {  	_ =	strace $0x8000004A;
	s31 =	sshrl.u32 s3, $0x1;
	s6 =	sshrl.u32 s6, $0x3  }
0x8: {  	s8 =	ssub.s32 s3, s31;
	s7 =	sadd.s32 s5, s4;
	s6 =	sadd.s32 s6, s4  }
0x9: {  	s5 =	sadd.s32 $0x35800, s7;
	s3 =	sadd.s32 $0x2B800, s6;
	s4 =	sadd.s32 $0x30800, s6  }
0xa: {  	v0 =	vimm.f32 $0.0e+00;
	v1 =	vimm.f32 $1.000000000e+00;
	s6 =	sadd.s32 $0x35810, s7;
	s7 =	smax.u32 s8, $0x1;
	s8 =	simm.s32 $0x1  }
.LBB2_1:
0xb: {  	s14 =	simm.s32 $0x40;
	s15 =	simm.s32 $0x0  }
.LBB2_2:
0xc: {  	p0 =	sne.s32 s14, $0x9FC0;
	[tilespmem:s15+$0x2800] =	vst v0;
	s16 =	smov.u32 s14;
	s14 =	sadd.s32 $0x40, s14  }
.Ltmp0:
0xd: {  	[tilespmem:s15+$0x5000] =	vst v0;
	(pc) =	sbr.rel @p0 .LBB2_2-.Ltmp0, $2  }
0xe: {  	_ =	sdelay $0x2  }
0xf: {  	s15 =	sshra.s32 s16, $0x2  }
0x10: {  	[tilespmem:s15+$0x2800] =	vst v0  }
0x11: {  	[tilespmem:s15+$0x5000] =	vst v0;
	s14 =	simm.s32 $0x0  }
0x12: {  	[tilespmem:s14], [sflag:$0x1] =	stream.linear.gather [hbm4b:s3+s14], $0x1400, $0x38;
	[tilespmem:$0x7800] =	vst v63  }
0x13: {  	_ =	swait.ge [sflag:s8], $0x1400  }
0x14: {  	[sflag:s8] =	ssyncset.done $0x0  }
0x15: {  	[sflag:s8] =	ssyncadd.s32 $0xFFFFEC00  }
0x16: {  	[tilespmem:s9], [sflag:$0x1] =	stream.linear.gather [hbm4b:s4+s14], $0x1400, $0x38;
	[tilespmem:$0x7800] =	vst v63  }
0x17: {  	_ =	swait.ge [sflag:s8], $0x1400  }
0x18: {  	[sflag:s8] =	ssyncset.done $0x0  }
0x19: {  	[sflag:s8] =	ssyncadd.s32 $0xFFFFEC00  }
.LBB2_4:
0x1a: {  	s15 =	sshra.s32 s14, $0x2  }
0x1b: {  	v2 =	vld [tilespmem:s15+$0x0];
	_ =	sdelay $0x7  }
0x1c: {  	[tilespmem:v2+s10+$0x0] =	vst.idx.add.f32.msk $0xffff, v1  }
0x1d: {  	v2 =	vld [tilespmem:s15+$0x1400];
	_ =	sdelay $0x7  }
0x1e: {  	[tilespmem:v2+s11+$0x0] =	vst.idx.add.f32.msk $0xffff, v1  }
0x1f: {  	v2 =	vld [tilespmem:s15+$0x10];
	_ =	sdelay $0x7  }
0x20: {  	[tilespmem:v2+s10+$0x0] =	vst.idx.add.f32.msk $0xffff, v1  }
0x21: {  	v2 =	vld [tilespmem:s15+$0x1410];
	_ =	sdelay $0x7  }
0x22: {  	[tilespmem:v2+s11+$0x0] =	vst.idx.add.f32.msk $0xffff, v1  }
0x23: {  	v2 =	vld [tilespmem:s15+$0x20];
	_ =	sdelay $0x7  }
0x24: {  	[tilespmem:v2+s10+$0x0] =	vst.idx.add.f32.msk $0xffff, v1  }
0x25: {  	v2 =	vld [tilespmem:s15+$0x1420];
	_ =	sdelay $0x7  }
0x26: {  	[tilespmem:v2+s11+$0x0] =	vst.idx.add.f32.msk $0xffff, v1  }
0x27: {  	v2 =	vld [tilespmem:s15+$0x30];
	_ =	sdelay $0x7  }
0x28: {  	[tilespmem:v2+s10+$0x0] =	vst.idx.add.f32.msk $0xffff, v1  }
0x29: {  	v2 =	vld [tilespmem:s15+$0x1430];
	_ =	sdelay $0x7  }
0x2a: {  	[tilespmem:v2+s11+$0x0] =	vst.idx.add.f32.msk $0xffff, v1  }
0x2b: {  	v2 =	vld [tilespmem:s15+$0x40];
	_ =	sdelay $0x7  }
0x2c: {  	[tilespmem:v2+s10+$0x0] =	vst.idx.add.f32.msk $0xffff, v1  }
0x2d: {  	v2 =	vld [tilespmem:s15+$0x1440];
	_ =	sdelay $0x7  }
0x2e: {  	[tilespmem:v2+s11+$0x0] =	vst.idx.add.f32.msk $0xffff, v1  }
0x2f: {  	v2 =	vld [tilespmem:s15+$0x50];
	_ =	sdelay $0x7  }
0x30: {  	[tilespmem:v2+s10+$0x0] =	vst.idx.add.f32.msk $0xffff, v1  }
0x31: {  	v2 =	vld [tilespmem:s15+$0x1450];
	_ =	sdelay $0x7  }
0x32: {  	[tilespmem:v2+s11+$0x0] =	vst.idx.add.f32.msk $0xffff, v1  }
0x33: {  	v2 =	vld [tilespmem:s15+$0x60];
	_ =	sdelay $0x7  }
0x34: {  	[tilespmem:v2+s10+$0x0] =	vst.idx.add.f32.msk $0xffff, v1  }
0x35: {  	v2 =	vld [tilespmem:s15+$0x1460];
	_ =	sdelay $0x7  }
0x36: {  	[tilespmem:v2+s11+$0x0] =	vst.idx.add.f32.msk $0xffff, v1  }
0x37: {  	v2 =	vld [tilespmem:s15+$0x70];
	_ =	sdelay $0x7  }
0x38: {  	[tilespmem:v2+s10+$0x0] =	vst.idx.add.f32.msk $0xffff, v1  }
0x39: {  	v2 =	vld [tilespmem:s15+$0x1470];
	_ =	sdelay $0x2  }
0x3a: {  	p0 =	sne.s32 s14, $0x4E00  }
.Ltmp1:
0x3b: {  	_ = 	snop;
	(pc) =	sbr.rel @p0 .LBB2_4-.Ltmp1, $2  }
0x3c: {  	_ =	sdelay $0x2  }
0x3d: {  	s14 =	sadd.s32 $0x200, s14;
	[tilespmem:v2+s11+$0x0] =	vst.idx.add.f32.msk $0xffff, v1  }
0x3e: {  	[hbm4b:s5+s12] =	stream.strided.scatter [tilespmem:s10], [sflag:$0x1], $0x2800, s13, s12, $0x38;
	[tilespmem:$0x7800] =	vst v63  }
0x3f: {  	s2 =	sadd.s32 $0x1, s2;
	_ =	swait.ge [sflag:s8], $0x2800  }
0x40: {  	p0 =	sne.s32 s2, s7;
	[sflag:s8] =	ssyncset.done $0x0  }
.Ltmp2:
0x41: {  	[sflag:s8] =	ssyncadd.s32 $0xFFFFD800;
	(pc) =	sbr.rel @p0 .LBB2_1-.Ltmp2, $4  }
0x42: {  	[hbm4b:s6+s12] =	stream.strided.scatter [tilespmem:s11], [sflag:$0x1], $0x2800, s13, s12, $0x38;
	[tilespmem:$0x7800] =	vst v63  }
0x43: {  	_ =	swait.ge [sflag:s8], $0x2800  }
0x44: {  	[sflag:s8] =	ssyncset.done $0x0  }
0x45: {  	[sflag:s8] =	ssyncadd.s32 $0xFFFFD800  }
0x46: {  	_ =	sfence.sel $0x180000  }
0x47: {  	[bflag:$0x0] =	sbarrier.arrive $0xFFFF  }
0x48: {  	p0 =	sne.s32 s0, $0x0;
	_ =	strace $0x9000004A  }
0x49: {  	s0 =	sadd.s32 @!p0 $0x100000, s1;
	[bflag:$0x2] =	sbarrier.arrive $0xFFFF  }
0x4a: {  	[sflag:s0] =	ssyncadd.tile.s32 @!p0 $0x1;
	_ =	shalt  }
.Lfunc_end2:
_tile_overlayer_lowered:
.L_overlay_start_2:
0x4b: {  	(tag) =	ssettag $0x2  }
0x4c: {  	s0 =	rddreg [dreg:$0x0];
	s2 =	stileid.u32  }
0x4d: {  	s1 =	rddreg [dreg:$0x1];
	p0 =	sne.s32 s2, $0x0  }
0x4e: {  	s3 =	rddreg [dreg:$0x2];
	[bflag:$0x3] =	sbarrier.arrive $0xFFFF;
	s2 =	simm.s32 @!p0 $0x1C01  }
0x4f: {  	[timem:s3], [sflag:s2] =	dma.local @!p0 [hbm:s0], s1  }
0x50: {  	s0 =	simm.s32 @!p0 $0x1  }
0x51: {  	_ =	swait.ge @!p0 [sflag:s0], s1  }
0x52: {  	s1 =	ssub.s32 @!p0 $0x0, s1;
	[sflag:s0] =	ssyncset.done @!p0 $0x0  }
0x53: {  	[sflag:s0] =	ssyncadd.s32 @!p0 s1  }
0x54: {  	[bflag:$0x3] =	sbarrier.arrive $0xFFFF  }
0x55: {  	_ =	shalt  }

</sc_bundles>
